<compile_context>
chip_gen: v7x
topology: tpu7x:2x2x1
jax: 0.10.2.dev20260603
libtpu: 0.0.44.dev20260713+nightly
codegen_flags: <defaults>
</compile_context>

<pallas_src>
import jax
import jax.numpy as jnp
from jax import lax
from jax.experimental import pallas as pl
from jax.experimental.pallas import tpu as pltpu
from jax.experimental.pallas import tpu_sc as plsc

NC = 2
NS = 16
L = 16
NW = NC * NS

B = 16384
D = 256
W2 = D // 2
NA = 32
NR = 2 * NA
E = 128
BPW = B // NW
NCHUNK = BPW // E
NBW = W2 // L
EP = E // 2


def _body(idx0, idx1, tbl, bias, w, outb, out,
          i0, i1, rows, pbuf, bias_v, w_v, outb_v, outc,
          semA, semB):
    wid = lax.axis_index("s") * NC + lax.axis_index("c")

    pltpu.sync_copy(bias, bias_v)
    pltpu.sync_copy(w, w_v)
    pltpu.sync_copy(outb, outb_v)

    lane = lax.iota(jnp.int32, L)

    def fire(ep, par, sem, idx):
        pltpu.async_copy(tbl.at[idx.at[ep]], rows.at[par], sem)

    def drain(par, sem):
        pltpu.make_async_copy(tbl.at[i0.at[0]], rows.at[par], sem).wait()

    def reduce_elem(par, sub, half, p):
        def rbody(r, ss):
            return tuple(
                ss[m] + plsc.bitcast(rows[par, r, pl.ds(m * L, L)],
                                     jnp.bfloat16)
                for m in range(NBW))

        ss = tuple(jnp.zeros((2 * L,), jnp.bfloat16) for _ in range(NBW))
        ss = lax.fori_loop(sub * NR, sub * NR + NR, rbody, ss)
        for m in range(NBW):
            lo, hi = plsc.unpack(ss[m], format=plsc.PackFormat.INTERLEAVED,
                                 preferred_element_type=jnp.float32)
            hA = jnp.clip(lo + bias_v[pl.ds(m * L, L)], 0.0, 1.0)
            hB = jnp.clip(hi + bias_v[pl.ds(W2 + m * L, L)], 0.0, 1.0)
            p = p + hA * w_v[pl.ds(half * D + m * L, L)]
            p = p + hB * w_v[pl.ds(half * D + W2 + m * L, L)]
        return p

    def hsum(v):
        for k in (8, 4, 2, 1):
            v = v + v.at[lane ^ k].get(mode="promise_in_bounds")
        return v

    def chunk_body(ci, carry):
        base = wid * BPW + ci * E
        pbase = pl.multiple_of(base // 2, 64)

        pltpu.sync_copy(idx0.at[pl.ds(pbase, EP), :], i0)
        pltpu.sync_copy(idx1.at[pl.ds(pbase, EP), :], i1)

        fire(0, 0, semA, i0)

        def kbody(ep, c):
            fire(ep, 1, semB, i1)
            drain(0, semA)
            zero = jnp.zeros((L,), jnp.float32)
            pA = reduce_elem(0, 0, 0, zero)
            pB = reduce_elem(0, 1, 0, zero)

            @pl.when(ep < EP - 1)
            def _():
                fire(ep + 1, 0, semA, i0)

            drain(1, semB)
            pA = reduce_elem(1, 0, 1, pA)
            pB = reduce_elem(1, 1, 1, pB)
            pbuf[2 * ep, :] = pA
            pbuf[2 * ep + 1, :] = pB
            return c

        lax.fori_loop(0, EP, kbody, 0)

        def gbody(gi, c):
            res = jnp.zeros((L,), jnp.float32)
            for l in range(L):
                pv = pbuf[gi * L + l, :]
                res = jnp.where(lane == l, hsum(pv), res)
            y = 1.0 / (1.0 + jnp.exp(-(res + outb_v[...])))
            outc[pl.ds(gi * L, L)] = y
            return c

        lax.fori_loop(0, E // L, gbody, 0)

        pltpu.sync_copy(outc, out.at[pl.ds(base, E)])
        return carry

    lax.fori_loop(0, NCHUNK, chunk_body, 0)


def _deinterleave(v):
    return jnp.concatenate(
        [v.reshape(NBW, L, 2)[:, :, 0].reshape(-1),
         v.reshape(NBW, L, 2)[:, :, 1].reshape(-1)])


def _pack(tbl):
    v, d = tbl.shape
    b = tbl.astype(jnp.bfloat16).reshape(v, d // 2, 2)
    return lax.bitcast_convert_type(b, jnp.int32)


def kernel(stm_idx, nstm_idx, f_stm_idx, f_nstm_idx,
           ft_kernel, ft_bias, fft_kernel, fft_bias, out_kernel, out_bias):
    mesh = plsc.VectorSubcoreMesh(core_axis_name="c", subcore_axis_name="s",
                                  num_cores=NC, num_subcores=NS)
    run = pl.kernel(
        _body,
        out_type=jax.ShapeDtypeStruct((B,), jnp.float32),
        mesh=mesh,
        compiler_params=pltpu.CompilerParams(needs_layout_passes=False),
        scratch_types=[
            pltpu.VMEM((EP, 2 * NR), jnp.int32),
            pltpu.VMEM((EP, 2 * NR), jnp.int32),
            pltpu.VMEM((2, 2 * NR, W2), jnp.int32),
            pltpu.VMEM((E, L), jnp.float32),
            pltpu.VMEM((D,), jnp.float32),
            pltpu.VMEM((2 * D,), jnp.float32),
            pltpu.VMEM((L,), jnp.float32),
            pltpu.VMEM((E,), jnp.float32),
            pltpu.SemaphoreType.DMA,
            pltpu.SemaphoreType.DMA,
        ],
    )
    nbig = ft_kernel.shape[0]
    tbl = jnp.concatenate([_pack(ft_kernel), _pack(fft_kernel)])
    idx0 = jnp.concatenate([stm_idx, f_stm_idx + nbig],
                           axis=1).reshape(B // 2, 2 * NR)
    idx1 = jnp.concatenate([nstm_idx, f_nstm_idx + nbig],
                           axis=1).reshape(B // 2, 2 * NR)
    bias01 = _deinterleave(ft_bias + fft_bias)
    w0 = _deinterleave(out_kernel[:D, 0])
    w1 = _deinterleave(out_kernel[D:, 0])
    wvec = jnp.concatenate([w0, w1])
    outb = jnp.broadcast_to(out_bias, (L,))
    y = run(idx0, idx1, tbl, bias01, wvec, outb)
    return y.reshape(B, 1)

# --- scband reference (transcript-rebuilt; emitter-appended) ---
"""Pipeline reference for scband-nn-basic-77318001263141 (READ-ONLY COPY).

The authoritative reference and input builder live on the scoring server;
editing this copy changes nothing except your own understanding.
"""

import jax, jax.numpy as jnp
import numpy as np

B = 16384
FT_OUT = 256
N_ACTIVE = 32
FT_VOCAB = 40960
FFT_VOCAB = 640


def setup_inputs(seed: int = 0) -> dict:
    key = jax.random.key(seed)
    ks = jax.random.split(key, 10)
    stm_idx = jax.random.randint(ks[0], (B, N_ACTIVE), 0, FT_VOCAB, dtype=jnp.int64 if jax.config.jax_enable_x64 else jnp.int32).astype(jnp.int32)
    nstm_idx = jax.random.randint(ks[1], (B, N_ACTIVE), 0, FT_VOCAB).astype(jnp.int32)
    f_stm_idx = jax.random.randint(ks[2], (B, N_ACTIVE), 0, FFT_VOCAB).astype(jnp.int32)
    f_nstm_idx = jax.random.randint(ks[3], (B, N_ACTIVE), 0, FFT_VOCAB).astype(jnp.int32)
    ft_kernel = jax.random.normal(ks[4], (FT_VOCAB, FT_OUT), dtype=jnp.float32) * 0.01
    ft_bias = jax.random.normal(ks[5], (FT_OUT,), dtype=jnp.float32) * 0.01
    fft_kernel = jax.random.normal(ks[6], (FFT_VOCAB, FT_OUT), dtype=jnp.float32) * 0.01
    fft_bias = jax.random.normal(ks[7], (FT_OUT,), dtype=jnp.float32) * 0.01
    out_kernel = jax.random.normal(ks[8], (FT_OUT * 2, 1), dtype=jnp.float32) * 0.05
    out_bias = jax.random.normal(ks[9], (1,), dtype=jnp.float32) * 0.05
    return {
        'stm_idx': stm_idx, 'nstm_idx': nstm_idx,
        'f_stm_idx': f_stm_idx, 'f_nstm_idx': f_nstm_idx,
        'ft_kernel': ft_kernel, 'ft_bias': ft_bias,
        'fft_kernel': fft_kernel, 'fft_bias': fft_bias,
        'out_kernel': out_kernel, 'out_bias': out_bias,
    }


def reference(stm_idx, nstm_idx, f_stm_idx, f_nstm_idx,
              ft_kernel, ft_bias, fft_kernel, fft_bias, out_kernel, out_bias):
    # Sparse binary multi-hot boards -> sparse_dense_matmul == gather rows + sum
    def ft(idx):
        return jnp.take(ft_kernel, idx, axis=0).sum(axis=1) + ft_bias

    def fft(idx):
        return jnp.take(fft_kernel, idx, axis=0).sum(axis=1) + fft_bias

    stm_ft = ft(stm_idx)
    nstm_ft = ft(nstm_idx)
    f_stm_ft = fft(f_stm_idx)
    f_nstm_ft = fft(f_nstm_idx)
    merge = jnp.concatenate((stm_ft, nstm_ft), axis=1) + jnp.concatenate((f_stm_ft, f_nstm_ft), axis=1)
    # ReLU with max_value=1.0 -> clip to [0, 1]
    h = jnp.clip(merge, 0.0, 1.0)
    return jax.nn.sigmoid(h @ out_kernel + out_bias)

if __name__ == "__main__":
    import jax
    _d = setup_inputs()
    print(jax.jit(kernel)(*tuple(_d.values())))

</pallas_src>

<mosaic_0001>
#map = affine_map<(d0, d1) -> (0, 0)>
#map1 = affine_map<(d0, d1) -> (0)>
module attributes {stable_mosaic.version = 14 : i64} {
  func.func @_body(%arg0: i32, %arg1: i32, %arg2: memref<8192x128xi32, #tpu.memory_space<hbm>>, %arg3: memref<8192x128xi32, #tpu.memory_space<hbm>>, %arg4: memref<41600x128xi32, #tpu.memory_space<hbm>>, %arg5: memref<256xf32, #tpu.memory_space<hbm>>, %arg6: memref<512xf32, #tpu.memory_space<hbm>>, %arg7: memref<16xf32, #tpu.memory_space<hbm>>, %arg8: memref<16384xf32, #tpu.memory_space<hbm>>, %arg9: memref<64x128xi32, #tpu.memory_space<vmem>>, %arg10: memref<64x128xi32, #tpu.memory_space<vmem>>, %arg11: memref<2x128x128xi32, #tpu.memory_space<vmem>>, %arg12: memref<128x16xf32, #tpu.memory_space<vmem>>, %arg13: memref<256xf32, #tpu.memory_space<vmem>>, %arg14: memref<512xf32, #tpu.memory_space<vmem>>, %arg15: memref<16xf32, #tpu.memory_space<vmem>>, %arg16: memref<128xf32, #tpu.memory_space<vmem>>, %arg17: memref<!tpu.dma_semaphore, #tpu.memory_space<semaphore_mem>>, %arg18: memref<!tpu.dma_semaphore, #tpu.memory_space<semaphore_mem>>) attributes {dimension_semantics = [#tpu.dimension_semantics<core_parallel>, #tpu.dimension_semantics<subcore_parallel>], iteration_bounds = array<i64: 2, 16>, scalar_prefetch = 0 : i64, scratch_operands = 10 : i64, tpu.core_type = #tpu.core_type<sc_vector_subcore>, window_params = [{transform_indices = #map}, {transform_indices = #map}, {transform_indices = #map}, {transform_indices = #map1}, {transform_indices = #map1}, {transform_indices = #map1}, {transform_indices = #map1}]} {
    %mul3A = arith.constant 2 : i32
    %mul3A_0 = arith.muli %arg1, %mul3A : i32
    %add3A = arith.addi %mul3A_0, %arg0 : i32
    "tpu.region"() ({
      %run_scoped3A = tpu.sem_alloc : memref<!tpu.dma_semaphore, #tpu.memory_space<semaphore_mem>>
      tpu.enqueue_dma source(%arg5 : memref<256xf32, #tpu.memory_space<hbm>>) target(%arg13 : memref<256xf32, #tpu.memory_space<vmem>>) target_semaphore(%run_scoped3A : memref<!tpu.dma_semaphore, #tpu.memory_space<semaphore_mem>>)
      tpu.wait_dma2 semaphore(%run_scoped3A : memref<!tpu.dma_semaphore, #tpu.memory_space<semaphore_mem>>) src(%arg5 : memref<256xf32, #tpu.memory_space<hbm>>) dst(%arg13 : memref<256xf32, #tpu.memory_space<vmem>>)
      tpu.yield
    }) : () -> ()
    "tpu.region"() ({
      %run_scoped3A = tpu.sem_alloc : memref<!tpu.dma_semaphore, #tpu.memory_space<semaphore_mem>>
      tpu.enqueue_dma source(%arg6 : memref<512xf32, #tpu.memory_space<hbm>>) target(%arg14 : memref<512xf32, #tpu.memory_space<vmem>>) target_semaphore(%run_scoped3A : memref<!tpu.dma_semaphore, #tpu.memory_space<semaphore_mem>>)
      tpu.wait_dma2 semaphore(%run_scoped3A : memref<!tpu.dma_semaphore, #tpu.memory_space<semaphore_mem>>) src(%arg6 : memref<512xf32, #tpu.memory_space<hbm>>) dst(%arg14 : memref<512xf32, #tpu.memory_space<vmem>>)
      tpu.yield
    }) : () -> ()
    "tpu.region"() ({
      %run_scoped3A = tpu.sem_alloc : memref<!tpu.dma_semaphore, #tpu.memory_space<semaphore_mem>>
      tpu.enqueue_dma source(%arg7 : memref<16xf32, #tpu.memory_space<hbm>>) target(%arg15 : memref<16xf32, #tpu.memory_space<vmem>>) target_semaphore(%run_scoped3A : memref<!tpu.dma_semaphore, #tpu.memory_space<semaphore_mem>>)
      tpu.wait_dma2 semaphore(%run_scoped3A : memref<!tpu.dma_semaphore, #tpu.memory_space<semaphore_mem>>) src(%arg7 : memref<16xf32, #tpu.memory_space<hbm>>) dst(%arg15 : memref<16xf32, #tpu.memory_space<vmem>>)
      tpu.yield
    }) : () -> ()
    %iota3A = tpu.iota {dimensions = array<i32: 0>} : vector<16xi32>
    %scan3A = arith.constant 0 : i32
    %scan3A_1 = arith.constant 0 : i32
    %scan3A_2 = arith.constant 4 : i32
    %scan3A_3 = arith.addi %scan3A_1, %scan3A_2 : i32
    %scan3A_4 = arith.constant 1 : i32
    scf.for %scan3A_6 = %scan3A_1 to %scan3A_3 step %scan3A_4  : i32 {
      %mul3A_7 = arith.constant 512 : i32
      %mul3A_8 = arith.muli %add3A, %mul3A_7 : i32
      %mul3A_9 = arith.constant 128 : i32
      %mul3A_10 = arith.muli %scan3A_6, %mul3A_9 : i32
      %add3A_11 = arith.addi %mul3A_8, %mul3A_10 : i32
      %jit3A = arith.constant 2 : i32
      %div3A = arith.divsi %add3A_11, %jit3A : i32
      %sign3A = arith.constant 0 : i32
      %sign3A_12 = arith.cmpi sgt, %add3A_11, %sign3A : i32
      %sign3A_13 = arith.extui %sign3A_12 : i1 to i32
      %sign3A_14 = arith.constant 0 : i32
      %sign3A_15 = arith.cmpi slt, %add3A_11, %sign3A_14 : i32
      %sign3A_16 = arith.extui %sign3A_15 : i1 to i32
      %sign3A_17 = arith.subi %sign3A_13, %sign3A_16 : i32
      %sign3A_18 = arith.constant 0 : i32
      %sign3A_19 = arith.cmpi sgt, %jit3A, %sign3A_18 : i32
      %sign3A_20 = arith.extui %sign3A_19 : i1 to i32
      %sign3A_21 = arith.constant 0 : i32
      %sign3A_22 = arith.cmpi slt, %jit3A, %sign3A_21 : i32
      %sign3A_23 = arith.extui %sign3A_22 : i1 to i32
      %sign3A_24 = arith.subi %sign3A_20, %sign3A_23 : i32
      %ne3A = arith.cmpi ne, %sign3A_17, %sign3A_24 : i32
      %rem3A = arith.remsi %add3A_11, %jit3A : i32
      %ne3A_25 = arith.constant 0 : i32
      %ne3A_26 = arith.cmpi ne, %rem3A, %ne3A_25 : i32
      %and3A = arith.andi %ne3A, %ne3A_26 : i1
      %sub3A = arith.constant 1 : i32
      %sub3A_27 = arith.subi %div3A, %sub3A : i32
      %select_n3A = arith.select %and3A, %sub3A_27, %div3A : i32
      %multiple_of3A = tpu.assume_multiple %select_n3A, 64 : i32
      "tpu.region"() ({
        %run_scoped3A = tpu.sem_alloc : memref<!tpu.dma_semaphore, #tpu.memory_space<semaphore_mem>>
        %dma_start3A_51 = arith.constant 0 : i32
        %dma_start3A_52 = tpu.memref_slice %arg2[%multiple_of3A, %dma_start3A_51] : memref<8192x128xi32, #tpu.memory_space<hbm>> -> memref<64x128xi32, #tpu.memory_space<hbm>>
        %dma_start3A_53 = arith.constant 0 : i32
        %dma_start3A_54 = tpu.memref_slice %arg2[%multiple_of3A, %dma_start3A_53] : memref<8192x128xi32, #tpu.memory_space<hbm>> -> memref<64x128xi32, #tpu.memory_space<hbm>>
        tpu.enqueue_dma source(%dma_start3A_54 : memref<64x128xi32, #tpu.memory_space<hbm>>) target(%arg9 : memref<64x128xi32, #tpu.memory_space<vmem>>) target_semaphore(%run_scoped3A : memref<!tpu.dma_semaphore, #tpu.memory_space<semaphore_mem>>)
        %dma_wait3A = arith.constant 0 : i32
        %dma_wait3A_55 = tpu.memref_slice %arg2[%multiple_of3A, %dma_wait3A] : memref<8192x128xi32, #tpu.memory_space<hbm>> -> memref<64x128xi32, #tpu.memory_space<hbm>>
        %dma_wait3A_56 = arith.constant 0 : i32
        %dma_wait3A_57 = tpu.memref_slice %arg2[%multiple_of3A, %dma_wait3A_56] : memref<8192x128xi32, #tpu.memory_space<hbm>> -> memref<64x128xi32, #tpu.memory_space<hbm>>
        tpu.wait_dma2 semaphore(%run_scoped3A : memref<!tpu.dma_semaphore, #tpu.memory_space<semaphore_mem>>) src(%dma_wait3A_57 : memref<64x128xi32, #tpu.memory_space<hbm>>) dst(%arg9 : memref<64x128xi32, #tpu.memory_space<vmem>>)
        tpu.yield
      }) : () -> ()
      "tpu.region"() ({
        %run_scoped3A = tpu.sem_alloc : memref<!tpu.dma_semaphore, #tpu.memory_space<semaphore_mem>>
        %dma_start3A_51 = arith.constant 0 : i32
        %dma_start3A_52 = tpu.memref_slice %arg3[%multiple_of3A, %dma_start3A_51] : memref<8192x128xi32, #tpu.memory_space<hbm>> -> memref<64x128xi32, #tpu.memory_space<hbm>>
        %dma_start3A_53 = arith.constant 0 : i32
        %dma_start3A_54 = tpu.memref_slice %arg3[%multiple_of3A, %dma_start3A_53] : memref<8192x128xi32, #tpu.memory_space<hbm>> -> memref<64x128xi32, #tpu.memory_space<hbm>>
        tpu.enqueue_dma source(%dma_start3A_54 : memref<64x128xi32, #tpu.memory_space<hbm>>) target(%arg10 : memref<64x128xi32, #tpu.memory_space<vmem>>) target_semaphore(%run_scoped3A : memref<!tpu.dma_semaphore, #tpu.memory_space<semaphore_mem>>)
        %dma_wait3A = arith.constant 0 : i32
        %dma_wait3A_55 = tpu.memref_slice %arg3[%multiple_of3A, %dma_wait3A] : memref<8192x128xi32, #tpu.memory_space<hbm>> -> memref<64x128xi32, #tpu.memory_space<hbm>>
        %dma_wait3A_56 = arith.constant 0 : i32
        %dma_wait3A_57 = tpu.memref_slice %arg3[%multiple_of3A, %dma_wait3A_56] : memref<8192x128xi32, #tpu.memory_space<hbm>> -> memref<64x128xi32, #tpu.memory_space<hbm>>
        tpu.wait_dma2 semaphore(%run_scoped3A : memref<!tpu.dma_semaphore, #tpu.memory_space<semaphore_mem>>) src(%dma_wait3A_57 : memref<64x128xi32, #tpu.memory_space<hbm>>) dst(%arg10 : memref<64x128xi32, #tpu.memory_space<vmem>>)
        tpu.yield
      }) : () -> ()
      %dma_start3A = arith.constant 0 : i32
      %dma_start3A_28 = arith.constant 0 : i32
      %dma_start3A_29 = arith.constant 0 : i32
      %dma_start3A_30 = arith.constant 0 : i32
      %dma_start3A_31 = tpu.memref_slice %arg11[%dma_start3A_28, %dma_start3A_29, %dma_start3A_30] : memref<2x128x128xi32, #tpu.memory_space<vmem>> -> memref<1x128x128xi32, #tpu.memory_space<vmem>>
      %dma_start3A_32 = tpu.memref_squeeze %dma_start3A_31 : memref<1x128x128xi32, #tpu.memory_space<vmem>> -> memref<128x128xi32, #tpu.memory_space<vmem>>
      %dma_start3A_33 = arith.constant 0 : i32
      %dma_start3A_34 = tpu.memref_slice %arg9[%dma_start3A, %dma_start3A_33] : memref<64x128xi32, #tpu.memory_space<vmem>> -> memref<1x128xi32, #tpu.memory_space<vmem>>
      %dma_start3A_35 = tpu.memref_squeeze %dma_start3A_34 : memref<1x128xi32, #tpu.memory_space<vmem>> -> memref<128xi32, #tpu.memory_space<vmem>>
      %dma_start3A_36 = arith.constant 0 : i32
      %dma_start3A_37 = arith.constant 0 : i32
      %dma_start3A_38 = tpu.memref_slice %arg4[%dma_start3A_36, %dma_start3A_37] : memref<41600x128xi32, #tpu.memory_space<hbm>> -> memref<41600x128xi32, #tpu.memory_space<hbm>>
      tpu.enqueue_indirect_dma source(%dma_start3A_38 : memref<41600x128xi32, #tpu.memory_space<hbm>>) target(%dma_start3A_32 : memref<128x128xi32, #tpu.memory_space<vmem>>) offsets(%dma_start3A_35 : memref<128xi32, #tpu.memory_space<vmem>>) semaphore(%arg17 : memref<!tpu.dma_semaphore, #tpu.memory_space<semaphore_mem>>)
      %scan3A_39 = arith.constant 0 : i32
      %scan3A_40 = arith.constant 0 : i32
      %scan3A_41 = arith.constant 64 : i32
      %scan3A_42 = arith.addi %scan3A_40, %scan3A_41 : i32
      %scan3A_43 = arith.constant 1 : i32
      scf.for %scan3A_51 = %scan3A_40 to %scan3A_42 step %scan3A_43  : i32 {
        %dma_start3A_52 = arith.constant 1 : i32
        %dma_start3A_53 = arith.constant 0 : i32
        %dma_start3A_54 = arith.constant 0 : i32
        %dma_start3A_55 = tpu.memref_slice %arg11[%dma_start3A_52, %dma_start3A_53, %dma_start3A_54] : memref<2x128x128xi32, #tpu.memory_space<vmem>> -> memref<1x128x128xi32, #tpu.memory_space<vmem>>
        %dma_start3A_56 = tpu.memref_squeeze %dma_start3A_55 : memref<1x128x128xi32, #tpu.memory_space<vmem>> -> memref<128x128xi32, #tpu.memory_space<vmem>>
        %dma_start3A_57 = arith.constant 0 : i32
        %dma_start3A_58 = tpu.memref_slice %arg10[%scan3A_51, %dma_start3A_57] : memref<64x128xi32, #tpu.memory_space<vmem>> -> memref<1x128xi32, #tpu.memory_space<vmem>>
        %dma_start3A_59 = tpu.memref_squeeze %dma_start3A_58 : memref<1x128xi32, #tpu.memory_space<vmem>> -> memref<128xi32, #tpu.memory_space<vmem>>
        %dma_start3A_60 = arith.constant 0 : i32
        %dma_start3A_61 = arith.constant 0 : i32
        %dma_start3A_62 = tpu.memref_slice %arg4[%dma_start3A_60, %dma_start3A_61] : memref<41600x128xi32, #tpu.memory_space<hbm>> -> memref<41600x128xi32, #tpu.memory_space<hbm>>
        tpu.enqueue_indirect_dma source(%dma_start3A_62 : memref<41600x128xi32, #tpu.memory_space<hbm>>) target(%dma_start3A_56 : memref<128x128xi32, #tpu.memory_space<vmem>>) offsets(%dma_start3A_59 : memref<128xi32, #tpu.memory_space<vmem>>) semaphore(%arg18 : memref<!tpu.dma_semaphore, #tpu.memory_space<semaphore_mem>>)
        %dma_wait3A = arith.constant 0 : i32
        %dma_wait3A_63 = arith.constant 0 : i32
        %dma_wait3A_64 = arith.constant 0 : i32
        %dma_wait3A_65 = arith.constant 0 : i32
        %dma_wait3A_66 = tpu.memref_slice %arg11[%dma_wait3A_63, %dma_wait3A_64, %dma_wait3A_65] : memref<2x128x128xi32, #tpu.memory_space<vmem>> -> memref<1x128x128xi32, #tpu.memory_space<vmem>>
        %dma_wait3A_67 = tpu.memref_squeeze %dma_wait3A_66 : memref<1x128x128xi32, #tpu.memory_space<vmem>> -> memref<128x128xi32, #tpu.memory_space<vmem>>
        %dma_wait3A_68 = arith.constant 0 : i32
        %dma_wait3A_69 = tpu.memref_slice %arg9[%dma_wait3A, %dma_wait3A_68] : memref<64x128xi32, #tpu.memory_space<vmem>> -> memref<1x128xi32, #tpu.memory_space<vmem>>
        %dma_wait3A_70 = tpu.memref_squeeze %dma_wait3A_69 : memref<1x128xi32, #tpu.memory_space<vmem>> -> memref<128xi32, #tpu.memory_space<vmem>>
        %dma_wait3A_71 = arith.constant 0 : i32
        %dma_wait3A_72 = arith.constant 0 : i32
        %dma_wait3A_73 = tpu.memref_slice %arg4[%dma_wait3A_71, %dma_wait3A_72] : memref<41600x128xi32, #tpu.memory_space<hbm>> -> memref<41600x128xi32, #tpu.memory_space<hbm>>
        tpu.wait_indirect_dma semaphore(%arg17 : memref<!tpu.dma_semaphore, #tpu.memory_space<semaphore_mem>>) src(%dma_wait3A_73 : memref<41600x128xi32, #tpu.memory_space<hbm>>) dst(%dma_wait3A_67 : memref<128x128xi32, #tpu.memory_space<vmem>>)
        %broadcast_in_dim3A = arith.constant 0.000000e+00 : f32
        %broadcast_in_dim3A_74 = vector.broadcast %broadcast_in_dim3A : f32 to vector<16xf32>
        %broadcast_in_dim3A_75 = arith.constant 0.000000e+00 : bf16
        %broadcast_in_dim3A_76 = vector.broadcast %broadcast_in_dim3A_75 : bf16 to vector<32xbf16>
        %broadcast_in_dim3A_77 = arith.constant 0.000000e+00 : bf16
        %broadcast_in_dim3A_78 = vector.broadcast %broadcast_in_dim3A_77 : bf16 to vector<32xbf16>
        %broadcast_in_dim3A_79 = arith.constant 0.000000e+00 : bf16
        %broadcast_in_dim3A_80 = vector.broadcast %broadcast_in_dim3A_79 : bf16 to vector<32xbf16>
        %broadcast_in_dim3A_81 = arith.constant 0.000000e+00 : bf16
        %broadcast_in_dim3A_82 = vector.broadcast %broadcast_in_dim3A_81 : bf16 to vector<32xbf16>
        %broadcast_in_dim3A_83 = arith.constant 0.000000e+00 : bf16
        %broadcast_in_dim3A_84 = vector.broadcast %broadcast_in_dim3A_83 : bf16 to vector<32xbf16>
        %broadcast_in_dim3A_85 = arith.constant 0.000000e+00 : bf16
        %broadcast_in_dim3A_86 = vector.broadcast %broadcast_in_dim3A_85 : bf16 to vector<32xbf16>
        %broadcast_in_dim3A_87 = arith.constant 0.000000e+00 : bf16
        %broadcast_in_dim3A_88 = vector.broadcast %broadcast_in_dim3A_87 : bf16 to vector<32xbf16>
        %broadcast_in_dim3A_89 = arith.constant 0.000000e+00 : bf16
        %broadcast_in_dim3A_90 = vector.broadcast %broadcast_in_dim3A_89 : bf16 to vector<32xbf16>
        %scan3A_91 = arith.constant 0 : i32
        %scan3A_92 = arith.constant 64 : i32
        %scan3A_93 = arith.addi %scan3A_91, %scan3A_92 : i32
        %scan3A_94 = arith.constant 1 : i32
        %scan3A_95:8 = scf.for %scan3A_1080 = %scan3A_91 to %scan3A_93 step %scan3A_94 iter_args(%scan3A_1081 = %broadcast_in_dim3A_76, %scan3A_1082 = %broadcast_in_dim3A_78, %scan3A_1083 = %broadcast_in_dim3A_80, %scan3A_1084 = %broadcast_in_dim3A_82, %scan3A_1085 = %broadcast_in_dim3A_84, %scan3A_1086 = %broadcast_in_dim3A_86, %scan3A_1087 = %broadcast_in_dim3A_88, %scan3A_1088 = %broadcast_in_dim3A_90) -> (vector<32xbf16>, vector<32xbf16>, vector<32xbf16>, vector<32xbf16>, vector<32xbf16>, vector<32xbf16>, vector<32xbf16>, vector<32xbf16>)  : i32 {
          %get3A_1089 = arith.constant 0 : i32
          %get3A_1090 = arith.index_cast %get3A_1089 : i32 to index
          %get3A_1091 = arith.index_cast %scan3A_1080 : i32 to index
          %get3A_1092 = arith.constant 0 : index
          %get3A_1093 = tpu.vector_load %arg11[%get3A_1090, %get3A_1091, %get3A_1092] {strides = array<i32>} : memref<2x128x128xi32, #tpu.memory_space<vmem>>, vector<16xi32>,
          %bitcast3A = vector.bitcast %get3A_1093 : vector<16xi32> to vector<32xbf16>
          %add3A_1094 = arith.addf %scan3A_1081, %bitcast3A : vector<32xbf16>
          %get3A_1095 = arith.constant 0 : i32
          %get3A_1096 = arith.index_cast %get3A_1095 : i32 to index
          %get3A_1097 = arith.index_cast %scan3A_1080 : i32 to index
          %get3A_1098 = arith.constant 16 : index
          %get3A_1099 = tpu.vector_load %arg11[%get3A_1096, %get3A_1097, %get3A_1098] {strides = array<i32>} : memref<2x128x128xi32, #tpu.memory_space<vmem>>, vector<16xi32>,
          %bitcast3A_1100 = vector.bitcast %get3A_1099 : vector<16xi32> to vector<32xbf16>
          %add3A_1101 = arith.addf %scan3A_1082, %bitcast3A_1100 : vector<32xbf16>
          %get3A_1102 = arith.constant 0 : i32
          %get3A_1103 = arith.index_cast %get3A_1102 : i32 to index
          %get3A_1104 = arith.index_cast %scan3A_1080 : i32 to index
          %get3A_1105 = arith.constant 32 : index
          %get3A_1106 = tpu.vector_load %arg11[%get3A_1103, %get3A_1104, %get3A_1105] {strides = array<i32>} : memref<2x128x128xi32, #tpu.memory_space<vmem>>, vector<16xi32>,
          %bitcast3A_1107 = vector.bitcast %get3A_1106 : vector<16xi32> to vector<32xbf16>
          %add3A_1108 = arith.addf %scan3A_1083, %bitcast3A_1107 : vector<32xbf16>
          %get3A_1109 = arith.constant 0 : i32
          %get3A_1110 = arith.index_cast %get3A_1109 : i32 to index
          %get3A_1111 = arith.index_cast %scan3A_1080 : i32 to index
          %get3A_1112 = arith.constant 48 : index
          %get3A_1113 = tpu.vector_load %arg11[%get3A_1110, %get3A_1111, %get3A_1112] {strides = array<i32>} : memref<2x128x128xi32, #tpu.memory_space<vmem>>, vector<16xi32>,
          %bitcast3A_1114 = vector.bitcast %get3A_1113 : vector<16xi32> to vector<32xbf16>
          %add3A_1115 = arith.addf %scan3A_1084, %bitcast3A_1114 : vector<32xbf16>
          %get3A_1116 = arith.constant 0 : i32
          %get3A_1117 = arith.index_cast %get3A_1116 : i32 to index
          %get3A_1118 = arith.index_cast %scan3A_1080 : i32 to index
          %get3A_1119 = arith.constant 64 : index
          %get3A_1120 = tpu.vector_load %arg11[%get3A_1117, %get3A_1118, %get3A_1119] {strides = array<i32>} : memref<2x128x128xi32, #tpu.memory_space<vmem>>, vector<16xi32>,
          %bitcast3A_1121 = vector.bitcast %get3A_1120 : vector<16xi32> to vector<32xbf16>
          %add3A_1122 = arith.addf %scan3A_1085, %bitcast3A_1121 : vector<32xbf16>
          %get3A_1123 = arith.constant 0 : i32
          %get3A_1124 = arith.index_cast %get3A_1123 : i32 to index
          %get3A_1125 = arith.index_cast %scan3A_1080 : i32 to index
          %get3A_1126 = arith.constant 80 : index
          %get3A_1127 = tpu.vector_load %arg11[%get3A_1124, %get3A_1125, %get3A_1126] {strides = array<i32>} : memref<2x128x128xi32, #tpu.memory_space<vmem>>, vector<16xi32>,
          %bitcast3A_1128 = vector.bitcast %get3A_1127 : vector<16xi32> to vector<32xbf16>
          %add3A_1129 = arith.addf %scan3A_1086, %bitcast3A_1128 : vector<32xbf16>
          %get3A_1130 = arith.constant 0 : i32
          %get3A_1131 = arith.index_cast %get3A_1130 : i32 to index
          %get3A_1132 = arith.index_cast %scan3A_1080 : i32 to index
          %get3A_1133 = arith.constant 96 : index
          %get3A_1134 = tpu.vector_load %arg11[%get3A_1131, %get3A_1132, %get3A_1133] {strides = array<i32>} : memref<2x128x128xi32, #tpu.memory_space<vmem>>, vector<16xi32>,
          %bitcast3A_1135 = vector.bitcast %get3A_1134 : vector<16xi32> to vector<32xbf16>
          %add3A_1136 = arith.addf %scan3A_1087, %bitcast3A_1135 : vector<32xbf16>
          %get3A_1137 = arith.constant 0 : i32
          %get3A_1138 = arith.index_cast %get3A_1137 : i32 to index
          %get3A_1139 = arith.index_cast %scan3A_1080 : i32 to index
          %get3A_1140 = arith.constant 112 : index
          %get3A_1141 = tpu.vector_load %arg11[%get3A_1138, %get3A_1139, %get3A_1140] {strides = array<i32>} : memref<2x128x128xi32, #tpu.memory_space<vmem>>, vector<16xi32>,
          %bitcast3A_1142 = vector.bitcast %get3A_1141 : vector<16xi32> to vector<32xbf16>
          %add3A_1143 = arith.addf %scan3A_1088, %bitcast3A_1142 : vector<32xbf16>
          scf.yield %add3A_1094, %add3A_1101, %add3A_1108, %add3A_1115, %add3A_1122, %add3A_1129, %add3A_1136, %add3A_1143 : vector<32xbf16>, vector<32xbf16>, vector<32xbf16>, vector<32xbf16>, vector<32xbf16>, vector<32xbf16>, vector<32xbf16>, vector<32xbf16>
        }
        %scan3A_96 = arith.constant 64 : i32
        %unpack3A = tpu.unpack_subelements %scan3A_95#0, 0 {pack_format = #tpu.pack_format<interleaved>} : vector<32xbf16> -> vector<16xf32>
        %unpack3A_97 = tpu.unpack_subelements %scan3A_95#0, 1 {pack_format = #tpu.pack_format<interleaved>} : vector<32xbf16> -> vector<16xf32>
        %get3A = arith.constant 0 : index
        %get3A_98 = tpu.vector_load %arg13[%get3A] {strides = array<i32>} : memref<256xf32, #tpu.memory_space<vmem>>, vector<16xf32>,
        %add3A_99 = arith.addf %unpack3A, %get3A_98 : vector<16xf32>
        %jit3A_100 = arith.constant 0.000000e+00 : f32
        %jit3A_101 = arith.constant 1.000000e+00 : f32
        %max3A = vector.broadcast %jit3A_100 : f32 to vector<16xf32>
        %max3A_102 = arith.maximumf %max3A, %add3A_99 : vector<16xf32>
        %min3A = vector.broadcast %jit3A_101 : f32 to vector<16xf32>
        %min3A_103 = arith.minimumf %min3A, %max3A_102 : vector<16xf32>
        %get3A_104 = arith.constant 128 : index
        %get3A_105 = tpu.vector_load %arg13[%get3A_104] {strides = array<i32>} : memref<256xf32, #tpu.memory_space<vmem>>, vector<16xf32>,
        %add3A_106 = arith.addf %unpack3A_97, %get3A_105 : vector<16xf32>
        %jit3A_107 = arith.constant 0.000000e+00 : f32
        %jit3A_108 = arith.constant 1.000000e+00 : f32
        %max3A_109 = vector.broadcast %jit3A_107 : f32 to vector<16xf32>
        %max3A_110 = arith.maximumf %max3A_109, %add3A_106 : vector<16xf32>
        %min3A_111 = vector.broadcast %jit3A_108 : f32 to vector<16xf32>
        %min3A_112 = arith.minimumf %min3A_111, %max3A_110 : vector<16xf32>
        %get3A_113 = arith.constant 0 : index
        %get3A_114 = tpu.vector_load %arg14[%get3A_113] {strides = array<i32>} : memref<512xf32, #tpu.memory_space<vmem>>, vector<16xf32>,
        %mul3A_115 = arith.mulf %min3A_103, %get3A_114 : vector<16xf32>
        %add3A_116 = arith.addf %broadcast_in_dim3A_74, %mul3A_115 : vector<16xf32>
        %get3A_117 = arith.constant 128 : index
        %get3A_118 = tpu.vector_load %arg14[%get3A_117] {strides = array<i32>} : memref<512xf32, #tpu.memory_space<vmem>>, vector<16xf32>,
        %mul3A_119 = arith.mulf %min3A_112, %get3A_118 : vector<16xf32>
        %add3A_120 = arith.addf %add3A_116, %mul3A_119 : vector<16xf32>
        %unpack3A_121 = tpu.unpack_subelements %scan3A_95#1, 0 {pack_format = #tpu.pack_format<interleaved>} : vector<32xbf16> -> vector<16xf32>
        %unpack3A_122 = tpu.unpack_subelements %scan3A_95#1, 1 {pack_format = #tpu.pack_format<interleaved>} : vector<32xbf16> -> vector<16xf32>
        %get3A_123 = arith.constant 16 : index
        %get3A_124 = tpu.vector_load %arg13[%get3A_123] {strides = array<i32>} : memref<256xf32, #tpu.memory_space<vmem>>, vector<16xf32>,
        %add3A_125 = arith.addf %unpack3A_121, %get3A_124 : vector<16xf32>
        %jit3A_126 = arith.constant 0.000000e+00 : f32
        %jit3A_127 = arith.constant 1.000000e+00 : f32
        %max3A_128 = vector.broadcast %jit3A_126 : f32 to vector<16xf32>
        %max3A_129 = arith.maximumf %max3A_128, %add3A_125 : vector<16xf32>
        %min3A_130 = vector.broadcast %jit3A_127 : f32 to vector<16xf32>
        %min3A_131 = arith.minimumf %min3A_130, %max3A_129 : vector<16xf32>
        %get3A_132 = arith.constant 144 : index
        %get3A_133 = tpu.vector_load %arg13[%get3A_132] {strides = array<i32>} : memref<256xf32, #tpu.memory_space<vmem>>, vector<16xf32>,
        %add3A_134 = arith.addf %unpack3A_122, %get3A_133 : vector<16xf32>
        %jit3A_135 = arith.constant 0.000000e+00 : f32
        %jit3A_136 = arith.constant 1.000000e+00 : f32
        %max3A_137 = vector.broadcast %jit3A_135 : f32 to vector<16xf32>
        %max3A_138 = arith.maximumf %max3A_137, %add3A_134 : vector<16xf32>
        %min3A_139 = vector.broadcast %jit3A_136 : f32 to vector<16xf32>
        %min3A_140 = arith.minimumf %min3A_139, %max3A_138 : vector<16xf32>
        %get3A_141 = arith.constant 16 : index
        %get3A_142 = tpu.vector_load %arg14[%get3A_141] {strides = array<i32>} : memref<512xf32, #tpu.memory_space<vmem>>, vector<16xf32>,
        %mul3A_143 = arith.mulf %min3A_131, %get3A_142 : vector<16xf32>
        %add3A_144 = arith.addf %add3A_120, %mul3A_143 : vector<16xf32>
        %get3A_145 = arith.constant 144 : index
        %get3A_146 = tpu.vector_load %arg14[%get3A_145] {strides = array<i32>} : memref<512xf32, #tpu.memory_space<vmem>>, vector<16xf32>,
        %mul3A_147 = arith.mulf %min3A_140, %get3A_146 : vector<16xf32>
        %add3A_148 = arith.addf %add3A_144, %mul3A_147 : vector<16xf32>
        %unpack3A_149 = tpu.unpack_subelements %scan3A_95#2, 0 {pack_format = #tpu.pack_format<interleaved>} : vector<32xbf16> -> vector<16xf32>
        %unpack3A_150 = tpu.unpack_subelements %scan3A_95#2, 1 {pack_format = #tpu.pack_format<interleaved>} : vector<32xbf16> -> vector<16xf32>
        %get3A_151 = arith.constant 32 : index
        %get3A_152 = tpu.vector_load %arg13[%get3A_151] {strides = array<i32>} : memref<256xf32, #tpu.memory_space<vmem>>, vector<16xf32>,
        %add3A_153 = arith.addf %unpack3A_149, %get3A_152 : vector<16xf32>
        %jit3A_154 = arith.constant 0.000000e+00 : f32
        %jit3A_155 = arith.constant 1.000000e+00 : f32
        %max3A_156 = vector.broadcast %jit3A_154 : f32 to vector<16xf32>
        %max3A_157 = arith.maximumf %max3A_156, %add3A_153 : vector<16xf32>
        %min3A_158 = vector.broadcast %jit3A_155 : f32 to vector<16xf32>
        %min3A_159 = arith.minimumf %min3A_158, %max3A_157 : vector<16xf32>
        %get3A_160 = arith.constant 160 : index
        %get3A_161 = tpu.vector_load %arg13[%get3A_160] {strides = array<i32>} : memref<256xf32, #tpu.memory_space<vmem>>, vector<16xf32>,
        %add3A_162 = arith.addf %unpack3A_150, %get3A_161 : vector<16xf32>
        %jit3A_163 = arith.constant 0.000000e+00 : f32
        %jit3A_164 = arith.constant 1.000000e+00 : f32
        %max3A_165 = vector.broadcast %jit3A_163 : f32 to vector<16xf32>
        %max3A_166 = arith.maximumf %max3A_165, %add3A_162 : vector<16xf32>
        %min3A_167 = vector.broadcast %jit3A_164 : f32 to vector<16xf32>
        %min3A_168 = arith.minimumf %min3A_167, %max3A_166 : vector<16xf32>
        %get3A_169 = arith.constant 32 : index
        %get3A_170 = tpu.vector_load %arg14[%get3A_169] {strides = array<i32>} : memref<512xf32, #tpu.memory_space<vmem>>, vector<16xf32>,
        %mul3A_171 = arith.mulf %min3A_159, %get3A_170 : vector<16xf32>
        %add3A_172 = arith.addf %add3A_148, %mul3A_171 : vector<16xf32>
        %get3A_173 = arith.constant 160 : index
        %get3A_174 = tpu.vector_load %arg14[%get3A_173] {strides = array<i32>} : memref<512xf32, #tpu.memory_space<vmem>>, vector<16xf32>,
        %mul3A_175 = arith.mulf %min3A_168, %get3A_174 : vector<16xf32>
        %add3A_176 = arith.addf %add3A_172, %mul3A_175 : vector<16xf32>
        %unpack3A_177 = tpu.unpack_subelements %scan3A_95#3, 0 {pack_format = #tpu.pack_format<interleaved>} : vector<32xbf16> -> vector<16xf32>
        %unpack3A_178 = tpu.unpack_subelements %scan3A_95#3, 1 {pack_format = #tpu.pack_format<interleaved>} : vector<32xbf16> -> vector<16xf32>
        %get3A_179 = arith.constant 48 : index
        %get3A_180 = tpu.vector_load %arg13[%get3A_179] {strides = array<i32>} : memref<256xf32, #tpu.memory_space<vmem>>, vector<16xf32>,
        %add3A_181 = arith.addf %unpack3A_177, %get3A_180 : vector<16xf32>
        %jit3A_182 = arith.constant 0.000000e+00 : f32
        %jit3A_183 = arith.constant 1.000000e+00 : f32
        %max3A_184 = vector.broadcast %jit3A_182 : f32 to vector<16xf32>
        %max3A_185 = arith.maximumf %max3A_184, %add3A_181 : vector<16xf32>
        %min3A_186 = vector.broadcast %jit3A_183 : f32 to vector<16xf32>
        %min3A_187 = arith.minimumf %min3A_186, %max3A_185 : vector<16xf32>
        %get3A_188 = arith.constant 176 : index
        %get3A_189 = tpu.vector_load %arg13[%get3A_188] {strides = array<i32>} : memref<256xf32, #tpu.memory_space<vmem>>, vector<16xf32>,
        %add3A_190 = arith.addf %unpack3A_178, %get3A_189 : vector<16xf32>
        %jit3A_191 = arith.constant 0.000000e+00 : f32
        %jit3A_192 = arith.constant 1.000000e+00 : f32
        %max3A_193 = vector.broadcast %jit3A_191 : f32 to vector<16xf32>
        %max3A_194 = arith.maximumf %max3A_193, %add3A_190 : vector<16xf32>
        %min3A_195 = vector.broadcast %jit3A_192 : f32 to vector<16xf32>
        %min3A_196 = arith.minimumf %min3A_195, %max3A_194 : vector<16xf32>
        %get3A_197 = arith.constant 48 : index
        %get3A_198 = tpu.vector_load %arg14[%get3A_197] {strides = array<i32>} : memref<512xf32, #tpu.memory_space<vmem>>, vector<16xf32>,
        %mul3A_199 = arith.mulf %min3A_187, %get3A_198 : vector<16xf32>
        %add3A_200 = arith.addf %add3A_176, %mul3A_199 : vector<16xf32>
        %get3A_201 = arith.constant 176 : index
        %get3A_202 = tpu.vector_load %arg14[%get3A_201] {strides = array<i32>} : memref<512xf32, #tpu.memory_space<vmem>>, vector<16xf32>,
        %mul3A_203 = arith.mulf %min3A_196, %get3A_202 : vector<16xf32>
        %add3A_204 = arith.addf %add3A_200, %mul3A_203 : vector<16xf32>
        %unpack3A_205 = tpu.unpack_subelements %scan3A_95#4, 0 {pack_format = #tpu.pack_format<interleaved>} : vector<32xbf16> -> vector<16xf32>
        %unpack3A_206 = tpu.unpack_subelements %scan3A_95#4, 1 {pack_format = #tpu.pack_format<interleaved>} : vector<32xbf16> -> vector<16xf32>
        %get3A_207 = arith.constant 64 : index
        %get3A_208 = tpu.vector_load %arg13[%get3A_207] {strides = array<i32>} : memref<256xf32, #tpu.memory_space<vmem>>, vector<16xf32>,
        %add3A_209 = arith.addf %unpack3A_205, %get3A_208 : vector<16xf32>
        %jit3A_210 = arith.constant 0.000000e+00 : f32
        %jit3A_211 = arith.constant 1.000000e+00 : f32
        %max3A_212 = vector.broadcast %jit3A_210 : f32 to vector<16xf32>
        %max3A_213 = arith.maximumf %max3A_212, %add3A_209 : vector<16xf32>
        %min3A_214 = vector.broadcast %jit3A_211 : f32 to vector<16xf32>
        %min3A_215 = arith.minimumf %min3A_214, %max3A_213 : vector<16xf32>
        %get3A_216 = arith.constant 192 : index
        %get3A_217 = tpu.vector_load %arg13[%get3A_216] {strides = array<i32>} : memref<256xf32, #tpu.memory_space<vmem>>, vector<16xf32>,
        %add3A_218 = arith.addf %unpack3A_206, %get3A_217 : vector<16xf32>
        %jit3A_219 = arith.constant 0.000000e+00 : f32
        %jit3A_220 = arith.constant 1.000000e+00 : f32
        %max3A_221 = vector.broadcast %jit3A_219 : f32 to vector<16xf32>
        %max3A_222 = arith.maximumf %max3A_221, %add3A_218 : vector<16xf32>
        %min3A_223 = vector.broadcast %jit3A_220 : f32 to vector<16xf32>
        %min3A_224 = arith.minimumf %min3A_223, %max3A_222 : vector<16xf32>
        %get3A_225 = arith.constant 64 : index
        %get3A_226 = tpu.vector_load %arg14[%get3A_225] {strides = array<i32>} : memref<512xf32, #tpu.memory_space<vmem>>, vector<16xf32>,
        %mul3A_227 = arith.mulf %min3A_215, %get3A_226 : vector<16xf32>
        %add3A_228 = arith.addf %add3A_204, %mul3A_227 : vector<16xf32>
        %get3A_229 = arith.constant 192 : index
        %get3A_230 = tpu.vector_load %arg14[%get3A_229] {strides = array<i32>} : memref<512xf32, #tpu.memory_space<vmem>>, vector<16xf32>,
        %mul3A_231 = arith.mulf %min3A_224, %get3A_230 : vector<16xf32>
        %add3A_232 = arith.addf %add3A_228, %mul3A_231 : vector<16xf32>
        %unpack3A_233 = tpu.unpack_subelements %scan3A_95#5, 0 {pack_format = #tpu.pack_format<interleaved>} : vector<32xbf16> -> vector<16xf32>
        %unpack3A_234 = tpu.unpack_subelements %scan3A_95#5, 1 {pack_format = #tpu.pack_format<interleaved>} : vector<32xbf16> -> vector<16xf32>
        %get3A_235 = arith.constant 80 : index
        %get3A_236 = tpu.vector_load %arg13[%get3A_235] {strides = array<i32>} : memref<256xf32, #tpu.memory_space<vmem>>, vector<16xf32>,
        %add3A_237 = arith.addf %unpack3A_233, %get3A_236 : vector<16xf32>
        %jit3A_238 = arith.constant 0.000000e+00 : f32
        %jit3A_239 = arith.constant 1.000000e+00 : f32
        %max3A_240 = vector.broadcast %jit3A_238 : f32 to vector<16xf32>
        %max3A_241 = arith.maximumf %max3A_240, %add3A_237 : vector<16xf32>
        %min3A_242 = vector.broadcast %jit3A_239 : f32 to vector<16xf32>
        %min3A_243 = arith.minimumf %min3A_242, %max3A_241 : vector<16xf32>
        %get3A_244 = arith.constant 208 : index
        %get3A_245 = tpu.vector_load %arg13[%get3A_244] {strides = array<i32>} : memref<256xf32, #tpu.memory_space<vmem>>, vector<16xf32>,
        %add3A_246 = arith.addf %unpack3A_234, %get3A_245 : vector<16xf32>
        %jit3A_247 = arith.constant 0.000000e+00 : f32
        %jit3A_248 = arith.constant 1.000000e+00 : f32
        %max3A_249 = vector.broadcast %jit3A_247 : f32 to vector<16xf32>
        %max3A_250 = arith.maximumf %max3A_249, %add3A_246 : vector<16xf32>
        %min3A_251 = vector.broadcast %jit3A_248 : f32 to vector<16xf32>
        %min3A_252 = arith.minimumf %min3A_251, %max3A_250 : vector<16xf32>
        %get3A_253 = arith.constant 80 : index
        %get3A_254 = tpu.vector_load %arg14[%get3A_253] {strides = array<i32>} : memref<512xf32, #tpu.memory_space<vmem>>, vector<16xf32>,
        %mul3A_255 = arith.mulf %min3A_243, %get3A_254 : vector<16xf32>
        %add3A_256 = arith.addf %add3A_232, %mul3A_255 : vector<16xf32>
        %get3A_257 = arith.constant 208 : index
        %get3A_258 = tpu.vector_load %arg14[%get3A_257] {strides = array<i32>} : memref<512xf32, #tpu.memory_space<vmem>>, vector<16xf32>,
        %mul3A_259 = arith.mulf %min3A_252, %get3A_258 : vector<16xf32>
        %add3A_260 = arith.addf %add3A_256, %mul3A_259 : vector<16xf32>
        %unpack3A_261 = tpu.unpack_subelements %scan3A_95#6, 0 {pack_format = #tpu.pack_format<interleaved>} : vector<32xbf16> -> vector<16xf32>
        %unpack3A_262 = tpu.unpack_subelements %scan3A_95#6, 1 {pack_format = #tpu.pack_format<interleaved>} : vector<32xbf16> -> vector<16xf32>
        %get3A_263 = arith.constant 96 : index
        %get3A_264 = tpu.vector_load %arg13[%get3A_263] {strides = array<i32>} : memref<256xf32, #tpu.memory_space<vmem>>, vector<16xf32>,
        %add3A_265 = arith.addf %unpack3A_261, %get3A_264 : vector<16xf32>
        %jit3A_266 = arith.constant 0.000000e+00 : f32
        %jit3A_267 = arith.constant 1.000000e+00 : f32
        %max3A_268 = vector.broadcast %jit3A_266 : f32 to vector<16xf32>
        %max3A_269 = arith.maximumf %max3A_268, %add3A_265 : vector<16xf32>
        %min3A_270 = vector.broadcast %jit3A_267 : f32 to vector<16xf32>
        %min3A_271 = arith.minimumf %min3A_270, %max3A_269 : vector<16xf32>
        %get3A_272 = arith.constant 224 : index
        %get3A_273 = tpu.vector_load %arg13[%get3A_272] {strides = array<i32>} : memref<256xf32, #tpu.memory_space<vmem>>, vector<16xf32>,
        %add3A_274 = arith.addf %unpack3A_262, %get3A_273 : vector<16xf32>
        %jit3A_275 = arith.constant 0.000000e+00 : f32
        %jit3A_276 = arith.constant 1.000000e+00 : f32
        %max3A_277 = vector.broadcast %jit3A_275 : f32 to vector<16xf32>
        %max3A_278 = arith.maximumf %max3A_277, %add3A_274 : vector<16xf32>
        %min3A_279 = vector.broadcast %jit3A_276 : f32 to vector<16xf32>
        %min3A_280 = arith.minimumf %min3A_279, %max3A_278 : vector<16xf32>
        %get3A_281 = arith.constant 96 : index
        %get3A_282 = tpu.vector_load %arg14[%get3A_281] {strides = array<i32>} : memref<512xf32, #tpu.memory_space<vmem>>, vector<16xf32>,
        %mul3A_283 = arith.mulf %min3A_271, %get3A_282 : vector<16xf32>
        %add3A_284 = arith.addf %add3A_260, %mul3A_283 : vector<16xf32>
        %get3A_285 = arith.constant 224 : index
        %get3A_286 = tpu.vector_load %arg14[%get3A_285] {strides = array<i32>} : memref<512xf32, #tpu.memory_space<vmem>>, vector<16xf32>,
        %mul3A_287 = arith.mulf %min3A_280, %get3A_286 : vector<16xf32>
        %add3A_288 = arith.addf %add3A_284, %mul3A_287 : vector<16xf32>
        %unpack3A_289 = tpu.unpack_subelements %scan3A_95#7, 0 {pack_format = #tpu.pack_format<interleaved>} : vector<32xbf16> -> vector<16xf32>
        %unpack3A_290 = tpu.unpack_subelements %scan3A_95#7, 1 {pack_format = #tpu.pack_format<interleaved>} : vector<32xbf16> -> vector<16xf32>
        %get3A_291 = arith.constant 112 : index
        %get3A_292 = tpu.vector_load %arg13[%get3A_291] {strides = array<i32>} : memref<256xf32, #tpu.memory_space<vmem>>, vector<16xf32>,
        %add3A_293 = arith.addf %unpack3A_289, %get3A_292 : vector<16xf32>
        %jit3A_294 = arith.constant 0.000000e+00 : f32
        %jit3A_295 = arith.constant 1.000000e+00 : f32
        %max3A_296 = vector.broadcast %jit3A_294 : f32 to vector<16xf32>
        %max3A_297 = arith.maximumf %max3A_296, %add3A_293 : vector<16xf32>
        %min3A_298 = vector.broadcast %jit3A_295 : f32 to vector<16xf32>
        %min3A_299 = arith.minimumf %min3A_298, %max3A_297 : vector<16xf32>
        %get3A_300 = arith.constant 240 : index
        %get3A_301 = tpu.vector_load %arg13[%get3A_300] {strides = array<i32>} : memref<256xf32, #tpu.memory_space<vmem>>, vector<16xf32>,
        %add3A_302 = arith.addf %unpack3A_290, %get3A_301 : vector<16xf32>
        %jit3A_303 = arith.constant 0.000000e+00 : f32
        %jit3A_304 = arith.constant 1.000000e+00 : f32
        %max3A_305 = vector.broadcast %jit3A_303 : f32 to vector<16xf32>
        %max3A_306 = arith.maximumf %max3A_305, %add3A_302 : vector<16xf32>
        %min3A_307 = vector.broadcast %jit3A_304 : f32 to vector<16xf32>
        %min3A_308 = arith.minimumf %min3A_307, %max3A_306 : vector<16xf32>
        %get3A_309 = arith.constant 112 : index
        %get3A_310 = tpu.vector_load %arg14[%get3A_309] {strides = array<i32>} : memref<512xf32, #tpu.memory_space<vmem>>, vector<16xf32>,
        %mul3A_311 = arith.mulf %min3A_299, %get3A_310 : vector<16xf32>
        %add3A_312 = arith.addf %add3A_288, %mul3A_311 : vector<16xf32>
        %get3A_313 = arith.constant 240 : index
        %get3A_314 = tpu.vector_load %arg14[%get3A_313] {strides = array<i32>} : memref<512xf32, #tpu.memory_space<vmem>>, vector<16xf32>,
        %mul3A_315 = arith.mulf %min3A_308, %get3A_314 : vector<16xf32>
        %add3A_316 = arith.addf %add3A_312, %mul3A_315 : vector<16xf32>
        %broadcast_in_dim3A_317 = arith.constant 0.000000e+00 : bf16
        %broadcast_in_dim3A_318 = vector.broadcast %broadcast_in_dim3A_317 : bf16 to vector<32xbf16>
        %broadcast_in_dim3A_319 = arith.constant 0.000000e+00 : bf16
        %broadcast_in_dim3A_320 = vector.broadcast %broadcast_in_dim3A_319 : bf16 to vector<32xbf16>
        %broadcast_in_dim3A_321 = arith.constant 0.000000e+00 : bf16
        %broadcast_in_dim3A_322 = vector.broadcast %broadcast_in_dim3A_321 : bf16 to vector<32xbf16>
        %broadcast_in_dim3A_323 = arith.constant 0.000000e+00 : bf16
        %broadcast_in_dim3A_324 = vector.broadcast %broadcast_in_dim3A_323 : bf16 to vector<32xbf16>
        %broadcast_in_dim3A_325 = arith.constant 0.000000e+00 : bf16
        %broadcast_in_dim3A_326 = vector.broadcast %broadcast_in_dim3A_325 : bf16 to vector<32xbf16>
        %broadcast_in_dim3A_327 = arith.constant 0.000000e+00 : bf16
        %broadcast_in_dim3A_328 = vector.broadcast %broadcast_in_dim3A_327 : bf16 to vector<32xbf16>
        %broadcast_in_dim3A_329 = arith.constant 0.000000e+00 : bf16
        %broadcast_in_dim3A_330 = vector.broadcast %broadcast_in_dim3A_329 : bf16 to vector<32xbf16>
        %broadcast_in_dim3A_331 = arith.constant 0.000000e+00 : bf16
        %broadcast_in_dim3A_332 = vector.broadcast %broadcast_in_dim3A_331 : bf16 to vector<32xbf16>
        %scan3A_333 = arith.constant 64 : i32
        %scan3A_334 = arith.constant 64 : i32
        %scan3A_335 = arith.addi %scan3A_333, %scan3A_334 : i32
        %scan3A_336 = arith.constant 1 : i32
        %scan3A_337:8 = scf.for %scan3A_1080 = %scan3A_333 to %scan3A_335 step %scan3A_336 iter_args(%scan3A_1081 = %broadcast_in_dim3A_318, %scan3A_1082 = %broadcast_in_dim3A_320, %scan3A_1083 = %broadcast_in_dim3A_322, %scan3A_1084 = %broadcast_in_dim3A_324, %scan3A_1085 = %broadcast_in_dim3A_326, %scan3A_1086 = %broadcast_in_dim3A_328, %scan3A_1087 = %broadcast_in_dim3A_330, %scan3A_1088 = %broadcast_in_dim3A_332) -> (vector<32xbf16>, vector<32xbf16>, vector<32xbf16>, vector<32xbf16>, vector<32xbf16>, vector<32xbf16>, vector<32xbf16>, vector<32xbf16>)  : i32 {
          %get3A_1089 = arith.constant 0 : i32
          %get3A_1090 = arith.index_cast %get3A_1089 : i32 to index
          %get3A_1091 = arith.index_cast %scan3A_1080 : i32 to index
          %get3A_1092 = arith.constant 0 : index
          %get3A_1093 = tpu.vector_load %arg11[%get3A_1090, %get3A_1091, %get3A_1092] {strides = array<i32>} : memref<2x128x128xi32, #tpu.memory_space<vmem>>, vector<16xi32>,
          %bitcast3A = vector.bitcast %get3A_1093 : vector<16xi32> to vector<32xbf16>
          %add3A_1094 = arith.addf %scan3A_1081, %bitcast3A : vector<32xbf16>
          %get3A_1095 = arith.constant 0 : i32
          %get3A_1096 = arith.index_cast %get3A_1095 : i32 to index
          %get3A_1097 = arith.index_cast %scan3A_1080 : i32 to index
          %get3A_1098 = arith.constant 16 : index
          %get3A_1099 = tpu.vector_load %arg11[%get3A_1096, %get3A_1097, %get3A_1098] {strides = array<i32>} : memref<2x128x128xi32, #tpu.memory_space<vmem>>, vector<16xi32>,
          %bitcast3A_1100 = vector.bitcast %get3A_1099 : vector<16xi32> to vector<32xbf16>
          %add3A_1101 = arith.addf %scan3A_1082, %bitcast3A_1100 : vector<32xbf16>
          %get3A_1102 = arith.constant 0 : i32
          %get3A_1103 = arith.index_cast %get3A_1102 : i32 to index
          %get3A_1104 = arith.index_cast %scan3A_1080 : i32 to index
          %get3A_1105 = arith.constant 32 : index
          %get3A_1106 = tpu.vector_load %arg11[%get3A_1103, %get3A_1104, %get3A_1105] {strides = array<i32>} : memref<2x128x128xi32, #tpu.memory_space<vmem>>, vector<16xi32>,
          %bitcast3A_1107 = vector.bitcast %get3A_1106 : vector<16xi32> to vector<32xbf16>
          %add3A_1108 = arith.addf %scan3A_1083, %bitcast3A_1107 : vector<32xbf16>
          %get3A_1109 = arith.constant 0 : i32
          %get3A_1110 = arith.index_cast %get3A_1109 : i32 to index
          %get3A_1111 = arith.index_cast %scan3A_1080 : i32 to index
          %get3A_1112 = arith.constant 48 : index
          %get3A_1113 = tpu.vector_load %arg11[%get3A_1110, %get3A_1111, %get3A_1112] {strides = array<i32>} : memref<2x128x128xi32, #tpu.memory_space<vmem>>, vector<16xi32>,
          %bitcast3A_1114 = vector.bitcast %get3A_1113 : vector<16xi32> to vector<32xbf16>
          %add3A_1115 = arith.addf %scan3A_1084, %bitcast3A_1114 : vector<32xbf16>
          %get3A_1116 = arith.constant 0 : i32
          %get3A_1117 = arith.index_cast %get3A_1116 : i32 to index
          %get3A_1118 = arith.index_cast %scan3A_1080 : i32 to index
          %get3A_1119 = arith.constant 64 : index
          %get3A_1120 = tpu.vector_load %arg11[%get3A_1117, %get3A_1118, %get3A_1119] {strides = array<i32>} : memref<2x128x128xi32, #tpu.memory_space<vmem>>, vector<16xi32>,
          %bitcast3A_1121 = vector.bitcast %get3A_1120 : vector<16xi32> to vector<32xbf16>
          %add3A_1122 = arith.addf %scan3A_1085, %bitcast3A_1121 : vector<32xbf16>
          %get3A_1123 = arith.constant 0 : i32
          %get3A_1124 = arith.index_cast %get3A_1123 : i32 to index
          %get3A_1125 = arith.index_cast %scan3A_1080 : i32 to index
          %get3A_1126 = arith.constant 80 : index
          %get3A_1127 = tpu.vector_load %arg11[%get3A_1124, %get3A_1125, %get3A_1126] {strides = array<i32>} : memref<2x128x128xi32, #tpu.memory_space<vmem>>, vector<16xi32>,
          %bitcast3A_1128 = vector.bitcast %get3A_1127 : vector<16xi32> to vector<32xbf16>
          %add3A_1129 = arith.addf %scan3A_1086, %bitcast3A_1128 : vector<32xbf16>
          %get3A_1130 = arith.constant 0 : i32
          %get3A_1131 = arith.index_cast %get3A_1130 : i32 to index
          %get3A_1132 = arith.index_cast %scan3A_1080 : i32 to index
          %get3A_1133 = arith.constant 96 : index
          %get3A_1134 = tpu.vector_load %arg11[%get3A_1131, %get3A_1132, %get3A_1133] {strides = array<i32>} : memref<2x128x128xi32, #tpu.memory_space<vmem>>, vector<16xi32>,
          %bitcast3A_1135 = vector.bitcast %get3A_1134 : vector<16xi32> to vector<32xbf16>
          %add3A_1136 = arith.addf %scan3A_1087, %bitcast3A_1135 : vector<32xbf16>
          %get3A_1137 = arith.constant 0 : i32
          %get3A_1138 = arith.index_cast %get3A_1137 : i32 to index
          %get3A_1139 = arith.index_cast %scan3A_1080 : i32 to index
          %get3A_1140 = arith.constant 112 : index
          %get3A_1141 = tpu.vector_load %arg11[%get3A_1138, %get3A_1139, %get3A_1140] {strides = array<i32>} : memref<2x128x128xi32, #tpu.memory_space<vmem>>, vector<16xi32>,
          %bitcast3A_1142 = vector.bitcast %get3A_1141 : vector<16xi32> to vector<32xbf16>
          %add3A_1143 = arith.addf %scan3A_1088, %bitcast3A_1142 : vector<32xbf16>
          scf.yield %add3A_1094, %add3A_1101, %add3A_1108, %add3A_1115, %add3A_1122, %add3A_1129, %add3A_1136, %add3A_1143 : vector<32xbf16>, vector<32xbf16>, vector<32xbf16>, vector<32xbf16>, vector<32xbf16>, vector<32xbf16>, vector<32xbf16>, vector<32xbf16>
        }
        %scan3A_338 = arith.constant 64 : i32
        %unpack3A_339 = tpu.unpack_subelements %scan3A_337#0, 0 {pack_format = #tpu.pack_format<interleaved>} : vector<32xbf16> -> vector<16xf32>
        %unpack3A_340 = tpu.unpack_subelements %scan3A_337#0, 1 {pack_format = #tpu.pack_format<interleaved>} : vector<32xbf16> -> vector<16xf32>
        %get3A_341 = arith.constant 0 : index
        %get3A_342 = tpu.vector_load %arg13[%get3A_341] {strides = array<i32>} : memref<256xf32, #tpu.memory_space<vmem>>, vector<16xf32>,
        %add3A_343 = arith.addf %unpack3A_339, %get3A_342 : vector<16xf32>
        %jit3A_344 = arith.constant 0.000000e+00 : f32
        %jit3A_345 = arith.constant 1.000000e+00 : f32
        %max3A_346 = vector.broadcast %jit3A_344 : f32 to vector<16xf32>
        %max3A_347 = arith.maximumf %max3A_346, %add3A_343 : vector<16xf32>
        %min3A_348 = vector.broadcast %jit3A_345 : f32 to vector<16xf32>
        %min3A_349 = arith.minimumf %min3A_348, %max3A_347 : vector<16xf32>
        %get3A_350 = arith.constant 128 : index
        %get3A_351 = tpu.vector_load %arg13[%get3A_350] {strides = array<i32>} : memref<256xf32, #tpu.memory_space<vmem>>, vector<16xf32>,
        %add3A_352 = arith.addf %unpack3A_340, %get3A_351 : vector<16xf32>
        %jit3A_353 = arith.constant 0.000000e+00 : f32
        %jit3A_354 = arith.constant 1.000000e+00 : f32
        %max3A_355 = vector.broadcast %jit3A_353 : f32 to vector<16xf32>
        %max3A_356 = arith.maximumf %max3A_355, %add3A_352 : vector<16xf32>
        %min3A_357 = vector.broadcast %jit3A_354 : f32 to vector<16xf32>
        %min3A_358 = arith.minimumf %min3A_357, %max3A_356 : vector<16xf32>
        %get3A_359 = arith.constant 0 : index
        %get3A_360 = tpu.vector_load %arg14[%get3A_359] {strides = array<i32>} : memref<512xf32, #tpu.memory_space<vmem>>, vector<16xf32>,
        %mul3A_361 = arith.mulf %min3A_349, %get3A_360 : vector<16xf32>
        %add3A_362 = arith.addf %broadcast_in_dim3A_74, %mul3A_361 : vector<16xf32>
        %get3A_363 = arith.constant 128 : index
        %get3A_364 = tpu.vector_load %arg14[%get3A_363] {strides = array<i32>} : memref<512xf32, #tpu.memory_space<vmem>>, vector<16xf32>,
        %mul3A_365 = arith.mulf %min3A_358, %get3A_364 : vector<16xf32>
        %add3A_366 = arith.addf %add3A_362, %mul3A_365 : vector<16xf32>
        %unpack3A_367 = tpu.unpack_subelements %scan3A_337#1, 0 {pack_format = #tpu.pack_format<interleaved>} : vector<32xbf16> -> vector<16xf32>
        %unpack3A_368 = tpu.unpack_subelements %scan3A_337#1, 1 {pack_format = #tpu.pack_format<interleaved>} : vector<32xbf16> -> vector<16xf32>
        %get3A_369 = arith.constant 16 : index
        %get3A_370 = tpu.vector_load %arg13[%get3A_369] {strides = array<i32>} : memref<256xf32, #tpu.memory_space<vmem>>, vector<16xf32>,
        %add3A_371 = arith.addf %unpack3A_367, %get3A_370 : vector<16xf32>
        %jit3A_372 = arith.constant 0.000000e+00 : f32
        %jit3A_373 = arith.constant 1.000000e+00 : f32
        %max3A_374 = vector.broadcast %jit3A_372 : f32 to vector<16xf32>
        %max3A_375 = arith.maximumf %max3A_374, %add3A_371 : vector<16xf32>
        %min3A_376 = vector.broadcast %jit3A_373 : f32 to vector<16xf32>
        %min3A_377 = arith.minimumf %min3A_376, %max3A_375 : vector<16xf32>
        %get3A_378 = arith.constant 144 : index
        %get3A_379 = tpu.vector_load %arg13[%get3A_378] {strides = array<i32>} : memref<256xf32, #tpu.memory_space<vmem>>, vector<16xf32>,
        %add3A_380 = arith.addf %unpack3A_368, %get3A_379 : vector<16xf32>
        %jit3A_381 = arith.constant 0.000000e+00 : f32
        %jit3A_382 = arith.constant 1.000000e+00 : f32
        %max3A_383 = vector.broadcast %jit3A_381 : f32 to vector<16xf32>
        %max3A_384 = arith.maximumf %max3A_383, %add3A_380 : vector<16xf32>
        %min3A_385 = vector.broadcast %jit3A_382 : f32 to vector<16xf32>
        %min3A_386 = arith.minimumf %min3A_385, %max3A_384 : vector<16xf32>
        %get3A_387 = arith.constant 16 : index
        %get3A_388 = tpu.vector_load %arg14[%get3A_387] {strides = array<i32>} : memref<512xf32, #tpu.memory_space<vmem>>, vector<16xf32>,
        %mul3A_389 = arith.mulf %min3A_377, %get3A_388 : vector<16xf32>
        %add3A_390 = arith.addf %add3A_366, %mul3A_389 : vector<16xf32>
        %get3A_391 = arith.constant 144 : index
        %get3A_392 = tpu.vector_load %arg14[%get3A_391] {strides = array<i32>} : memref<512xf32, #tpu.memory_space<vmem>>, vector<16xf32>,
        %mul3A_393 = arith.mulf %min3A_386, %get3A_392 : vector<16xf32>
        %add3A_394 = arith.addf %add3A_390, %mul3A_393 : vector<16xf32>
        %unpack3A_395 = tpu.unpack_subelements %scan3A_337#2, 0 {pack_format = #tpu.pack_format<interleaved>} : vector<32xbf16> -> vector<16xf32>
        %unpack3A_396 = tpu.unpack_subelements %scan3A_337#2, 1 {pack_format = #tpu.pack_format<interleaved>} : vector<32xbf16> -> vector<16xf32>
        %get3A_397 = arith.constant 32 : index
        %get3A_398 = tpu.vector_load %arg13[%get3A_397] {strides = array<i32>} : memref<256xf32, #tpu.memory_space<vmem>>, vector<16xf32>,
        %add3A_399 = arith.addf %unpack3A_395, %get3A_398 : vector<16xf32>
        %jit3A_400 = arith.constant 0.000000e+00 : f32
        %jit3A_401 = arith.constant 1.000000e+00 : f32
        %max3A_402 = vector.broadcast %jit3A_400 : f32 to vector<16xf32>
        %max3A_403 = arith.maximumf %max3A_402, %add3A_399 : vector<16xf32>
        %min3A_404 = vector.broadcast %jit3A_401 : f32 to vector<16xf32>
        %min3A_405 = arith.minimumf %min3A_404, %max3A_403 : vector<16xf32>
        %get3A_406 = arith.constant 160 : index
        %get3A_407 = tpu.vector_load %arg13[%get3A_406] {strides = array<i32>} : memref<256xf32, #tpu.memory_space<vmem>>, vector<16xf32>,
        %add3A_408 = arith.addf %unpack3A_396, %get3A_407 : vector<16xf32>
        %jit3A_409 = arith.constant 0.000000e+00 : f32
        %jit3A_410 = arith.constant 1.000000e+00 : f32
        %max3A_411 = vector.broadcast %jit3A_409 : f32 to vector<16xf32>
        %max3A_412 = arith.maximumf %max3A_411, %add3A_408 : vector<16xf32>
        %min3A_413 = vector.broadcast %jit3A_410 : f32 to vector<16xf32>
        %min3A_414 = arith.minimumf %min3A_413, %max3A_412 : vector<16xf32>
        %get3A_415 = arith.constant 32 : index
        %get3A_416 = tpu.vector_load %arg14[%get3A_415] {strides = array<i32>} : memref<512xf32, #tpu.memory_space<vmem>>, vector<16xf32>,
        %mul3A_417 = arith.mulf %min3A_405, %get3A_416 : vector<16xf32>
        %add3A_418 = arith.addf %add3A_394, %mul3A_417 : vector<16xf32>
        %get3A_419 = arith.constant 160 : index
        %get3A_420 = tpu.vector_load %arg14[%get3A_419] {strides = array<i32>} : memref<512xf32, #tpu.memory_space<vmem>>, vector<16xf32>,
        %mul3A_421 = arith.mulf %min3A_414, %get3A_420 : vector<16xf32>
        %add3A_422 = arith.addf %add3A_418, %mul3A_421 : vector<16xf32>
        %unpack3A_423 = tpu.unpack_subelements %scan3A_337#3, 0 {pack_format = #tpu.pack_format<interleaved>} : vector<32xbf16> -> vector<16xf32>
        %unpack3A_424 = tpu.unpack_subelements %scan3A_337#3, 1 {pack_format = #tpu.pack_format<interleaved>} : vector<32xbf16> -> vector<16xf32>
        %get3A_425 = arith.constant 48 : index
        %get3A_426 = tpu.vector_load %arg13[%get3A_425] {strides = array<i32>} : memref<256xf32, #tpu.memory_space<vmem>>, vector<16xf32>,
        %add3A_427 = arith.addf %unpack3A_423, %get3A_426 : vector<16xf32>
        %jit3A_428 = arith.constant 0.000000e+00 : f32
        %jit3A_429 = arith.constant 1.000000e+00 : f32
        %max3A_430 = vector.broadcast %jit3A_428 : f32 to vector<16xf32>
        %max3A_431 = arith.maximumf %max3A_430, %add3A_427 : vector<16xf32>
        %min3A_432 = vector.broadcast %jit3A_429 : f32 to vector<16xf32>
        %min3A_433 = arith.minimumf %min3A_432, %max3A_431 : vector<16xf32>
        %get3A_434 = arith.constant 176 : index
        %get3A_435 = tpu.vector_load %arg13[%get3A_434] {strides = array<i32>} : memref<256xf32, #tpu.memory_space<vmem>>, vector<16xf32>,
        %add3A_436 = arith.addf %unpack3A_424, %get3A_435 : vector<16xf32>
        %jit3A_437 = arith.constant 0.000000e+00 : f32
        %jit3A_438 = arith.constant 1.000000e+00 : f32
        %max3A_439 = vector.broadcast %jit3A_437 : f32 to vector<16xf32>
        %max3A_440 = arith.maximumf %max3A_439, %add3A_436 : vector<16xf32>
        %min3A_441 = vector.broadcast %jit3A_438 : f32 to vector<16xf32>
        %min3A_442 = arith.minimumf %min3A_441, %max3A_440 : vector<16xf32>
        %get3A_443 = arith.constant 48 : index
        %get3A_444 = tpu.vector_load %arg14[%get3A_443] {strides = array<i32>} : memref<512xf32, #tpu.memory_space<vmem>>, vector<16xf32>,
        %mul3A_445 = arith.mulf %min3A_433, %get3A_444 : vector<16xf32>
        %add3A_446 = arith.addf %add3A_422, %mul3A_445 : vector<16xf32>
        %get3A_447 = arith.constant 176 : index
        %get3A_448 = tpu.vector_load %arg14[%get3A_447] {strides = array<i32>} : memref<512xf32, #tpu.memory_space<vmem>>, vector<16xf32>,
        %mul3A_449 = arith.mulf %min3A_442, %get3A_448 : vector<16xf32>
        %add3A_450 = arith.addf %add3A_446, %mul3A_449 : vector<16xf32>
        %unpack3A_451 = tpu.unpack_subelements %scan3A_337#4, 0 {pack_format = #tpu.pack_format<interleaved>} : vector<32xbf16> -> vector<16xf32>
        %unpack3A_452 = tpu.unpack_subelements %scan3A_337#4, 1 {pack_format = #tpu.pack_format<interleaved>} : vector<32xbf16> -> vector<16xf32>
        %get3A_453 = arith.constant 64 : index
        %get3A_454 = tpu.vector_load %arg13[%get3A_453] {strides = array<i32>} : memref<256xf32, #tpu.memory_space<vmem>>, vector<16xf32>,
        %add3A_455 = arith.addf %unpack3A_451, %get3A_454 : vector<16xf32>
        %jit3A_456 = arith.constant 0.000000e+00 : f32
        %jit3A_457 = arith.constant 1.000000e+00 : f32
        %max3A_458 = vector.broadcast %jit3A_456 : f32 to vector<16xf32>
        %max3A_459 = arith.maximumf %max3A_458, %add3A_455 : vector<16xf32>
        %min3A_460 = vector.broadcast %jit3A_457 : f32 to vector<16xf32>
        %min3A_461 = arith.minimumf %min3A_460, %max3A_459 : vector<16xf32>
        %get3A_462 = arith.constant 192 : index
        %get3A_463 = tpu.vector_load %arg13[%get3A_462] {strides = array<i32>} : memref<256xf32, #tpu.memory_space<vmem>>, vector<16xf32>,
        %add3A_464 = arith.addf %unpack3A_452, %get3A_463 : vector<16xf32>
        %jit3A_465 = arith.constant 0.000000e+00 : f32
        %jit3A_466 = arith.constant 1.000000e+00 : f32
        %max3A_467 = vector.broadcast %jit3A_465 : f32 to vector<16xf32>
        %max3A_468 = arith.maximumf %max3A_467, %add3A_464 : vector<16xf32>
        %min3A_469 = vector.broadcast %jit3A_466 : f32 to vector<16xf32>
        %min3A_470 = arith.minimumf %min3A_469, %max3A_468 : vector<16xf32>
        %get3A_471 = arith.constant 64 : index
        %get3A_472 = tpu.vector_load %arg14[%get3A_471] {strides = array<i32>} : memref<512xf32, #tpu.memory_space<vmem>>, vector<16xf32>,
        %mul3A_473 = arith.mulf %min3A_461, %get3A_472 : vector<16xf32>
        %add3A_474 = arith.addf %add3A_450, %mul3A_473 : vector<16xf32>
        %get3A_475 = arith.constant 192 : index
        %get3A_476 = tpu.vector_load %arg14[%get3A_475] {strides = array<i32>} : memref<512xf32, #tpu.memory_space<vmem>>, vector<16xf32>,
        %mul3A_477 = arith.mulf %min3A_470, %get3A_476 : vector<16xf32>
        %add3A_478 = arith.addf %add3A_474, %mul3A_477 : vector<16xf32>
        %unpack3A_479 = tpu.unpack_subelements %scan3A_337#5, 0 {pack_format = #tpu.pack_format<interleaved>} : vector<32xbf16> -> vector<16xf32>
        %unpack3A_480 = tpu.unpack_subelements %scan3A_337#5, 1 {pack_format = #tpu.pack_format<interleaved>} : vector<32xbf16> -> vector<16xf32>
        %get3A_481 = arith.constant 80 : index
        %get3A_482 = tpu.vector_load %arg13[%get3A_481] {strides = array<i32>} : memref<256xf32, #tpu.memory_space<vmem>>, vector<16xf32>,
        %add3A_483 = arith.addf %unpack3A_479, %get3A_482 : vector<16xf32>
        %jit3A_484 = arith.constant 0.000000e+00 : f32
        %jit3A_485 = arith.constant 1.000000e+00 : f32
        %max3A_486 = vector.broadcast %jit3A_484 : f32 to vector<16xf32>
        %max3A_487 = arith.maximumf %max3A_486, %add3A_483 : vector<16xf32>
        %min3A_488 = vector.broadcast %jit3A_485 : f32 to vector<16xf32>
        %min3A_489 = arith.minimumf %min3A_488, %max3A_487 : vector<16xf32>
        %get3A_490 = arith.constant 208 : index
        %get3A_491 = tpu.vector_load %arg13[%get3A_490] {strides = array<i32>} : memref<256xf32, #tpu.memory_space<vmem>>, vector<16xf32>,
        %add3A_492 = arith.addf %unpack3A_480, %get3A_491 : vector<16xf32>
        %jit3A_493 = arith.constant 0.000000e+00 : f32
        %jit3A_494 = arith.constant 1.000000e+00 : f32
        %max3A_495 = vector.broadcast %jit3A_493 : f32 to vector<16xf32>
        %max3A_496 = arith.maximumf %max3A_495, %add3A_492 : vector<16xf32>
        %min3A_497 = vector.broadcast %jit3A_494 : f32 to vector<16xf32>
        %min3A_498 = arith.minimumf %min3A_497, %max3A_496 : vector<16xf32>
        %get3A_499 = arith.constant 80 : index
        %get3A_500 = tpu.vector_load %arg14[%get3A_499] {strides = array<i32>} : memref<512xf32, #tpu.memory_space<vmem>>, vector<16xf32>,
        %mul3A_501 = arith.mulf %min3A_489, %get3A_500 : vector<16xf32>
        %add3A_502 = arith.addf %add3A_478, %mul3A_501 : vector<16xf32>
        %get3A_503 = arith.constant 208 : index
        %get3A_504 = tpu.vector_load %arg14[%get3A_503] {strides = array<i32>} : memref<512xf32, #tpu.memory_space<vmem>>, vector<16xf32>,
        %mul3A_505 = arith.mulf %min3A_498, %get3A_504 : vector<16xf32>
        %add3A_506 = arith.addf %add3A_502, %mul3A_505 : vector<16xf32>
        %unpack3A_507 = tpu.unpack_subelements %scan3A_337#6, 0 {pack_format = #tpu.pack_format<interleaved>} : vector<32xbf16> -> vector<16xf32>
        %unpack3A_508 = tpu.unpack_subelements %scan3A_337#6, 1 {pack_format = #tpu.pack_format<interleaved>} : vector<32xbf16> -> vector<16xf32>
        %get3A_509 = arith.constant 96 : index
        %get3A_510 = tpu.vector_load %arg13[%get3A_509] {strides = array<i32>} : memref<256xf32, #tpu.memory_space<vmem>>, vector<16xf32>,
        %add3A_511 = arith.addf %unpack3A_507, %get3A_510 : vector<16xf32>
        %jit3A_512 = arith.constant 0.000000e+00 : f32
        %jit3A_513 = arith.constant 1.000000e+00 : f32
        %max3A_514 = vector.broadcast %jit3A_512 : f32 to vector<16xf32>
        %max3A_515 = arith.maximumf %max3A_514, %add3A_511 : vector<16xf32>
        %min3A_516 = vector.broadcast %jit3A_513 : f32 to vector<16xf32>
        %min3A_517 = arith.minimumf %min3A_516, %max3A_515 : vector<16xf32>
        %get3A_518 = arith.constant 224 : index
        %get3A_519 = tpu.vector_load %arg13[%get3A_518] {strides = array<i32>} : memref<256xf32, #tpu.memory_space<vmem>>, vector<16xf32>,
        %add3A_520 = arith.addf %unpack3A_508, %get3A_519 : vector<16xf32>
        %jit3A_521 = arith.constant 0.000000e+00 : f32
        %jit3A_522 = arith.constant 1.000000e+00 : f32
        %max3A_523 = vector.broadcast %jit3A_521 : f32 to vector<16xf32>
        %max3A_524 = arith.maximumf %max3A_523, %add3A_520 : vector<16xf32>
        %min3A_525 = vector.broadcast %jit3A_522 : f32 to vector<16xf32>
        %min3A_526 = arith.minimumf %min3A_525, %max3A_524 : vector<16xf32>
        %get3A_527 = arith.constant 96 : index
        %get3A_528 = tpu.vector_load %arg14[%get3A_527] {strides = array<i32>} : memref<512xf32, #tpu.memory_space<vmem>>, vector<16xf32>,
        %mul3A_529 = arith.mulf %min3A_517, %get3A_528 : vector<16xf32>
        %add3A_530 = arith.addf %add3A_506, %mul3A_529 : vector<16xf32>
        %get3A_531 = arith.constant 224 : index
        %get3A_532 = tpu.vector_load %arg14[%get3A_531] {strides = array<i32>} : memref<512xf32, #tpu.memory_space<vmem>>, vector<16xf32>,
        %mul3A_533 = arith.mulf %min3A_526, %get3A_532 : vector<16xf32>
        %add3A_534 = arith.addf %add3A_530, %mul3A_533 : vector<16xf32>
        %unpack3A_535 = tpu.unpack_subelements %scan3A_337#7, 0 {pack_format = #tpu.pack_format<interleaved>} : vector<32xbf16> -> vector<16xf32>
        %unpack3A_536 = tpu.unpack_subelements %scan3A_337#7, 1 {pack_format = #tpu.pack_format<interleaved>} : vector<32xbf16> -> vector<16xf32>
        %get3A_537 = arith.constant 112 : index
        %get3A_538 = tpu.vector_load %arg13[%get3A_537] {strides = array<i32>} : memref<256xf32, #tpu.memory_space<vmem>>, vector<16xf32>,
        %add3A_539 = arith.addf %unpack3A_535, %get3A_538 : vector<16xf32>
        %jit3A_540 = arith.constant 0.000000e+00 : f32
        %jit3A_541 = arith.constant 1.000000e+00 : f32
        %max3A_542 = vector.broadcast %jit3A_540 : f32 to vector<16xf32>
        %max3A_543 = arith.maximumf %max3A_542, %add3A_539 : vector<16xf32>
        %min3A_544 = vector.broadcast %jit3A_541 : f32 to vector<16xf32>
        %min3A_545 = arith.minimumf %min3A_544, %max3A_543 : vector<16xf32>
        %get3A_546 = arith.constant 240 : index
        %get3A_547 = tpu.vector_load %arg13[%get3A_546] {strides = array<i32>} : memref<256xf32, #tpu.memory_space<vmem>>, vector<16xf32>,
        %add3A_548 = arith.addf %unpack3A_536, %get3A_547 : vector<16xf32>
        %jit3A_549 = arith.constant 0.000000e+00 : f32
        %jit3A_550 = arith.constant 1.000000e+00 : f32
        %max3A_551 = vector.broadcast %jit3A_549 : f32 to vector<16xf32>
        %max3A_552 = arith.maximumf %max3A_551, %add3A_548 : vector<16xf32>
        %min3A_553 = vector.broadcast %jit3A_550 : f32 to vector<16xf32>
        %min3A_554 = arith.minimumf %min3A_553, %max3A_552 : vector<16xf32>
        %get3A_555 = arith.constant 112 : index
        %get3A_556 = tpu.vector_load %arg14[%get3A_555] {strides = array<i32>} : memref<512xf32, #tpu.memory_space<vmem>>, vector<16xf32>,
        %mul3A_557 = arith.mulf %min3A_545, %get3A_556 : vector<16xf32>
        %add3A_558 = arith.addf %add3A_534, %mul3A_557 : vector<16xf32>
        %get3A_559 = arith.constant 240 : index
        %get3A_560 = tpu.vector_load %arg14[%get3A_559] {strides = array<i32>} : memref<512xf32, #tpu.memory_space<vmem>>, vector<16xf32>,
        %mul3A_561 = arith.mulf %min3A_554, %get3A_560 : vector<16xf32>
        %add3A_562 = arith.addf %add3A_558, %mul3A_561 : vector<16xf32>
        %lt3A = arith.constant 63 : i32
        %lt3A_563 = arith.cmpi slt, %scan3A_51, %lt3A : i32
        %convert_element_type3A = arith.extui %lt3A_563 : i1 to i32
        %cond3A = arith.constant 0 : i32
        %cond3A_564 = arith.cmpi ne, %convert_element_type3A, %cond3A : i32
        scf.if %cond3A_564 {
          %add3A_1080 = arith.constant 1 : i32
          %add3A_1081 = arith.addi %scan3A_51, %add3A_1080 : i32
          %dma_start3A_1082 = arith.constant 0 : i32
          %dma_start3A_1083 = arith.constant 0 : i32
          %dma_start3A_1084 = arith.constant 0 : i32
          %dma_start3A_1085 = tpu.memref_slice %arg11[%dma_start3A_1082, %dma_start3A_1083, %dma_start3A_1084] : memref<2x128x128xi32, #tpu.memory_space<vmem>> -> memref<1x128x128xi32, #tpu.memory_space<vmem>>
          %dma_start3A_1086 = tpu.memref_squeeze %dma_start3A_1085 : memref<1x128x128xi32, #tpu.memory_space<vmem>> -> memref<128x128xi32, #tpu.memory_space<vmem>>
          %dma_start3A_1087 = arith.constant 0 : i32
          %dma_start3A_1088 = tpu.memref_slice %arg9[%add3A_1081, %dma_start3A_1087] : memref<64x128xi32, #tpu.memory_space<vmem>> -> memref<1x128xi32, #tpu.memory_space<vmem>>
          %dma_start3A_1089 = tpu.memref_squeeze %dma_start3A_1088 : memref<1x128xi32, #tpu.memory_space<vmem>> -> memref<128xi32, #tpu.memory_space<vmem>>
          %dma_start3A_1090 = arith.constant 0 : i32
          %dma_start3A_1091 = arith.constant 0 : i32
          %dma_start3A_1092 = tpu.memref_slice %arg4[%dma_start3A_1090, %dma_start3A_1091] : memref<41600x128xi32, #tpu.memory_space<hbm>> -> memref<41600x128xi32, #tpu.memory_space<hbm>>
          tpu.enqueue_indirect_dma source(%dma_start3A_1092 : memref<41600x128xi32, #tpu.memory_space<hbm>>) target(%dma_start3A_1086 : memref<128x128xi32, #tpu.memory_space<vmem>>) offsets(%dma_start3A_1089 : memref<128xi32, #tpu.memory_space<vmem>>) semaphore(%arg17 : memref<!tpu.dma_semaphore, #tpu.memory_space<semaphore_mem>>)
        } else {
        }
        %dma_wait3A_565 = arith.constant 0 : i32
        %dma_wait3A_566 = arith.constant 1 : i32
        %dma_wait3A_567 = arith.constant 0 : i32
        %dma_wait3A_568 = arith.constant 0 : i32
        %dma_wait3A_569 = tpu.memref_slice %arg11[%dma_wait3A_566, %dma_wait3A_567, %dma_wait3A_568] : memref<2x128x128xi32, #tpu.memory_space<vmem>> -> memref<1x128x128xi32, #tpu.memory_space<vmem>>
        %dma_wait3A_570 = tpu.memref_squeeze %dma_wait3A_569 : memref<1x128x128xi32, #tpu.memory_space<vmem>> -> memref<128x128xi32, #tpu.memory_space<vmem>>
        %dma_wait3A_571 = arith.constant 0 : i32
        %dma_wait3A_572 = tpu.memref_slice %arg9[%dma_wait3A_565, %dma_wait3A_571] : memref<64x128xi32, #tpu.memory_space<vmem>> -> memref<1x128xi32, #tpu.memory_space<vmem>>
        %dma_wait3A_573 = tpu.memref_squeeze %dma_wait3A_572 : memref<1x128xi32, #tpu.memory_space<vmem>> -> memref<128xi32, #tpu.memory_space<vmem>>
        %dma_wait3A_574 = arith.constant 0 : i32
        %dma_wait3A_575 = arith.constant 0 : i32
        %dma_wait3A_576 = tpu.memref_slice %arg4[%dma_wait3A_574, %dma_wait3A_575] : memref<41600x128xi32, #tpu.memory_space<hbm>> -> memref<41600x128xi32, #tpu.memory_space<hbm>>
        tpu.wait_indirect_dma semaphore(%arg18 : memref<!tpu.dma_semaphore, #tpu.memory_space<semaphore_mem>>) src(%dma_wait3A_576 : memref<41600x128xi32, #tpu.memory_space<hbm>>) dst(%dma_wait3A_570 : memref<128x128xi32, #tpu.memory_space<vmem>>)
        %broadcast_in_dim3A_577 = arith.constant 0.000000e+00 : bf16
        %broadcast_in_dim3A_578 = vector.broadcast %broadcast_in_dim3A_577 : bf16 to vector<32xbf16>
        %broadcast_in_dim3A_579 = arith.constant 0.000000e+00 : bf16
        %broadcast_in_dim3A_580 = vector.broadcast %broadcast_in_dim3A_579 : bf16 to vector<32xbf16>
        %broadcast_in_dim3A_581 = arith.constant 0.000000e+00 : bf16
        %broadcast_in_dim3A_582 = vector.broadcast %broadcast_in_dim3A_581 : bf16 to vector<32xbf16>
        %broadcast_in_dim3A_583 = arith.constant 0.000000e+00 : bf16
        %broadcast_in_dim3A_584 = vector.broadcast %broadcast_in_dim3A_583 : bf16 to vector<32xbf16>
        %broadcast_in_dim3A_585 = arith.constant 0.000000e+00 : bf16
        %broadcast_in_dim3A_586 = vector.broadcast %broadcast_in_dim3A_585 : bf16 to vector<32xbf16>
        %broadcast_in_dim3A_587 = arith.constant 0.000000e+00 : bf16
        %broadcast_in_dim3A_588 = vector.broadcast %broadcast_in_dim3A_587 : bf16 to vector<32xbf16>
        %broadcast_in_dim3A_589 = arith.constant 0.000000e+00 : bf16
        %broadcast_in_dim3A_590 = vector.broadcast %broadcast_in_dim3A_589 : bf16 to vector<32xbf16>
        %broadcast_in_dim3A_591 = arith.constant 0.000000e+00 : bf16
        %broadcast_in_dim3A_592 = vector.broadcast %broadcast_in_dim3A_591 : bf16 to vector<32xbf16>
        %scan3A_593 = arith.constant 0 : i32
        %scan3A_594 = arith.constant 64 : i32
        %scan3A_595 = arith.addi %scan3A_593, %scan3A_594 : i32
        %scan3A_596 = arith.constant 1 : i32
        %scan3A_597:8 = scf.for %scan3A_1080 = %scan3A_593 to %scan3A_595 step %scan3A_596 iter_args(%scan3A_1081 = %broadcast_in_dim3A_578, %scan3A_1082 = %broadcast_in_dim3A_580, %scan3A_1083 = %broadcast_in_dim3A_582, %scan3A_1084 = %broadcast_in_dim3A_584, %scan3A_1085 = %broadcast_in_dim3A_586, %scan3A_1086 = %broadcast_in_dim3A_588, %scan3A_1087 = %broadcast_in_dim3A_590, %scan3A_1088 = %broadcast_in_dim3A_592) -> (vector<32xbf16>, vector<32xbf16>, vector<32xbf16>, vector<32xbf16>, vector<32xbf16>, vector<32xbf16>, vector<32xbf16>, vector<32xbf16>)  : i32 {
          %get3A_1089 = arith.constant 1 : i32
          %get3A_1090 = arith.index_cast %get3A_1089 : i32 to index
          %get3A_1091 = arith.index_cast %scan3A_1080 : i32 to index
          %get3A_1092 = arith.constant 0 : index
          %get3A_1093 = tpu.vector_load %arg11[%get3A_1090, %get3A_1091, %get3A_1092] {strides = array<i32>} : memref<2x128x128xi32, #tpu.memory_space<vmem>>, vector<16xi32>,
          %bitcast3A = vector.bitcast %get3A_1093 : vector<16xi32> to vector<32xbf16>
          %add3A_1094 = arith.addf %scan3A_1081, %bitcast3A : vector<32xbf16>
          %get3A_1095 = arith.constant 1 : i32
          %get3A_1096 = arith.index_cast %get3A_1095 : i32 to index
          %get3A_1097 = arith.index_cast %scan3A_1080 : i32 to index
          %get3A_1098 = arith.constant 16 : index
          %get3A_1099 = tpu.vector_load %arg11[%get3A_1096, %get3A_1097, %get3A_1098] {strides = array<i32>} : memref<2x128x128xi32, #tpu.memory_space<vmem>>, vector<16xi32>,
          %bitcast3A_1100 = vector.bitcast %get3A_1099 : vector<16xi32> to vector<32xbf16>
          %add3A_1101 = arith.addf %scan3A_1082, %bitcast3A_1100 : vector<32xbf16>
          %get3A_1102 = arith.constant 1 : i32
          %get3A_1103 = arith.index_cast %get3A_1102 : i32 to index
          %get3A_1104 = arith.index_cast %scan3A_1080 : i32 to index
          %get3A_1105 = arith.constant 32 : index
          %get3A_1106 = tpu.vector_load %arg11[%get3A_1103, %get3A_1104, %get3A_1105] {strides = array<i32>} : memref<2x128x128xi32, #tpu.memory_space<vmem>>, vector<16xi32>,
          %bitcast3A_1107 = vector.bitcast %get3A_1106 : vector<16xi32> to vector<32xbf16>
          %add3A_1108 = arith.addf %scan3A_1083, %bitcast3A_1107 : vector<32xbf16>
          %get3A_1109 = arith.constant 1 : i32
          %get3A_1110 = arith.index_cast %get3A_1109 : i32 to index
          %get3A_1111 = arith.index_cast %scan3A_1080 : i32 to index
          %get3A_1112 = arith.constant 48 : index
          %get3A_1113 = tpu.vector_load %arg11[%get3A_1110, %get3A_1111, %get3A_1112] {strides = array<i32>} : memref<2x128x128xi32, #tpu.memory_space<vmem>>, vector<16xi32>,
          %bitcast3A_1114 = vector.bitcast %get3A_1113 : vector<16xi32> to vector<32xbf16>
          %add3A_1115 = arith.addf %scan3A_1084, %bitcast3A_1114 : vector<32xbf16>
          %get3A_1116 = arith.constant 1 : i32
          %get3A_1117 = arith.index_cast %get3A_1116 : i32 to index
          %get3A_1118 = arith.index_cast %scan3A_1080 : i32 to index
          %get3A_1119 = arith.constant 64 : index
          %get3A_1120 = tpu.vector_load %arg11[%get3A_1117, %get3A_1118, %get3A_1119] {strides = array<i32>} : memref<2x128x128xi32, #tpu.memory_space<vmem>>, vector<16xi32>,
          %bitcast3A_1121 = vector.bitcast %get3A_1120 : vector<16xi32> to vector<32xbf16>
          %add3A_1122 = arith.addf %scan3A_1085, %bitcast3A_1121 : vector<32xbf16>
          %get3A_1123 = arith.constant 1 : i32
          %get3A_1124 = arith.index_cast %get3A_1123 : i32 to index
          %get3A_1125 = arith.index_cast %scan3A_1080 : i32 to index
          %get3A_1126 = arith.constant 80 : index
          %get3A_1127 = tpu.vector_load %arg11[%get3A_1124, %get3A_1125, %get3A_1126] {strides = array<i32>} : memref<2x128x128xi32, #tpu.memory_space<vmem>>, vector<16xi32>,
          %bitcast3A_1128 = vector.bitcast %get3A_1127 : vector<16xi32> to vector<32xbf16>
          %add3A_1129 = arith.addf %scan3A_1086, %bitcast3A_1128 : vector<32xbf16>
          %get3A_1130 = arith.constant 1 : i32
          %get3A_1131 = arith.index_cast %get3A_1130 : i32 to index
          %get3A_1132 = arith.index_cast %scan3A_1080 : i32 to index
          %get3A_1133 = arith.constant 96 : index
          %get3A_1134 = tpu.vector_load %arg11[%get3A_1131, %get3A_1132, %get3A_1133] {strides = array<i32>} : memref<2x128x128xi32, #tpu.memory_space<vmem>>, vector<16xi32>,
          %bitcast3A_1135 = vector.bitcast %get3A_1134 : vector<16xi32> to vector<32xbf16>
          %add3A_1136 = arith.addf %scan3A_1087, %bitcast3A_1135 : vector<32xbf16>
          %get3A_1137 = arith.constant 1 : i32
          %get3A_1138 = arith.index_cast %get3A_1137 : i32 to index
          %get3A_1139 = arith.index_cast %scan3A_1080 : i32 to index
          %get3A_1140 = arith.constant 112 : index
          %get3A_1141 = tpu.vector_load %arg11[%get3A_1138, %get3A_1139, %get3A_1140] {strides = array<i32>} : memref<2x128x128xi32, #tpu.memory_space<vmem>>, vector<16xi32>,
          %bitcast3A_1142 = vector.bitcast %get3A_1141 : vector<16xi32> to vector<32xbf16>
          %add3A_1143 = arith.addf %scan3A_1088, %bitcast3A_1142 : vector<32xbf16>
          scf.yield %add3A_1094, %add3A_1101, %add3A_1108, %add3A_1115, %add3A_1122, %add3A_1129, %add3A_1136, %add3A_1143 : vector<32xbf16>, vector<32xbf16>, vector<32xbf16>, vector<32xbf16>, vector<32xbf16>, vector<32xbf16>, vector<32xbf16>, vector<32xbf16>
        }
        %scan3A_598 = arith.constant 64 : i32
        %unpack3A_599 = tpu.unpack_subelements %scan3A_597#0, 0 {pack_format = #tpu.pack_format<interleaved>} : vector<32xbf16> -> vector<16xf32>
        %unpack3A_600 = tpu.unpack_subelements %scan3A_597#0, 1 {pack_format = #tpu.pack_format<interleaved>} : vector<32xbf16> -> vector<16xf32>
        %get3A_601 = arith.constant 0 : index
        %get3A_602 = tpu.vector_load %arg13[%get3A_601] {strides = array<i32>} : memref<256xf32, #tpu.memory_space<vmem>>, vector<16xf32>,
        %add3A_603 = arith.addf %unpack3A_599, %get3A_602 : vector<16xf32>
        %jit3A_604 = arith.constant 0.000000e+00 : f32
        %jit3A_605 = arith.constant 1.000000e+00 : f32
        %max3A_606 = vector.broadcast %jit3A_604 : f32 to vector<16xf32>
        %max3A_607 = arith.maximumf %max3A_606, %add3A_603 : vector<16xf32>
        %min3A_608 = vector.broadcast %jit3A_605 : f32 to vector<16xf32>
        %min3A_609 = arith.minimumf %min3A_608, %max3A_607 : vector<16xf32>
        %get3A_610 = arith.constant 128 : index
        %get3A_611 = tpu.vector_load %arg13[%get3A_610] {strides = array<i32>} : memref<256xf32, #tpu.memory_space<vmem>>, vector<16xf32>,
        %add3A_612 = arith.addf %unpack3A_600, %get3A_611 : vector<16xf32>
        %jit3A_613 = arith.constant 0.000000e+00 : f32
        %jit3A_614 = arith.constant 1.000000e+00 : f32
        %max3A_615 = vector.broadcast %jit3A_613 : f32 to vector<16xf32>
        %max3A_616 = arith.maximumf %max3A_615, %add3A_612 : vector<16xf32>
        %min3A_617 = vector.broadcast %jit3A_614 : f32 to vector<16xf32>
        %min3A_618 = arith.minimumf %min3A_617, %max3A_616 : vector<16xf32>
        %get3A_619 = arith.constant 256 : index
        %get3A_620 = tpu.vector_load %arg14[%get3A_619] {strides = array<i32>} : memref<512xf32, #tpu.memory_space<vmem>>, vector<16xf32>,
        %mul3A_621 = arith.mulf %min3A_609, %get3A_620 : vector<16xf32>
        %add3A_622 = arith.addf %add3A_316, %mul3A_621 : vector<16xf32>
        %get3A_623 = arith.constant 384 : index
        %get3A_624 = tpu.vector_load %arg14[%get3A_623] {strides = array<i32>} : memref<512xf32, #tpu.memory_space<vmem>>, vector<16xf32>,
        %mul3A_625 = arith.mulf %min3A_618, %get3A_624 : vector<16xf32>
        %add3A_626 = arith.addf %add3A_622, %mul3A_625 : vector<16xf32>
        %unpack3A_627 = tpu.unpack_subelements %scan3A_597#1, 0 {pack_format = #tpu.pack_format<interleaved>} : vector<32xbf16> -> vector<16xf32>
        %unpack3A_628 = tpu.unpack_subelements %scan3A_597#1, 1 {pack_format = #tpu.pack_format<interleaved>} : vector<32xbf16> -> vector<16xf32>
        %get3A_629 = arith.constant 16 : index
        %get3A_630 = tpu.vector_load %arg13[%get3A_629] {strides = array<i32>} : memref<256xf32, #tpu.memory_space<vmem>>, vector<16xf32>,
        %add3A_631 = arith.addf %unpack3A_627, %get3A_630 : vector<16xf32>
        %jit3A_632 = arith.constant 0.000000e+00 : f32
        %jit3A_633 = arith.constant 1.000000e+00 : f32
        %max3A_634 = vector.broadcast %jit3A_632 : f32 to vector<16xf32>
        %max3A_635 = arith.maximumf %max3A_634, %add3A_631 : vector<16xf32>
        %min3A_636 = vector.broadcast %jit3A_633 : f32 to vector<16xf32>
        %min3A_637 = arith.minimumf %min3A_636, %max3A_635 : vector<16xf32>
        %get3A_638 = arith.constant 144 : index
        %get3A_639 = tpu.vector_load %arg13[%get3A_638] {strides = array<i32>} : memref<256xf32, #tpu.memory_space<vmem>>, vector<16xf32>,
        %add3A_640 = arith.addf %unpack3A_628, %get3A_639 : vector<16xf32>
        %jit3A_641 = arith.constant 0.000000e+00 : f32
        %jit3A_642 = arith.constant 1.000000e+00 : f32
        %max3A_643 = vector.broadcast %jit3A_641 : f32 to vector<16xf32>
        %max3A_644 = arith.maximumf %max3A_643, %add3A_640 : vector<16xf32>
        %min3A_645 = vector.broadcast %jit3A_642 : f32 to vector<16xf32>
        %min3A_646 = arith.minimumf %min3A_645, %max3A_644 : vector<16xf32>
        %get3A_647 = arith.constant 272 : index
        %get3A_648 = tpu.vector_load %arg14[%get3A_647] {strides = array<i32>} : memref<512xf32, #tpu.memory_space<vmem>>, vector<16xf32>,
        %mul3A_649 = arith.mulf %min3A_637, %get3A_648 : vector<16xf32>
        %add3A_650 = arith.addf %add3A_626, %mul3A_649 : vector<16xf32>
        %get3A_651 = arith.constant 400 : index
        %get3A_652 = tpu.vector_load %arg14[%get3A_651] {strides = array<i32>} : memref<512xf32, #tpu.memory_space<vmem>>, vector<16xf32>,
        %mul3A_653 = arith.mulf %min3A_646, %get3A_652 : vector<16xf32>
        %add3A_654 = arith.addf %add3A_650, %mul3A_653 : vector<16xf32>
        %unpack3A_655 = tpu.unpack_subelements %scan3A_597#2, 0 {pack_format = #tpu.pack_format<interleaved>} : vector<32xbf16> -> vector<16xf32>
        %unpack3A_656 = tpu.unpack_subelements %scan3A_597#2, 1 {pack_format = #tpu.pack_format<interleaved>} : vector<32xbf16> -> vector<16xf32>
        %get3A_657 = arith.constant 32 : index
        %get3A_658 = tpu.vector_load %arg13[%get3A_657] {strides = array<i32>} : memref<256xf32, #tpu.memory_space<vmem>>, vector<16xf32>,
        %add3A_659 = arith.addf %unpack3A_655, %get3A_658 : vector<16xf32>
        %jit3A_660 = arith.constant 0.000000e+00 : f32
        %jit3A_661 = arith.constant 1.000000e+00 : f32
        %max3A_662 = vector.broadcast %jit3A_660 : f32 to vector<16xf32>
        %max3A_663 = arith.maximumf %max3A_662, %add3A_659 : vector<16xf32>
        %min3A_664 = vector.broadcast %jit3A_661 : f32 to vector<16xf32>
        %min3A_665 = arith.minimumf %min3A_664, %max3A_663 : vector<16xf32>
        %get3A_666 = arith.constant 160 : index
        %get3A_667 = tpu.vector_load %arg13[%get3A_666] {strides = array<i32>} : memref<256xf32, #tpu.memory_space<vmem>>, vector<16xf32>,
        %add3A_668 = arith.addf %unpack3A_656, %get3A_667 : vector<16xf32>
        %jit3A_669 = arith.constant 0.000000e+00 : f32
        %jit3A_670 = arith.constant 1.000000e+00 : f32
        %max3A_671 = vector.broadcast %jit3A_669 : f32 to vector<16xf32>
        %max3A_672 = arith.maximumf %max3A_671, %add3A_668 : vector<16xf32>
        %min3A_673 = vector.broadcast %jit3A_670 : f32 to vector<16xf32>
        %min3A_674 = arith.minimumf %min3A_673, %max3A_672 : vector<16xf32>
        %get3A_675 = arith.constant 288 : index
        %get3A_676 = tpu.vector_load %arg14[%get3A_675] {strides = array<i32>} : memref<512xf32, #tpu.memory_space<vmem>>, vector<16xf32>,
        %mul3A_677 = arith.mulf %min3A_665, %get3A_676 : vector<16xf32>
        %add3A_678 = arith.addf %add3A_654, %mul3A_677 : vector<16xf32>
        %get3A_679 = arith.constant 416 : index
        %get3A_680 = tpu.vector_load %arg14[%get3A_679] {strides = array<i32>} : memref<512xf32, #tpu.memory_space<vmem>>, vector<16xf32>,
        %mul3A_681 = arith.mulf %min3A_674, %get3A_680 : vector<16xf32>
        %add3A_682 = arith.addf %add3A_678, %mul3A_681 : vector<16xf32>
        %unpack3A_683 = tpu.unpack_subelements %scan3A_597#3, 0 {pack_format = #tpu.pack_format<interleaved>} : vector<32xbf16> -> vector<16xf32>
        %unpack3A_684 = tpu.unpack_subelements %scan3A_597#3, 1 {pack_format = #tpu.pack_format<interleaved>} : vector<32xbf16> -> vector<16xf32>
        %get3A_685 = arith.constant 48 : index
        %get3A_686 = tpu.vector_load %arg13[%get3A_685] {strides = array<i32>} : memref<256xf32, #tpu.memory_space<vmem>>, vector<16xf32>,
        %add3A_687 = arith.addf %unpack3A_683, %get3A_686 : vector<16xf32>
        %jit3A_688 = arith.constant 0.000000e+00 : f32
        %jit3A_689 = arith.constant 1.000000e+00 : f32
        %max3A_690 = vector.broadcast %jit3A_688 : f32 to vector<16xf32>
        %max3A_691 = arith.maximumf %max3A_690, %add3A_687 : vector<16xf32>
        %min3A_692 = vector.broadcast %jit3A_689 : f32 to vector<16xf32>
        %min3A_693 = arith.minimumf %min3A_692, %max3A_691 : vector<16xf32>
        %get3A_694 = arith.constant 176 : index
        %get3A_695 = tpu.vector_load %arg13[%get3A_694] {strides = array<i32>} : memref<256xf32, #tpu.memory_space<vmem>>, vector<16xf32>,
        %add3A_696 = arith.addf %unpack3A_684, %get3A_695 : vector<16xf32>
        %jit3A_697 = arith.constant 0.000000e+00 : f32
        %jit3A_698 = arith.constant 1.000000e+00 : f32
        %max3A_699 = vector.broadcast %jit3A_697 : f32 to vector<16xf32>
        %max3A_700 = arith.maximumf %max3A_699, %add3A_696 : vector<16xf32>
        %min3A_701 = vector.broadcast %jit3A_698 : f32 to vector<16xf32>
        %min3A_702 = arith.minimumf %min3A_701, %max3A_700 : vector<16xf32>
        %get3A_703 = arith.constant 304 : index
        %get3A_704 = tpu.vector_load %arg14[%get3A_703] {strides = array<i32>} : memref<512xf32, #tpu.memory_space<vmem>>, vector<16xf32>,
        %mul3A_705 = arith.mulf %min3A_693, %get3A_704 : vector<16xf32>
        %add3A_706 = arith.addf %add3A_682, %mul3A_705 : vector<16xf32>
        %get3A_707 = arith.constant 432 : index
        %get3A_708 = tpu.vector_load %arg14[%get3A_707] {strides = array<i32>} : memref<512xf32, #tpu.memory_space<vmem>>, vector<16xf32>,
        %mul3A_709 = arith.mulf %min3A_702, %get3A_708 : vector<16xf32>
        %add3A_710 = arith.addf %add3A_706, %mul3A_709 : vector<16xf32>
        %unpack3A_711 = tpu.unpack_subelements %scan3A_597#4, 0 {pack_format = #tpu.pack_format<interleaved>} : vector<32xbf16> -> vector<16xf32>
        %unpack3A_712 = tpu.unpack_subelements %scan3A_597#4, 1 {pack_format = #tpu.pack_format<interleaved>} : vector<32xbf16> -> vector<16xf32>
        %get3A_713 = arith.constant 64 : index
        %get3A_714 = tpu.vector_load %arg13[%get3A_713] {strides = array<i32>} : memref<256xf32, #tpu.memory_space<vmem>>, vector<16xf32>,
        %add3A_715 = arith.addf %unpack3A_711, %get3A_714 : vector<16xf32>
        %jit3A_716 = arith.constant 0.000000e+00 : f32
        %jit3A_717 = arith.constant 1.000000e+00 : f32
        %max3A_718 = vector.broadcast %jit3A_716 : f32 to vector<16xf32>
        %max3A_719 = arith.maximumf %max3A_718, %add3A_715 : vector<16xf32>
        %min3A_720 = vector.broadcast %jit3A_717 : f32 to vector<16xf32>
        %min3A_721 = arith.minimumf %min3A_720, %max3A_719 : vector<16xf32>
        %get3A_722 = arith.constant 192 : index
        %get3A_723 = tpu.vector_load %arg13[%get3A_722] {strides = array<i32>} : memref<256xf32, #tpu.memory_space<vmem>>, vector<16xf32>,
        %add3A_724 = arith.addf %unpack3A_712, %get3A_723 : vector<16xf32>
        %jit3A_725 = arith.constant 0.000000e+00 : f32
        %jit3A_726 = arith.constant 1.000000e+00 : f32
        %max3A_727 = vector.broadcast %jit3A_725 : f32 to vector<16xf32>
        %max3A_728 = arith.maximumf %max3A_727, %add3A_724 : vector<16xf32>
        %min3A_729 = vector.broadcast %jit3A_726 : f32 to vector<16xf32>
        %min3A_730 = arith.minimumf %min3A_729, %max3A_728 : vector<16xf32>
        %get3A_731 = arith.constant 320 : index
        %get3A_732 = tpu.vector_load %arg14[%get3A_731] {strides = array<i32>} : memref<512xf32, #tpu.memory_space<vmem>>, vector<16xf32>,
        %mul3A_733 = arith.mulf %min3A_721, %get3A_732 : vector<16xf32>
        %add3A_734 = arith.addf %add3A_710, %mul3A_733 : vector<16xf32>
        %get3A_735 = arith.constant 448 : index
        %get3A_736 = tpu.vector_load %arg14[%get3A_735] {strides = array<i32>} : memref<512xf32, #tpu.memory_space<vmem>>, vector<16xf32>,
        %mul3A_737 = arith.mulf %min3A_730, %get3A_736 : vector<16xf32>
        %add3A_738 = arith.addf %add3A_734, %mul3A_737 : vector<16xf32>
        %unpack3A_739 = tpu.unpack_subelements %scan3A_597#5, 0 {pack_format = #tpu.pack_format<interleaved>} : vector<32xbf16> -> vector<16xf32>
        %unpack3A_740 = tpu.unpack_subelements %scan3A_597#5, 1 {pack_format = #tpu.pack_format<interleaved>} : vector<32xbf16> -> vector<16xf32>
        %get3A_741 = arith.constant 80 : index
        %get3A_742 = tpu.vector_load %arg13[%get3A_741] {strides = array<i32>} : memref<256xf32, #tpu.memory_space<vmem>>, vector<16xf32>,
        %add3A_743 = arith.addf %unpack3A_739, %get3A_742 : vector<16xf32>
        %jit3A_744 = arith.constant 0.000000e+00 : f32
        %jit3A_745 = arith.constant 1.000000e+00 : f32
        %max3A_746 = vector.broadcast %jit3A_744 : f32 to vector<16xf32>
        %max3A_747 = arith.maximumf %max3A_746, %add3A_743 : vector<16xf32>
        %min3A_748 = vector.broadcast %jit3A_745 : f32 to vector<16xf32>
        %min3A_749 = arith.minimumf %min3A_748, %max3A_747 : vector<16xf32>
        %get3A_750 = arith.constant 208 : index
        %get3A_751 = tpu.vector_load %arg13[%get3A_750] {strides = array<i32>} : memref<256xf32, #tpu.memory_space<vmem>>, vector<16xf32>,
        %add3A_752 = arith.addf %unpack3A_740, %get3A_751 : vector<16xf32>
        %jit3A_753 = arith.constant 0.000000e+00 : f32
        %jit3A_754 = arith.constant 1.000000e+00 : f32
        %max3A_755 = vector.broadcast %jit3A_753 : f32 to vector<16xf32>
        %max3A_756 = arith.maximumf %max3A_755, %add3A_752 : vector<16xf32>
        %min3A_757 = vector.broadcast %jit3A_754 : f32 to vector<16xf32>
        %min3A_758 = arith.minimumf %min3A_757, %max3A_756 : vector<16xf32>
        %get3A_759 = arith.constant 336 : index
        %get3A_760 = tpu.vector_load %arg14[%get3A_759] {strides = array<i32>} : memref<512xf32, #tpu.memory_space<vmem>>, vector<16xf32>,
        %mul3A_761 = arith.mulf %min3A_749, %get3A_760 : vector<16xf32>
        %add3A_762 = arith.addf %add3A_738, %mul3A_761 : vector<16xf32>
        %get3A_763 = arith.constant 464 : index
        %get3A_764 = tpu.vector_load %arg14[%get3A_763] {strides = array<i32>} : memref<512xf32, #tpu.memory_space<vmem>>, vector<16xf32>,
        %mul3A_765 = arith.mulf %min3A_758, %get3A_764 : vector<16xf32>
        %add3A_766 = arith.addf %add3A_762, %mul3A_765 : vector<16xf32>
        %unpack3A_767 = tpu.unpack_subelements %scan3A_597#6, 0 {pack_format = #tpu.pack_format<interleaved>} : vector<32xbf16> -> vector<16xf32>
        %unpack3A_768 = tpu.unpack_subelements %scan3A_597#6, 1 {pack_format = #tpu.pack_format<interleaved>} : vector<32xbf16> -> vector<16xf32>
        %get3A_769 = arith.constant 96 : index
        %get3A_770 = tpu.vector_load %arg13[%get3A_769] {strides = array<i32>} : memref<256xf32, #tpu.memory_space<vmem>>, vector<16xf32>,
        %add3A_771 = arith.addf %unpack3A_767, %get3A_770 : vector<16xf32>
        %jit3A_772 = arith.constant 0.000000e+00 : f32
        %jit3A_773 = arith.constant 1.000000e+00 : f32
        %max3A_774 = vector.broadcast %jit3A_772 : f32 to vector<16xf32>
        %max3A_775 = arith.maximumf %max3A_774, %add3A_771 : vector<16xf32>
        %min3A_776 = vector.broadcast %jit3A_773 : f32 to vector<16xf32>
        %min3A_777 = arith.minimumf %min3A_776, %max3A_775 : vector<16xf32>
        %get3A_778 = arith.constant 224 : index
        %get3A_779 = tpu.vector_load %arg13[%get3A_778] {strides = array<i32>} : memref<256xf32, #tpu.memory_space<vmem>>, vector<16xf32>,
        %add3A_780 = arith.addf %unpack3A_768, %get3A_779 : vector<16xf32>
        %jit3A_781 = arith.constant 0.000000e+00 : f32
        %jit3A_782 = arith.constant 1.000000e+00 : f32
        %max3A_783 = vector.broadcast %jit3A_781 : f32 to vector<16xf32>
        %max3A_784 = arith.maximumf %max3A_783, %add3A_780 : vector<16xf32>
        %min3A_785 = vector.broadcast %jit3A_782 : f32 to vector<16xf32>
        %min3A_786 = arith.minimumf %min3A_785, %max3A_784 : vector<16xf32>
        %get3A_787 = arith.constant 352 : index
        %get3A_788 = tpu.vector_load %arg14[%get3A_787] {strides = array<i32>} : memref<512xf32, #tpu.memory_space<vmem>>, vector<16xf32>,
        %mul3A_789 = arith.mulf %min3A_777, %get3A_788 : vector<16xf32>
        %add3A_790 = arith.addf %add3A_766, %mul3A_789 : vector<16xf32>
        %get3A_791 = arith.constant 480 : index
        %get3A_792 = tpu.vector_load %arg14[%get3A_791] {strides = array<i32>} : memref<512xf32, #tpu.memory_space<vmem>>, vector<16xf32>,
        %mul3A_793 = arith.mulf %min3A_786, %get3A_792 : vector<16xf32>
        %add3A_794 = arith.addf %add3A_790, %mul3A_793 : vector<16xf32>
        %unpack3A_795 = tpu.unpack_subelements %scan3A_597#7, 0 {pack_format = #tpu.pack_format<interleaved>} : vector<32xbf16> -> vector<16xf32>
        %unpack3A_796 = tpu.unpack_subelements %scan3A_597#7, 1 {pack_format = #tpu.pack_format<interleaved>} : vector<32xbf16> -> vector<16xf32>
        %get3A_797 = arith.constant 112 : index
        %get3A_798 = tpu.vector_load %arg13[%get3A_797] {strides = array<i32>} : memref<256xf32, #tpu.memory_space<vmem>>, vector<16xf32>,
        %add3A_799 = arith.addf %unpack3A_795, %get3A_798 : vector<16xf32>
        %jit3A_800 = arith.constant 0.000000e+00 : f32
        %jit3A_801 = arith.constant 1.000000e+00 : f32
        %max3A_802 = vector.broadcast %jit3A_800 : f32 to vector<16xf32>
        %max3A_803 = arith.maximumf %max3A_802, %add3A_799 : vector<16xf32>
        %min3A_804 = vector.broadcast %jit3A_801 : f32 to vector<16xf32>
        %min3A_805 = arith.minimumf %min3A_804, %max3A_803 : vector<16xf32>
        %get3A_806 = arith.constant 240 : index
        %get3A_807 = tpu.vector_load %arg13[%get3A_806] {strides = array<i32>} : memref<256xf32, #tpu.memory_space<vmem>>, vector<16xf32>,
        %add3A_808 = arith.addf %unpack3A_796, %get3A_807 : vector<16xf32>
        %jit3A_809 = arith.constant 0.000000e+00 : f32
        %jit3A_810 = arith.constant 1.000000e+00 : f32
        %max3A_811 = vector.broadcast %jit3A_809 : f32 to vector<16xf32>
        %max3A_812 = arith.maximumf %max3A_811, %add3A_808 : vector<16xf32>
        %min3A_813 = vector.broadcast %jit3A_810 : f32 to vector<16xf32>
        %min3A_814 = arith.minimumf %min3A_813, %max3A_812 : vector<16xf32>
        %get3A_815 = arith.constant 368 : index
        %get3A_816 = tpu.vector_load %arg14[%get3A_815] {strides = array<i32>} : memref<512xf32, #tpu.memory_space<vmem>>, vector<16xf32>,
        %mul3A_817 = arith.mulf %min3A_805, %get3A_816 : vector<16xf32>
        %add3A_818 = arith.addf %add3A_794, %mul3A_817 : vector<16xf32>
        %get3A_819 = arith.constant 496 : index
        %get3A_820 = tpu.vector_load %arg14[%get3A_819] {strides = array<i32>} : memref<512xf32, #tpu.memory_space<vmem>>, vector<16xf32>,
        %mul3A_821 = arith.mulf %min3A_814, %get3A_820 : vector<16xf32>
        %add3A_822 = arith.addf %add3A_818, %mul3A_821 : vector<16xf32>
        %broadcast_in_dim3A_823 = arith.constant 0.000000e+00 : bf16
        %broadcast_in_dim3A_824 = vector.broadcast %broadcast_in_dim3A_823 : bf16 to vector<32xbf16>
        %broadcast_in_dim3A_825 = arith.constant 0.000000e+00 : bf16
        %broadcast_in_dim3A_826 = vector.broadcast %broadcast_in_dim3A_825 : bf16 to vector<32xbf16>
        %broadcast_in_dim3A_827 = arith.constant 0.000000e+00 : bf16
        %broadcast_in_dim3A_828 = vector.broadcast %broadcast_in_dim3A_827 : bf16 to vector<32xbf16>
        %broadcast_in_dim3A_829 = arith.constant 0.000000e+00 : bf16
        %broadcast_in_dim3A_830 = vector.broadcast %broadcast_in_dim3A_829 : bf16 to vector<32xbf16>
        %broadcast_in_dim3A_831 = arith.constant 0.000000e+00 : bf16
        %broadcast_in_dim3A_832 = vector.broadcast %broadcast_in_dim3A_831 : bf16 to vector<32xbf16>
        %broadcast_in_dim3A_833 = arith.constant 0.000000e+00 : bf16
        %broadcast_in_dim3A_834 = vector.broadcast %broadcast_in_dim3A_833 : bf16 to vector<32xbf16>
        %broadcast_in_dim3A_835 = arith.constant 0.000000e+00 : bf16
        %broadcast_in_dim3A_836 = vector.broadcast %broadcast_in_dim3A_835 : bf16 to vector<32xbf16>
        %broadcast_in_dim3A_837 = arith.constant 0.000000e+00 : bf16
        %broadcast_in_dim3A_838 = vector.broadcast %broadcast_in_dim3A_837 : bf16 to vector<32xbf16>
        %scan3A_839 = arith.constant 64 : i32
        %scan3A_840 = arith.constant 64 : i32
        %scan3A_841 = arith.addi %scan3A_839, %scan3A_840 : i32
        %scan3A_842 = arith.constant 1 : i32
        %scan3A_843:8 = scf.for %scan3A_1080 = %scan3A_839 to %scan3A_841 step %scan3A_842 iter_args(%scan3A_1081 = %broadcast_in_dim3A_824, %scan3A_1082 = %broadcast_in_dim3A_826, %scan3A_1083 = %broadcast_in_dim3A_828, %scan3A_1084 = %broadcast_in_dim3A_830, %scan3A_1085 = %broadcast_in_dim3A_832, %scan3A_1086 = %broadcast_in_dim3A_834, %scan3A_1087 = %broadcast_in_dim3A_836, %scan3A_1088 = %broadcast_in_dim3A_838) -> (vector<32xbf16>, vector<32xbf16>, vector<32xbf16>, vector<32xbf16>, vector<32xbf16>, vector<32xbf16>, vector<32xbf16>, vector<32xbf16>)  : i32 {
          %get3A_1089 = arith.constant 1 : i32
          %get3A_1090 = arith.index_cast %get3A_1089 : i32 to index
          %get3A_1091 = arith.index_cast %scan3A_1080 : i32 to index
          %get3A_1092 = arith.constant 0 : index
          %get3A_1093 = tpu.vector_load %arg11[%get3A_1090, %get3A_1091, %get3A_1092] {strides = array<i32>} : memref<2x128x128xi32, #tpu.memory_space<vmem>>, vector<16xi32>,
          %bitcast3A = vector.bitcast %get3A_1093 : vector<16xi32> to vector<32xbf16>
          %add3A_1094 = arith.addf %scan3A_1081, %bitcast3A : vector<32xbf16>
          %get3A_1095 = arith.constant 1 : i32
          %get3A_1096 = arith.index_cast %get3A_1095 : i32 to index
          %get3A_1097 = arith.index_cast %scan3A_1080 : i32 to index
          %get3A_1098 = arith.constant 16 : index
          %get3A_1099 = tpu.vector_load %arg11[%get3A_1096, %get3A_1097, %get3A_1098] {strides = array<i32>} : memref<2x128x128xi32, #tpu.memory_space<vmem>>, vector<16xi32>,
          %bitcast3A_1100 = vector.bitcast %get3A_1099 : vector<16xi32> to vector<32xbf16>
          %add3A_1101 = arith.addf %scan3A_1082, %bitcast3A_1100 : vector<32xbf16>
          %get3A_1102 = arith.constant 1 : i32
          %get3A_1103 = arith.index_cast %get3A_1102 : i32 to index
          %get3A_1104 = arith.index_cast %scan3A_1080 : i32 to index
          %get3A_1105 = arith.constant 32 : index
          %get3A_1106 = tpu.vector_load %arg11[%get3A_1103, %get3A_1104, %get3A_1105] {strides = array<i32>} : memref<2x128x128xi32, #tpu.memory_space<vmem>>, vector<16xi32>,
          %bitcast3A_1107 = vector.bitcast %get3A_1106 : vector<16xi32> to vector<32xbf16>
          %add3A_1108 = arith.addf %scan3A_1083, %bitcast3A_1107 : vector<32xbf16>
          %get3A_1109 = arith.constant 1 : i32
          %get3A_1110 = arith.index_cast %get3A_1109 : i32 to index
          %get3A_1111 = arith.index_cast %scan3A_1080 : i32 to index
          %get3A_1112 = arith.constant 48 : index
          %get3A_1113 = tpu.vector_load %arg11[%get3A_1110, %get3A_1111, %get3A_1112] {strides = array<i32>} : memref<2x128x128xi32, #tpu.memory_space<vmem>>, vector<16xi32>,
          %bitcast3A_1114 = vector.bitcast %get3A_1113 : vector<16xi32> to vector<32xbf16>
          %add3A_1115 = arith.addf %scan3A_1084, %bitcast3A_1114 : vector<32xbf16>
          %get3A_1116 = arith.constant 1 : i32
          %get3A_1117 = arith.index_cast %get3A_1116 : i32 to index
          %get3A_1118 = arith.index_cast %scan3A_1080 : i32 to index
          %get3A_1119 = arith.constant 64 : index
          %get3A_1120 = tpu.vector_load %arg11[%get3A_1117, %get3A_1118, %get3A_1119] {strides = array<i32>} : memref<2x128x128xi32, #tpu.memory_space<vmem>>, vector<16xi32>,
          %bitcast3A_1121 = vector.bitcast %get3A_1120 : vector<16xi32> to vector<32xbf16>
          %add3A_1122 = arith.addf %scan3A_1085, %bitcast3A_1121 : vector<32xbf16>
          %get3A_1123 = arith.constant 1 : i32
          %get3A_1124 = arith.index_cast %get3A_1123 : i32 to index
          %get3A_1125 = arith.index_cast %scan3A_1080 : i32 to index
          %get3A_1126 = arith.constant 80 : index
          %get3A_1127 = tpu.vector_load %arg11[%get3A_1124, %get3A_1125, %get3A_1126] {strides = array<i32>} : memref<2x128x128xi32, #tpu.memory_space<vmem>>, vector<16xi32>,
          %bitcast3A_1128 = vector.bitcast %get3A_1127 : vector<16xi32> to vector<32xbf16>
          %add3A_1129 = arith.addf %scan3A_1086, %bitcast3A_1128 : vector<32xbf16>
          %get3A_1130 = arith.constant 1 : i32
          %get3A_1131 = arith.index_cast %get3A_1130 : i32 to index
          %get3A_1132 = arith.index_cast %scan3A_1080 : i32 to index
          %get3A_1133 = arith.constant 96 : index
          %get3A_1134 = tpu.vector_load %arg11[%get3A_1131, %get3A_1132, %get3A_1133] {strides = array<i32>} : memref<2x128x128xi32, #tpu.memory_space<vmem>>, vector<16xi32>,
          %bitcast3A_1135 = vector.bitcast %get3A_1134 : vector<16xi32> to vector<32xbf16>
          %add3A_1136 = arith.addf %scan3A_1087, %bitcast3A_1135 : vector<32xbf16>
          %get3A_1137 = arith.constant 1 : i32
          %get3A_1138 = arith.index_cast %get3A_1137 : i32 to index
          %get3A_1139 = arith.index_cast %scan3A_1080 : i32 to index
          %get3A_1140 = arith.constant 112 : index
          %get3A_1141 = tpu.vector_load %arg11[%get3A_1138, %get3A_1139, %get3A_1140] {strides = array<i32>} : memref<2x128x128xi32, #tpu.memory_space<vmem>>, vector<16xi32>,
          %bitcast3A_1142 = vector.bitcast %get3A_1141 : vector<16xi32> to vector<32xbf16>
          %add3A_1143 = arith.addf %scan3A_1088, %bitcast3A_1142 : vector<32xbf16>
          scf.yield %add3A_1094, %add3A_1101, %add3A_1108, %add3A_1115, %add3A_1122, %add3A_1129, %add3A_1136, %add3A_1143 : vector<32xbf16>, vector<32xbf16>, vector<32xbf16>, vector<32xbf16>, vector<32xbf16>, vector<32xbf16>, vector<32xbf16>, vector<32xbf16>
        }
        %scan3A_844 = arith.constant 64 : i32
        %unpack3A_845 = tpu.unpack_subelements %scan3A_843#0, 0 {pack_format = #tpu.pack_format<interleaved>} : vector<32xbf16> -> vector<16xf32>
        %unpack3A_846 = tpu.unpack_subelements %scan3A_843#0, 1 {pack_format = #tpu.pack_format<interleaved>} : vector<32xbf16> -> vector<16xf32>
        %get3A_847 = arith.constant 0 : index
        %get3A_848 = tpu.vector_load %arg13[%get3A_847] {strides = array<i32>} : memref<256xf32, #tpu.memory_space<vmem>>, vector<16xf32>,
        %add3A_849 = arith.addf %unpack3A_845, %get3A_848 : vector<16xf32>
        %jit3A_850 = arith.constant 0.000000e+00 : f32
        %jit3A_851 = arith.constant 1.000000e+00 : f32
        %max3A_852 = vector.broadcast %jit3A_850 : f32 to vector<16xf32>
        %max3A_853 = arith.maximumf %max3A_852, %add3A_849 : vector<16xf32>
        %min3A_854 = vector.broadcast %jit3A_851 : f32 to vector<16xf32>
        %min3A_855 = arith.minimumf %min3A_854, %max3A_853 : vector<16xf32>
        %get3A_856 = arith.constant 128 : index
        %get3A_857 = tpu.vector_load %arg13[%get3A_856] {strides = array<i32>} : memref<256xf32, #tpu.memory_space<vmem>>, vector<16xf32>,
        %add3A_858 = arith.addf %unpack3A_846, %get3A_857 : vector<16xf32>
        %jit3A_859 = arith.constant 0.000000e+00 : f32
        %jit3A_860 = arith.constant 1.000000e+00 : f32
        %max3A_861 = vector.broadcast %jit3A_859 : f32 to vector<16xf32>
        %max3A_862 = arith.maximumf %max3A_861, %add3A_858 : vector<16xf32>
        %min3A_863 = vector.broadcast %jit3A_860 : f32 to vector<16xf32>
        %min3A_864 = arith.minimumf %min3A_863, %max3A_862 : vector<16xf32>
        %get3A_865 = arith.constant 256 : index
        %get3A_866 = tpu.vector_load %arg14[%get3A_865] {strides = array<i32>} : memref<512xf32, #tpu.memory_space<vmem>>, vector<16xf32>,
        %mul3A_867 = arith.mulf %min3A_855, %get3A_866 : vector<16xf32>
        %add3A_868 = arith.addf %add3A_562, %mul3A_867 : vector<16xf32>
        %get3A_869 = arith.constant 384 : index
        %get3A_870 = tpu.vector_load %arg14[%get3A_869] {strides = array<i32>} : memref<512xf32, #tpu.memory_space<vmem>>, vector<16xf32>,
        %mul3A_871 = arith.mulf %min3A_864, %get3A_870 : vector<16xf32>
        %add3A_872 = arith.addf %add3A_868, %mul3A_871 : vector<16xf32>
        %unpack3A_873 = tpu.unpack_subelements %scan3A_843#1, 0 {pack_format = #tpu.pack_format<interleaved>} : vector<32xbf16> -> vector<16xf32>
        %unpack3A_874 = tpu.unpack_subelements %scan3A_843#1, 1 {pack_format = #tpu.pack_format<interleaved>} : vector<32xbf16> -> vector<16xf32>
        %get3A_875 = arith.constant 16 : index
        %get3A_876 = tpu.vector_load %arg13[%get3A_875] {strides = array<i32>} : memref<256xf32, #tpu.memory_space<vmem>>, vector<16xf32>,
        %add3A_877 = arith.addf %unpack3A_873, %get3A_876 : vector<16xf32>
        %jit3A_878 = arith.constant 0.000000e+00 : f32
        %jit3A_879 = arith.constant 1.000000e+00 : f32
        %max3A_880 = vector.broadcast %jit3A_878 : f32 to vector<16xf32>
        %max3A_881 = arith.maximumf %max3A_880, %add3A_877 : vector<16xf32>
        %min3A_882 = vector.broadcast %jit3A_879 : f32 to vector<16xf32>
        %min3A_883 = arith.minimumf %min3A_882, %max3A_881 : vector<16xf32>
        %get3A_884 = arith.constant 144 : index
        %get3A_885 = tpu.vector_load %arg13[%get3A_884] {strides = array<i32>} : memref<256xf32, #tpu.memory_space<vmem>>, vector<16xf32>,
        %add3A_886 = arith.addf %unpack3A_874, %get3A_885 : vector<16xf32>
        %jit3A_887 = arith.constant 0.000000e+00 : f32
        %jit3A_888 = arith.constant 1.000000e+00 : f32
        %max3A_889 = vector.broadcast %jit3A_887 : f32 to vector<16xf32>
        %max3A_890 = arith.maximumf %max3A_889, %add3A_886 : vector<16xf32>
        %min3A_891 = vector.broadcast %jit3A_888 : f32 to vector<16xf32>
        %min3A_892 = arith.minimumf %min3A_891, %max3A_890 : vector<16xf32>
        %get3A_893 = arith.constant 272 : index
        %get3A_894 = tpu.vector_load %arg14[%get3A_893] {strides = array<i32>} : memref<512xf32, #tpu.memory_space<vmem>>, vector<16xf32>,
        %mul3A_895 = arith.mulf %min3A_883, %get3A_894 : vector<16xf32>
        %add3A_896 = arith.addf %add3A_872, %mul3A_895 : vector<16xf32>
        %get3A_897 = arith.constant 400 : index
        %get3A_898 = tpu.vector_load %arg14[%get3A_897] {strides = array<i32>} : memref<512xf32, #tpu.memory_space<vmem>>, vector<16xf32>,
        %mul3A_899 = arith.mulf %min3A_892, %get3A_898 : vector<16xf32>
        %add3A_900 = arith.addf %add3A_896, %mul3A_899 : vector<16xf32>
        %unpack3A_901 = tpu.unpack_subelements %scan3A_843#2, 0 {pack_format = #tpu.pack_format<interleaved>} : vector<32xbf16> -> vector<16xf32>
        %unpack3A_902 = tpu.unpack_subelements %scan3A_843#2, 1 {pack_format = #tpu.pack_format<interleaved>} : vector<32xbf16> -> vector<16xf32>
        %get3A_903 = arith.constant 32 : index
        %get3A_904 = tpu.vector_load %arg13[%get3A_903] {strides = array<i32>} : memref<256xf32, #tpu.memory_space<vmem>>, vector<16xf32>,
        %add3A_905 = arith.addf %unpack3A_901, %get3A_904 : vector<16xf32>
        %jit3A_906 = arith.constant 0.000000e+00 : f32
        %jit3A_907 = arith.constant 1.000000e+00 : f32
        %max3A_908 = vector.broadcast %jit3A_906 : f32 to vector<16xf32>
        %max3A_909 = arith.maximumf %max3A_908, %add3A_905 : vector<16xf32>
        %min3A_910 = vector.broadcast %jit3A_907 : f32 to vector<16xf32>
        %min3A_911 = arith.minimumf %min3A_910, %max3A_909 : vector<16xf32>
        %get3A_912 = arith.constant 160 : index
        %get3A_913 = tpu.vector_load %arg13[%get3A_912] {strides = array<i32>} : memref<256xf32, #tpu.memory_space<vmem>>, vector<16xf32>,
        %add3A_914 = arith.addf %unpack3A_902, %get3A_913 : vector<16xf32>
        %jit3A_915 = arith.constant 0.000000e+00 : f32
        %jit3A_916 = arith.constant 1.000000e+00 : f32
        %max3A_917 = vector.broadcast %jit3A_915 : f32 to vector<16xf32>
        %max3A_918 = arith.maximumf %max3A_917, %add3A_914 : vector<16xf32>
        %min3A_919 = vector.broadcast %jit3A_916 : f32 to vector<16xf32>
        %min3A_920 = arith.minimumf %min3A_919, %max3A_918 : vector<16xf32>
        %get3A_921 = arith.constant 288 : index
        %get3A_922 = tpu.vector_load %arg14[%get3A_921] {strides = array<i32>} : memref<512xf32, #tpu.memory_space<vmem>>, vector<16xf32>,
        %mul3A_923 = arith.mulf %min3A_911, %get3A_922 : vector<16xf32>
        %add3A_924 = arith.addf %add3A_900, %mul3A_923 : vector<16xf32>
        %get3A_925 = arith.constant 416 : index
        %get3A_926 = tpu.vector_load %arg14[%get3A_925] {strides = array<i32>} : memref<512xf32, #tpu.memory_space<vmem>>, vector<16xf32>,
        %mul3A_927 = arith.mulf %min3A_920, %get3A_926 : vector<16xf32>
        %add3A_928 = arith.addf %add3A_924, %mul3A_927 : vector<16xf32>
        %unpack3A_929 = tpu.unpack_subelements %scan3A_843#3, 0 {pack_format = #tpu.pack_format<interleaved>} : vector<32xbf16> -> vector<16xf32>
        %unpack3A_930 = tpu.unpack_subelements %scan3A_843#3, 1 {pack_format = #tpu.pack_format<interleaved>} : vector<32xbf16> -> vector<16xf32>
        %get3A_931 = arith.constant 48 : index
        %get3A_932 = tpu.vector_load %arg13[%get3A_931] {strides = array<i32>} : memref<256xf32, #tpu.memory_space<vmem>>, vector<16xf32>,
        %add3A_933 = arith.addf %unpack3A_929, %get3A_932 : vector<16xf32>
        %jit3A_934 = arith.constant 0.000000e+00 : f32
        %jit3A_935 = arith.constant 1.000000e+00 : f32
        %max3A_936 = vector.broadcast %jit3A_934 : f32 to vector<16xf32>
        %max3A_937 = arith.maximumf %max3A_936, %add3A_933 : vector<16xf32>
        %min3A_938 = vector.broadcast %jit3A_935 : f32 to vector<16xf32>
        %min3A_939 = arith.minimumf %min3A_938, %max3A_937 : vector<16xf32>
        %get3A_940 = arith.constant 176 : index
        %get3A_941 = tpu.vector_load %arg13[%get3A_940] {strides = array<i32>} : memref<256xf32, #tpu.memory_space<vmem>>, vector<16xf32>,
        %add3A_942 = arith.addf %unpack3A_930, %get3A_941 : vector<16xf32>
        %jit3A_943 = arith.constant 0.000000e+00 : f32
        %jit3A_944 = arith.constant 1.000000e+00 : f32
        %max3A_945 = vector.broadcast %jit3A_943 : f32 to vector<16xf32>
        %max3A_946 = arith.maximumf %max3A_945, %add3A_942 : vector<16xf32>
        %min3A_947 = vector.broadcast %jit3A_944 : f32 to vector<16xf32>
        %min3A_948 = arith.minimumf %min3A_947, %max3A_946 : vector<16xf32>
        %get3A_949 = arith.constant 304 : index
        %get3A_950 = tpu.vector_load %arg14[%get3A_949] {strides = array<i32>} : memref<512xf32, #tpu.memory_space<vmem>>, vector<16xf32>,
        %mul3A_951 = arith.mulf %min3A_939, %get3A_950 : vector<16xf32>
        %add3A_952 = arith.addf %add3A_928, %mul3A_951 : vector<16xf32>
        %get3A_953 = arith.constant 432 : index
        %get3A_954 = tpu.vector_load %arg14[%get3A_953] {strides = array<i32>} : memref<512xf32, #tpu.memory_space<vmem>>, vector<16xf32>,
        %mul3A_955 = arith.mulf %min3A_948, %get3A_954 : vector<16xf32>
        %add3A_956 = arith.addf %add3A_952, %mul3A_955 : vector<16xf32>
        %unpack3A_957 = tpu.unpack_subelements %scan3A_843#4, 0 {pack_format = #tpu.pack_format<interleaved>} : vector<32xbf16> -> vector<16xf32>
        %unpack3A_958 = tpu.unpack_subelements %scan3A_843#4, 1 {pack_format = #tpu.pack_format<interleaved>} : vector<32xbf16> -> vector<16xf32>
        %get3A_959 = arith.constant 64 : index
        %get3A_960 = tpu.vector_load %arg13[%get3A_959] {strides = array<i32>} : memref<256xf32, #tpu.memory_space<vmem>>, vector<16xf32>,
        %add3A_961 = arith.addf %unpack3A_957, %get3A_960 : vector<16xf32>
        %jit3A_962 = arith.constant 0.000000e+00 : f32
        %jit3A_963 = arith.constant 1.000000e+00 : f32
        %max3A_964 = vector.broadcast %jit3A_962 : f32 to vector<16xf32>
        %max3A_965 = arith.maximumf %max3A_964, %add3A_961 : vector<16xf32>
        %min3A_966 = vector.broadcast %jit3A_963 : f32 to vector<16xf32>
        %min3A_967 = arith.minimumf %min3A_966, %max3A_965 : vector<16xf32>
        %get3A_968 = arith.constant 192 : index
        %get3A_969 = tpu.vector_load %arg13[%get3A_968] {strides = array<i32>} : memref<256xf32, #tpu.memory_space<vmem>>, vector<16xf32>,
        %add3A_970 = arith.addf %unpack3A_958, %get3A_969 : vector<16xf32>
        %jit3A_971 = arith.constant 0.000000e+00 : f32
        %jit3A_972 = arith.constant 1.000000e+00 : f32
        %max3A_973 = vector.broadcast %jit3A_971 : f32 to vector<16xf32>
        %max3A_974 = arith.maximumf %max3A_973, %add3A_970 : vector<16xf32>
        %min3A_975 = vector.broadcast %jit3A_972 : f32 to vector<16xf32>
        %min3A_976 = arith.minimumf %min3A_975, %max3A_974 : vector<16xf32>
        %get3A_977 = arith.constant 320 : index
        %get3A_978 = tpu.vector_load %arg14[%get3A_977] {strides = array<i32>} : memref<512xf32, #tpu.memory_space<vmem>>, vector<16xf32>,
        %mul3A_979 = arith.mulf %min3A_967, %get3A_978 : vector<16xf32>
        %add3A_980 = arith.addf %add3A_956, %mul3A_979 : vector<16xf32>
        %get3A_981 = arith.constant 448 : index
        %get3A_982 = tpu.vector_load %arg14[%get3A_981] {strides = array<i32>} : memref<512xf32, #tpu.memory_space<vmem>>, vector<16xf32>,
        %mul3A_983 = arith.mulf %min3A_976, %get3A_982 : vector<16xf32>
        %add3A_984 = arith.addf %add3A_980, %mul3A_983 : vector<16xf32>
        %unpack3A_985 = tpu.unpack_subelements %scan3A_843#5, 0 {pack_format = #tpu.pack_format<interleaved>} : vector<32xbf16> -> vector<16xf32>
        %unpack3A_986 = tpu.unpack_subelements %scan3A_843#5, 1 {pack_format = #tpu.pack_format<interleaved>} : vector<32xbf16> -> vector<16xf32>
        %get3A_987 = arith.constant 80 : index
        %get3A_988 = tpu.vector_load %arg13[%get3A_987] {strides = array<i32>} : memref<256xf32, #tpu.memory_space<vmem>>, vector<16xf32>,
        %add3A_989 = arith.addf %unpack3A_985, %get3A_988 : vector<16xf32>
        %jit3A_990 = arith.constant 0.000000e+00 : f32
        %jit3A_991 = arith.constant 1.000000e+00 : f32
        %max3A_992 = vector.broadcast %jit3A_990 : f32 to vector<16xf32>
        %max3A_993 = arith.maximumf %max3A_992, %add3A_989 : vector<16xf32>
        %min3A_994 = vector.broadcast %jit3A_991 : f32 to vector<16xf32>
        %min3A_995 = arith.minimumf %min3A_994, %max3A_993 : vector<16xf32>
        %get3A_996 = arith.constant 208 : index
        %get3A_997 = tpu.vector_load %arg13[%get3A_996] {strides = array<i32>} : memref<256xf32, #tpu.memory_space<vmem>>, vector<16xf32>,
        %add3A_998 = arith.addf %unpack3A_986, %get3A_997 : vector<16xf32>
        %jit3A_999 = arith.constant 0.000000e+00 : f32
        %jit3A_1000 = arith.constant 1.000000e+00 : f32
        %max3A_1001 = vector.broadcast %jit3A_999 : f32 to vector<16xf32>
        %max3A_1002 = arith.maximumf %max3A_1001, %add3A_998 : vector<16xf32>
        %min3A_1003 = vector.broadcast %jit3A_1000 : f32 to vector<16xf32>
        %min3A_1004 = arith.minimumf %min3A_1003, %max3A_1002 : vector<16xf32>
        %get3A_1005 = arith.constant 336 : index
        %get3A_1006 = tpu.vector_load %arg14[%get3A_1005] {strides = array<i32>} : memref<512xf32, #tpu.memory_space<vmem>>, vector<16xf32>,
        %mul3A_1007 = arith.mulf %min3A_995, %get3A_1006 : vector<16xf32>
        %add3A_1008 = arith.addf %add3A_984, %mul3A_1007 : vector<16xf32>
        %get3A_1009 = arith.constant 464 : index
        %get3A_1010 = tpu.vector_load %arg14[%get3A_1009] {strides = array<i32>} : memref<512xf32, #tpu.memory_space<vmem>>, vector<16xf32>,
        %mul3A_1011 = arith.mulf %min3A_1004, %get3A_1010 : vector<16xf32>
        %add3A_1012 = arith.addf %add3A_1008, %mul3A_1011 : vector<16xf32>
        %unpack3A_1013 = tpu.unpack_subelements %scan3A_843#6, 0 {pack_format = #tpu.pack_format<interleaved>} : vector<32xbf16> -> vector<16xf32>
        %unpack3A_1014 = tpu.unpack_subelements %scan3A_843#6, 1 {pack_format = #tpu.pack_format<interleaved>} : vector<32xbf16> -> vector<16xf32>
        %get3A_1015 = arith.constant 96 : index
        %get3A_1016 = tpu.vector_load %arg13[%get3A_1015] {strides = array<i32>} : memref<256xf32, #tpu.memory_space<vmem>>, vector<16xf32>,
        %add3A_1017 = arith.addf %unpack3A_1013, %get3A_1016 : vector<16xf32>
        %jit3A_1018 = arith.constant 0.000000e+00 : f32
        %jit3A_1019 = arith.constant 1.000000e+00 : f32
        %max3A_1020 = vector.broadcast %jit3A_1018 : f32 to vector<16xf32>
        %max3A_1021 = arith.maximumf %max3A_1020, %add3A_1017 : vector<16xf32>
        %min3A_1022 = vector.broadcast %jit3A_1019 : f32 to vector<16xf32>
        %min3A_1023 = arith.minimumf %min3A_1022, %max3A_1021 : vector<16xf32>
        %get3A_1024 = arith.constant 224 : index
        %get3A_1025 = tpu.vector_load %arg13[%get3A_1024] {strides = array<i32>} : memref<256xf32, #tpu.memory_space<vmem>>, vector<16xf32>,
        %add3A_1026 = arith.addf %unpack3A_1014, %get3A_1025 : vector<16xf32>
        %jit3A_1027 = arith.constant 0.000000e+00 : f32
        %jit3A_1028 = arith.constant 1.000000e+00 : f32
        %max3A_1029 = vector.broadcast %jit3A_1027 : f32 to vector<16xf32>
        %max3A_1030 = arith.maximumf %max3A_1029, %add3A_1026 : vector<16xf32>
        %min3A_1031 = vector.broadcast %jit3A_1028 : f32 to vector<16xf32>
        %min3A_1032 = arith.minimumf %min3A_1031, %max3A_1030 : vector<16xf32>
        %get3A_1033 = arith.constant 352 : index
        %get3A_1034 = tpu.vector_load %arg14[%get3A_1033] {strides = array<i32>} : memref<512xf32, #tpu.memory_space<vmem>>, vector<16xf32>,
        %mul3A_1035 = arith.mulf %min3A_1023, %get3A_1034 : vector<16xf32>
        %add3A_1036 = arith.addf %add3A_1012, %mul3A_1035 : vector<16xf32>
        %get3A_1037 = arith.constant 480 : index
        %get3A_1038 = tpu.vector_load %arg14[%get3A_1037] {strides = array<i32>} : memref<512xf32, #tpu.memory_space<vmem>>, vector<16xf32>,
        %mul3A_1039 = arith.mulf %min3A_1032, %get3A_1038 : vector<16xf32>
        %add3A_1040 = arith.addf %add3A_1036, %mul3A_1039 : vector<16xf32>
        %unpack3A_1041 = tpu.unpack_subelements %scan3A_843#7, 0 {pack_format = #tpu.pack_format<interleaved>} : vector<32xbf16> -> vector<16xf32>
        %unpack3A_1042 = tpu.unpack_subelements %scan3A_843#7, 1 {pack_format = #tpu.pack_format<interleaved>} : vector<32xbf16> -> vector<16xf32>
        %get3A_1043 = arith.constant 112 : index
        %get3A_1044 = tpu.vector_load %arg13[%get3A_1043] {strides = array<i32>} : memref<256xf32, #tpu.memory_space<vmem>>, vector<16xf32>,
        %add3A_1045 = arith.addf %unpack3A_1041, %get3A_1044 : vector<16xf32>
        %jit3A_1046 = arith.constant 0.000000e+00 : f32
        %jit3A_1047 = arith.constant 1.000000e+00 : f32
        %max3A_1048 = vector.broadcast %jit3A_1046 : f32 to vector<16xf32>
        %max3A_1049 = arith.maximumf %max3A_1048, %add3A_1045 : vector<16xf32>
        %min3A_1050 = vector.broadcast %jit3A_1047 : f32 to vector<16xf32>
        %min3A_1051 = arith.minimumf %min3A_1050, %max3A_1049 : vector<16xf32>
        %get3A_1052 = arith.constant 240 : index
        %get3A_1053 = tpu.vector_load %arg13[%get3A_1052] {strides = array<i32>} : memref<256xf32, #tpu.memory_space<vmem>>, vector<16xf32>,
        %add3A_1054 = arith.addf %unpack3A_1042, %get3A_1053 : vector<16xf32>
        %jit3A_1055 = arith.constant 0.000000e+00 : f32
        %jit3A_1056 = arith.constant 1.000000e+00 : f32
        %max3A_1057 = vector.broadcast %jit3A_1055 : f32 to vector<16xf32>
        %max3A_1058 = arith.maximumf %max3A_1057, %add3A_1054 : vector<16xf32>
        %min3A_1059 = vector.broadcast %jit3A_1056 : f32 to vector<16xf32>
        %min3A_1060 = arith.minimumf %min3A_1059, %max3A_1058 : vector<16xf32>
        %get3A_1061 = arith.constant 368 : index
        %get3A_1062 = tpu.vector_load %arg14[%get3A_1061] {strides = array<i32>} : memref<512xf32, #tpu.memory_space<vmem>>, vector<16xf32>,
        %mul3A_1063 = arith.mulf %min3A_1051, %get3A_1062 : vector<16xf32>
        %add3A_1064 = arith.addf %add3A_1040, %mul3A_1063 : vector<16xf32>
        %get3A_1065 = arith.constant 496 : index
        %get3A_1066 = tpu.vector_load %arg14[%get3A_1065] {strides = array<i32>} : memref<512xf32, #tpu.memory_space<vmem>>, vector<16xf32>,
        %mul3A_1067 = arith.mulf %min3A_1060, %get3A_1066 : vector<16xf32>
        %add3A_1068 = arith.addf %add3A_1064, %mul3A_1067 : vector<16xf32>
        %mul3A_1069 = arith.constant 2 : i32
        %mul3A_1070 = arith.muli %mul3A_1069, %scan3A_51 : i32
        %swap3A = arith.index_cast %mul3A_1070 : i32 to index
        %swap3A_1071 = arith.constant 0 : index
        %swap3A_1072 = tpu.vector_load %arg12[%swap3A, %swap3A_1071] {strides = array<i32>} : memref<128x16xf32, #tpu.memory_space<vmem>>, vector<16xf32>,
        tpu.vector_store %arg12[%swap3A, %swap3A_1071], %add3A_822 {strides = array<i32>} : memref<128x16xf32, #tpu.memory_space<vmem>>, vector<16xf32>,
        %mul3A_1073 = arith.constant 2 : i32
        %mul3A_1074 = arith.muli %mul3A_1073, %scan3A_51 : i32
        %add3A_1075 = arith.constant 1 : i32
        %add3A_1076 = arith.addi %mul3A_1074, %add3A_1075 : i32
        %swap3A_1077 = arith.index_cast %add3A_1076 : i32 to index
        %swap3A_1078 = arith.constant 0 : index
        %swap3A_1079 = tpu.vector_load %arg12[%swap3A_1077, %swap3A_1078] {strides = array<i32>} : memref<128x16xf32, #tpu.memory_space<vmem>>, vector<16xf32>,
        tpu.vector_store %arg12[%swap3A_1077, %swap3A_1078], %add3A_1068 {strides = array<i32>} : memref<128x16xf32, #tpu.memory_space<vmem>>, vector<16xf32>,
      }
      %scan3A_44 = arith.constant 64 : i32
      %scan3A_45 = arith.constant 0 : i32
      %scan3A_46 = arith.constant 0 : i32
      %scan3A_47 = arith.constant 8 : i32
      %scan3A_48 = arith.addi %scan3A_46, %scan3A_47 : i32
      %scan3A_49 = arith.constant 1 : i32
      scf.for %scan3A_51 = %scan3A_46 to %scan3A_48 step %scan3A_49  : i32 {
        %broadcast_in_dim3A = arith.constant 0.000000e+00 : f32
        %broadcast_in_dim3A_52 = vector.broadcast %broadcast_in_dim3A : f32 to vector<16xf32>
        %mul3A_53 = arith.constant 16 : i32
        %mul3A_54 = arith.muli %scan3A_51, %mul3A_53 : i32
        %add3A_55 = arith.constant 0 : i32
        %add3A_56 = arith.addi %mul3A_54, %add3A_55 : i32
        %get3A = arith.index_cast %add3A_56 : i32 to index
        %get3A_57 = arith.constant 0 : index
        %get3A_58 = tpu.vector_load %arg12[%get3A, %get3A_57] {strides = array<i32>} : memref<128x16xf32, #tpu.memory_space<vmem>>, vector<16xf32>,
        %eq3A = arith.constant 0 : i32
        %eq3A_59 = vector.broadcast %eq3A : i32 to vector<16xi32>
        %eq3A_60 = arith.cmpi eq, %iota3A, %eq3A_59 : vector<16xi32>
        %xor3A = arith.constant 8 : i32
        %xor3A_61 = vector.broadcast %xor3A : i32 to vector<16xi32>
        %xor3A_62 = arith.xori %iota3A, %xor3A_61 : vector<16xi32>
        %lt3A = arith.constant 0 : i32
        %lt3A_63 = vector.broadcast %lt3A : i32 to vector<16xi32>
        %lt3A_64 = arith.cmpi slt, %xor3A_62, %lt3A_63 : vector<16xi32>
        %add3A_65 = arith.constant 16 : i32
        %add3A_66 = vector.broadcast %add3A_65 : i32 to vector<16xi32>
        %add3A_67 = arith.addi %xor3A_62, %add3A_66 : vector<16xi32>
        %select_n3A_68 = arith.select %lt3A_64, %add3A_67, %xor3A_62 : vector<16xi1>, vector<16xi32>
        %broadcast_in_dim3A_69 = vector.shape_cast %select_n3A_68 : vector<16xi32> to vector<16x1xi32>
        %gather3A = vector.shape_cast %broadcast_in_dim3A_69 : vector<16x1xi32> to vector<16xi32>
        %gather3A_70 = tpu.dynamic_gather %get3A_58[%gather3A] in [0] : vector<16xf32>, vector<16xi32> -> vector<16xf32>
        %add3A_71 = arith.addf %get3A_58, %gather3A_70 : vector<16xf32>
        %xor3A_72 = arith.constant 4 : i32
        %xor3A_73 = vector.broadcast %xor3A_72 : i32 to vector<16xi32>
        %xor3A_74 = arith.xori %iota3A, %xor3A_73 : vector<16xi32>
        %lt3A_75 = arith.constant 0 : i32
        %lt3A_76 = vector.broadcast %lt3A_75 : i32 to vector<16xi32>
        %lt3A_77 = arith.cmpi slt, %xor3A_74, %lt3A_76 : vector<16xi32>
        %add3A_78 = arith.constant 16 : i32
        %add3A_79 = vector.broadcast %add3A_78 : i32 to vector<16xi32>
        %add3A_80 = arith.addi %xor3A_74, %add3A_79 : vector<16xi32>
        %select_n3A_81 = arith.select %lt3A_77, %add3A_80, %xor3A_74 : vector<16xi1>, vector<16xi32>
        %broadcast_in_dim3A_82 = vector.shape_cast %select_n3A_81 : vector<16xi32> to vector<16x1xi32>
        %gather3A_83 = vector.shape_cast %broadcast_in_dim3A_82 : vector<16x1xi32> to vector<16xi32>
        %gather3A_84 = tpu.dynamic_gather %add3A_71[%gather3A_83] in [0] : vector<16xf32>, vector<16xi32> -> vector<16xf32>
        %add3A_85 = arith.addf %add3A_71, %gather3A_84 : vector<16xf32>
        %xor3A_86 = arith.constant 2 : i32
        %xor3A_87 = vector.broadcast %xor3A_86 : i32 to vector<16xi32>
        %xor3A_88 = arith.xori %iota3A, %xor3A_87 : vector<16xi32>
        %lt3A_89 = arith.constant 0 : i32
        %lt3A_90 = vector.broadcast %lt3A_89 : i32 to vector<16xi32>
        %lt3A_91 = arith.cmpi slt, %xor3A_88, %lt3A_90 : vector<16xi32>
        %add3A_92 = arith.constant 16 : i32
        %add3A_93 = vector.broadcast %add3A_92 : i32 to vector<16xi32>
        %add3A_94 = arith.addi %xor3A_88, %add3A_93 : vector<16xi32>
        %select_n3A_95 = arith.select %lt3A_91, %add3A_94, %xor3A_88 : vector<16xi1>, vector<16xi32>
        %broadcast_in_dim3A_96 = vector.shape_cast %select_n3A_95 : vector<16xi32> to vector<16x1xi32>
        %gather3A_97 = vector.shape_cast %broadcast_in_dim3A_96 : vector<16x1xi32> to vector<16xi32>
        %gather3A_98 = tpu.dynamic_gather %add3A_85[%gather3A_97] in [0] : vector<16xf32>, vector<16xi32> -> vector<16xf32>
        %add3A_99 = arith.addf %add3A_85, %gather3A_98 : vector<16xf32>
        %xor3A_100 = arith.constant 1 : i32
        %xor3A_101 = vector.broadcast %xor3A_100 : i32 to vector<16xi32>
        %xor3A_102 = arith.xori %iota3A, %xor3A_101 : vector<16xi32>
        %lt3A_103 = arith.constant 0 : i32
        %lt3A_104 = vector.broadcast %lt3A_103 : i32 to vector<16xi32>
        %lt3A_105 = arith.cmpi slt, %xor3A_102, %lt3A_104 : vector<16xi32>
        %add3A_106 = arith.constant 16 : i32
        %add3A_107 = vector.broadcast %add3A_106 : i32 to vector<16xi32>
        %add3A_108 = arith.addi %xor3A_102, %add3A_107 : vector<16xi32>
        %select_n3A_109 = arith.select %lt3A_105, %add3A_108, %xor3A_102 : vector<16xi1>, vector<16xi32>
        %broadcast_in_dim3A_110 = vector.shape_cast %select_n3A_109 : vector<16xi32> to vector<16x1xi32>
        %gather3A_111 = vector.shape_cast %broadcast_in_dim3A_110 : vector<16x1xi32> to vector<16xi32>
        %gather3A_112 = tpu.dynamic_gather %add3A_99[%gather3A_111] in [0] : vector<16xf32>, vector<16xi32> -> vector<16xf32>
        %add3A_113 = arith.addf %add3A_99, %gather3A_112 : vector<16xf32>
        %select_n3A_114 = arith.select %eq3A_60, %add3A_113, %broadcast_in_dim3A_52 : vector<16xi1>, vector<16xf32>
        %mul3A_115 = arith.constant 16 : i32
        %mul3A_116 = arith.muli %scan3A_51, %mul3A_115 : i32
        %add3A_117 = arith.constant 1 : i32
        %add3A_118 = arith.addi %mul3A_116, %add3A_117 : i32
        %get3A_119 = arith.index_cast %add3A_118 : i32 to index
        %get3A_120 = arith.constant 0 : index
        %get3A_121 = tpu.vector_load %arg12[%get3A_119, %get3A_120] {strides = array<i32>} : memref<128x16xf32, #tpu.memory_space<vmem>>, vector<16xf32>,
        %eq3A_122 = arith.constant 1 : i32
        %eq3A_123 = vector.broadcast %eq3A_122 : i32 to vector<16xi32>
        %eq3A_124 = arith.cmpi eq, %iota3A, %eq3A_123 : vector<16xi32>
        %xor3A_125 = arith.constant 8 : i32
        %xor3A_126 = vector.broadcast %xor3A_125 : i32 to vector<16xi32>
        %xor3A_127 = arith.xori %iota3A, %xor3A_126 : vector<16xi32>
        %lt3A_128 = arith.constant 0 : i32
        %lt3A_129 = vector.broadcast %lt3A_128 : i32 to vector<16xi32>
        %lt3A_130 = arith.cmpi slt, %xor3A_127, %lt3A_129 : vector<16xi32>
        %add3A_131 = arith.constant 16 : i32
        %add3A_132 = vector.broadcast %add3A_131 : i32 to vector<16xi32>
        %add3A_133 = arith.addi %xor3A_127, %add3A_132 : vector<16xi32>
        %select_n3A_134 = arith.select %lt3A_130, %add3A_133, %xor3A_127 : vector<16xi1>, vector<16xi32>
        %broadcast_in_dim3A_135 = vector.shape_cast %select_n3A_134 : vector<16xi32> to vector<16x1xi32>
        %gather3A_136 = vector.shape_cast %broadcast_in_dim3A_135 : vector<16x1xi32> to vector<16xi32>
        %gather3A_137 = tpu.dynamic_gather %get3A_121[%gather3A_136] in [0] : vector<16xf32>, vector<16xi32> -> vector<16xf32>
        %add3A_138 = arith.addf %get3A_121, %gather3A_137 : vector<16xf32>
        %xor3A_139 = arith.constant 4 : i32
        %xor3A_140 = vector.broadcast %xor3A_139 : i32 to vector<16xi32>
        %xor3A_141 = arith.xori %iota3A, %xor3A_140 : vector<16xi32>
        %lt3A_142 = arith.constant 0 : i32
        %lt3A_143 = vector.broadcast %lt3A_142 : i32 to vector<16xi32>
        %lt3A_144 = arith.cmpi slt, %xor3A_141, %lt3A_143 : vector<16xi32>
        %add3A_145 = arith.constant 16 : i32
        %add3A_146 = vector.broadcast %add3A_145 : i32 to vector<16xi32>
        %add3A_147 = arith.addi %xor3A_141, %add3A_146 : vector<16xi32>
        %select_n3A_148 = arith.select %lt3A_144, %add3A_147, %xor3A_141 : vector<16xi1>, vector<16xi32>
        %broadcast_in_dim3A_149 = vector.shape_cast %select_n3A_148 : vector<16xi32> to vector<16x1xi32>
        %gather3A_150 = vector.shape_cast %broadcast_in_dim3A_149 : vector<16x1xi32> to vector<16xi32>
        %gather3A_151 = tpu.dynamic_gather %add3A_138[%gather3A_150] in [0] : vector<16xf32>, vector<16xi32> -> vector<16xf32>
        %add3A_152 = arith.addf %add3A_138, %gather3A_151 : vector<16xf32>
        %xor3A_153 = arith.constant 2 : i32
        %xor3A_154 = vector.broadcast %xor3A_153 : i32 to vector<16xi32>
        %xor3A_155 = arith.xori %iota3A, %xor3A_154 : vector<16xi32>
        %lt3A_156 = arith.constant 0 : i32
        %lt3A_157 = vector.broadcast %lt3A_156 : i32 to vector<16xi32>
        %lt3A_158 = arith.cmpi slt, %xor3A_155, %lt3A_157 : vector<16xi32>
        %add3A_159 = arith.constant 16 : i32
        %add3A_160 = vector.broadcast %add3A_159 : i32 to vector<16xi32>
        %add3A_161 = arith.addi %xor3A_155, %add3A_160 : vector<16xi32>
        %select_n3A_162 = arith.select %lt3A_158, %add3A_161, %xor3A_155 : vector<16xi1>, vector<16xi32>
        %broadcast_in_dim3A_163 = vector.shape_cast %select_n3A_162 : vector<16xi32> to vector<16x1xi32>
        %gather3A_164 = vector.shape_cast %broadcast_in_dim3A_163 : vector<16x1xi32> to vector<16xi32>
        %gather3A_165 = tpu.dynamic_gather %add3A_152[%gather3A_164] in [0] : vector<16xf32>, vector<16xi32> -> vector<16xf32>
        %add3A_166 = arith.addf %add3A_152, %gather3A_165 : vector<16xf32>
        %xor3A_167 = arith.constant 1 : i32
        %xor3A_168 = vector.broadcast %xor3A_167 : i32 to vector<16xi32>
        %xor3A_169 = arith.xori %iota3A, %xor3A_168 : vector<16xi32>
        %lt3A_170 = arith.constant 0 : i32
        %lt3A_171 = vector.broadcast %lt3A_170 : i32 to vector<16xi32>
        %lt3A_172 = arith.cmpi slt, %xor3A_169, %lt3A_171 : vector<16xi32>
        %add3A_173 = arith.constant 16 : i32
        %add3A_174 = vector.broadcast %add3A_173 : i32 to vector<16xi32>
        %add3A_175 = arith.addi %xor3A_169, %add3A_174 : vector<16xi32>
        %select_n3A_176 = arith.select %lt3A_172, %add3A_175, %xor3A_169 : vector<16xi1>, vector<16xi32>
        %broadcast_in_dim3A_177 = vector.shape_cast %select_n3A_176 : vector<16xi32> to vector<16x1xi32>
        %gather3A_178 = vector.shape_cast %broadcast_in_dim3A_177 : vector<16x1xi32> to vector<16xi32>
        %gather3A_179 = tpu.dynamic_gather %add3A_166[%gather3A_178] in [0] : vector<16xf32>, vector<16xi32> -> vector<16xf32>
        %add3A_180 = arith.addf %add3A_166, %gather3A_179 : vector<16xf32>
        %select_n3A_181 = arith.select %eq3A_124, %add3A_180, %select_n3A_114 : vector<16xi1>, vector<16xf32>
        %mul3A_182 = arith.constant 16 : i32
        %mul3A_183 = arith.muli %scan3A_51, %mul3A_182 : i32
        %add3A_184 = arith.constant 2 : i32
        %add3A_185 = arith.addi %mul3A_183, %add3A_184 : i32
        %get3A_186 = arith.index_cast %add3A_185 : i32 to index
        %get3A_187 = arith.constant 0 : index
        %get3A_188 = tpu.vector_load %arg12[%get3A_186, %get3A_187] {strides = array<i32>} : memref<128x16xf32, #tpu.memory_space<vmem>>, vector<16xf32>,
        %eq3A_189 = arith.constant 2 : i32
        %eq3A_190 = vector.broadcast %eq3A_189 : i32 to vector<16xi32>
        %eq3A_191 = arith.cmpi eq, %iota3A, %eq3A_190 : vector<16xi32>
        %xor3A_192 = arith.constant 8 : i32
        %xor3A_193 = vector.broadcast %xor3A_192 : i32 to vector<16xi32>
        %xor3A_194 = arith.xori %iota3A, %xor3A_193 : vector<16xi32>
        %lt3A_195 = arith.constant 0 : i32
        %lt3A_196 = vector.broadcast %lt3A_195 : i32 to vector<16xi32>
        %lt3A_197 = arith.cmpi slt, %xor3A_194, %lt3A_196 : vector<16xi32>
        %add3A_198 = arith.constant 16 : i32
        %add3A_199 = vector.broadcast %add3A_198 : i32 to vector<16xi32>
        %add3A_200 = arith.addi %xor3A_194, %add3A_199 : vector<16xi32>
        %select_n3A_201 = arith.select %lt3A_197, %add3A_200, %xor3A_194 : vector<16xi1>, vector<16xi32>
        %broadcast_in_dim3A_202 = vector.shape_cast %select_n3A_201 : vector<16xi32> to vector<16x1xi32>
        %gather3A_203 = vector.shape_cast %broadcast_in_dim3A_202 : vector<16x1xi32> to vector<16xi32>
        %gather3A_204 = tpu.dynamic_gather %get3A_188[%gather3A_203] in [0] : vector<16xf32>, vector<16xi32> -> vector<16xf32>
        %add3A_205 = arith.addf %get3A_188, %gather3A_204 : vector<16xf32>
        %xor3A_206 = arith.constant 4 : i32
        %xor3A_207 = vector.broadcast %xor3A_206 : i32 to vector<16xi32>
        %xor3A_208 = arith.xori %iota3A, %xor3A_207 : vector<16xi32>
        %lt3A_209 = arith.constant 0 : i32
        %lt3A_210 = vector.broadcast %lt3A_209 : i32 to vector<16xi32>
        %lt3A_211 = arith.cmpi slt, %xor3A_208, %lt3A_210 : vector<16xi32>
        %add3A_212 = arith.constant 16 : i32
        %add3A_213 = vector.broadcast %add3A_212 : i32 to vector<16xi32>
        %add3A_214 = arith.addi %xor3A_208, %add3A_213 : vector<16xi32>
        %select_n3A_215 = arith.select %lt3A_211, %add3A_214, %xor3A_208 : vector<16xi1>, vector<16xi32>
        %broadcast_in_dim3A_216 = vector.shape_cast %select_n3A_215 : vector<16xi32> to vector<16x1xi32>
        %gather3A_217 = vector.shape_cast %broadcast_in_dim3A_216 : vector<16x1xi32> to vector<16xi32>
        %gather3A_218 = tpu.dynamic_gather %add3A_205[%gather3A_217] in [0] : vector<16xf32>, vector<16xi32> -> vector<16xf32>
        %add3A_219 = arith.addf %add3A_205, %gather3A_218 : vector<16xf32>
        %xor3A_220 = arith.constant 2 : i32
        %xor3A_221 = vector.broadcast %xor3A_220 : i32 to vector<16xi32>
        %xor3A_222 = arith.xori %iota3A, %xor3A_221 : vector<16xi32>
        %lt3A_223 = arith.constant 0 : i32
        %lt3A_224 = vector.broadcast %lt3A_223 : i32 to vector<16xi32>
        %lt3A_225 = arith.cmpi slt, %xor3A_222, %lt3A_224 : vector<16xi32>
        %add3A_226 = arith.constant 16 : i32
        %add3A_227 = vector.broadcast %add3A_226 : i32 to vector<16xi32>
        %add3A_228 = arith.addi %xor3A_222, %add3A_227 : vector<16xi32>
        %select_n3A_229 = arith.select %lt3A_225, %add3A_228, %xor3A_222 : vector<16xi1>, vector<16xi32>
        %broadcast_in_dim3A_230 = vector.shape_cast %select_n3A_229 : vector<16xi32> to vector<16x1xi32>
        %gather3A_231 = vector.shape_cast %broadcast_in_dim3A_230 : vector<16x1xi32> to vector<16xi32>
        %gather3A_232 = tpu.dynamic_gather %add3A_219[%gather3A_231] in [0] : vector<16xf32>, vector<16xi32> -> vector<16xf32>
        %add3A_233 = arith.addf %add3A_219, %gather3A_232 : vector<16xf32>
        %xor3A_234 = arith.constant 1 : i32
        %xor3A_235 = vector.broadcast %xor3A_234 : i32 to vector<16xi32>
        %xor3A_236 = arith.xori %iota3A, %xor3A_235 : vector<16xi32>
        %lt3A_237 = arith.constant 0 : i32
        %lt3A_238 = vector.broadcast %lt3A_237 : i32 to vector<16xi32>
        %lt3A_239 = arith.cmpi slt, %xor3A_236, %lt3A_238 : vector<16xi32>
        %add3A_240 = arith.constant 16 : i32
        %add3A_241 = vector.broadcast %add3A_240 : i32 to vector<16xi32>
        %add3A_242 = arith.addi %xor3A_236, %add3A_241 : vector<16xi32>
        %select_n3A_243 = arith.select %lt3A_239, %add3A_242, %xor3A_236 : vector<16xi1>, vector<16xi32>
        %broadcast_in_dim3A_244 = vector.shape_cast %select_n3A_243 : vector<16xi32> to vector<16x1xi32>
        %gather3A_245 = vector.shape_cast %broadcast_in_dim3A_244 : vector<16x1xi32> to vector<16xi32>
        %gather3A_246 = tpu.dynamic_gather %add3A_233[%gather3A_245] in [0] : vector<16xf32>, vector<16xi32> -> vector<16xf32>
        %add3A_247 = arith.addf %add3A_233, %gather3A_246 : vector<16xf32>
        %select_n3A_248 = arith.select %eq3A_191, %add3A_247, %select_n3A_181 : vector<16xi1>, vector<16xf32>
        %mul3A_249 = arith.constant 16 : i32
        %mul3A_250 = arith.muli %scan3A_51, %mul3A_249 : i32
        %add3A_251 = arith.constant 3 : i32
        %add3A_252 = arith.addi %mul3A_250, %add3A_251 : i32
        %get3A_253 = arith.index_cast %add3A_252 : i32 to index
        %get3A_254 = arith.constant 0 : index
        %get3A_255 = tpu.vector_load %arg12[%get3A_253, %get3A_254] {strides = array<i32>} : memref<128x16xf32, #tpu.memory_space<vmem>>, vector<16xf32>,
        %eq3A_256 = arith.constant 3 : i32
        %eq3A_257 = vector.broadcast %eq3A_256 : i32 to vector<16xi32>
        %eq3A_258 = arith.cmpi eq, %iota3A, %eq3A_257 : vector<16xi32>
        %xor3A_259 = arith.constant 8 : i32
        %xor3A_260 = vector.broadcast %xor3A_259 : i32 to vector<16xi32>
        %xor3A_261 = arith.xori %iota3A, %xor3A_260 : vector<16xi32>
        %lt3A_262 = arith.constant 0 : i32
        %lt3A_263 = vector.broadcast %lt3A_262 : i32 to vector<16xi32>
        %lt3A_264 = arith.cmpi slt, %xor3A_261, %lt3A_263 : vector<16xi32>
        %add3A_265 = arith.constant 16 : i32
        %add3A_266 = vector.broadcast %add3A_265 : i32 to vector<16xi32>
        %add3A_267 = arith.addi %xor3A_261, %add3A_266 : vector<16xi32>
        %select_n3A_268 = arith.select %lt3A_264, %add3A_267, %xor3A_261 : vector<16xi1>, vector<16xi32>
        %broadcast_in_dim3A_269 = vector.shape_cast %select_n3A_268 : vector<16xi32> to vector<16x1xi32>
        %gather3A_270 = vector.shape_cast %broadcast_in_dim3A_269 : vector<16x1xi32> to vector<16xi32>
        %gather3A_271 = tpu.dynamic_gather %get3A_255[%gather3A_270] in [0] : vector<16xf32>, vector<16xi32> -> vector<16xf32>
        %add3A_272 = arith.addf %get3A_255, %gather3A_271 : vector<16xf32>
        %xor3A_273 = arith.constant 4 : i32
        %xor3A_274 = vector.broadcast %xor3A_273 : i32 to vector<16xi32>
        %xor3A_275 = arith.xori %iota3A, %xor3A_274 : vector<16xi32>
        %lt3A_276 = arith.constant 0 : i32
        %lt3A_277 = vector.broadcast %lt3A_276 : i32 to vector<16xi32>
        %lt3A_278 = arith.cmpi slt, %xor3A_275, %lt3A_277 : vector<16xi32>
        %add3A_279 = arith.constant 16 : i32
        %add3A_280 = vector.broadcast %add3A_279 : i32 to vector<16xi32>
        %add3A_281 = arith.addi %xor3A_275, %add3A_280 : vector<16xi32>
        %select_n3A_282 = arith.select %lt3A_278, %add3A_281, %xor3A_275 : vector<16xi1>, vector<16xi32>
        %broadcast_in_dim3A_283 = vector.shape_cast %select_n3A_282 : vector<16xi32> to vector<16x1xi32>
        %gather3A_284 = vector.shape_cast %broadcast_in_dim3A_283 : vector<16x1xi32> to vector<16xi32>
        %gather3A_285 = tpu.dynamic_gather %add3A_272[%gather3A_284] in [0] : vector<16xf32>, vector<16xi32> -> vector<16xf32>
        %add3A_286 = arith.addf %add3A_272, %gather3A_285 : vector<16xf32>
        %xor3A_287 = arith.constant 2 : i32
        %xor3A_288 = vector.broadcast %xor3A_287 : i32 to vector<16xi32>
        %xor3A_289 = arith.xori %iota3A, %xor3A_288 : vector<16xi32>
        %lt3A_290 = arith.constant 0 : i32
        %lt3A_291 = vector.broadcast %lt3A_290 : i32 to vector<16xi32>
        %lt3A_292 = arith.cmpi slt, %xor3A_289, %lt3A_291 : vector<16xi32>
        %add3A_293 = arith.constant 16 : i32
        %add3A_294 = vector.broadcast %add3A_293 : i32 to vector<16xi32>
        %add3A_295 = arith.addi %xor3A_289, %add3A_294 : vector<16xi32>
        %select_n3A_296 = arith.select %lt3A_292, %add3A_295, %xor3A_289 : vector<16xi1>, vector<16xi32>
        %broadcast_in_dim3A_297 = vector.shape_cast %select_n3A_296 : vector<16xi32> to vector<16x1xi32>
        %gather3A_298 = vector.shape_cast %broadcast_in_dim3A_297 : vector<16x1xi32> to vector<16xi32>
        %gather3A_299 = tpu.dynamic_gather %add3A_286[%gather3A_298] in [0] : vector<16xf32>, vector<16xi32> -> vector<16xf32>
        %add3A_300 = arith.addf %add3A_286, %gather3A_299 : vector<16xf32>
        %xor3A_301 = arith.constant 1 : i32
        %xor3A_302 = vector.broadcast %xor3A_301 : i32 to vector<16xi32>
        %xor3A_303 = arith.xori %iota3A, %xor3A_302 : vector<16xi32>
        %lt3A_304 = arith.constant 0 : i32
        %lt3A_305 = vector.broadcast %lt3A_304 : i32 to vector<16xi32>
        %lt3A_306 = arith.cmpi slt, %xor3A_303, %lt3A_305 : vector<16xi32>
        %add3A_307 = arith.constant 16 : i32
        %add3A_308 = vector.broadcast %add3A_307 : i32 to vector<16xi32>
        %add3A_309 = arith.addi %xor3A_303, %add3A_308 : vector<16xi32>
        %select_n3A_310 = arith.select %lt3A_306, %add3A_309, %xor3A_303 : vector<16xi1>, vector<16xi32>
        %broadcast_in_dim3A_311 = vector.shape_cast %select_n3A_310 : vector<16xi32> to vector<16x1xi32>
        %gather3A_312 = vector.shape_cast %broadcast_in_dim3A_311 : vector<16x1xi32> to vector<16xi32>
        %gather3A_313 = tpu.dynamic_gather %add3A_300[%gather3A_312] in [0] : vector<16xf32>, vector<16xi32> -> vector<16xf32>
        %add3A_314 = arith.addf %add3A_300, %gather3A_313 : vector<16xf32>
        %select_n3A_315 = arith.select %eq3A_258, %add3A_314, %select_n3A_248 : vector<16xi1>, vector<16xf32>
        %mul3A_316 = arith.constant 16 : i32
        %mul3A_317 = arith.muli %scan3A_51, %mul3A_316 : i32
        %add3A_318 = arith.constant 4 : i32
        %add3A_319 = arith.addi %mul3A_317, %add3A_318 : i32
        %get3A_320 = arith.index_cast %add3A_319 : i32 to index
        %get3A_321 = arith.constant 0 : index
        %get3A_322 = tpu.vector_load %arg12[%get3A_320, %get3A_321] {strides = array<i32>} : memref<128x16xf32, #tpu.memory_space<vmem>>, vector<16xf32>,
        %eq3A_323 = arith.constant 4 : i32
        %eq3A_324 = vector.broadcast %eq3A_323 : i32 to vector<16xi32>
        %eq3A_325 = arith.cmpi eq, %iota3A, %eq3A_324 : vector<16xi32>
        %xor3A_326 = arith.constant 8 : i32
        %xor3A_327 = vector.broadcast %xor3A_326 : i32 to vector<16xi32>
        %xor3A_328 = arith.xori %iota3A, %xor3A_327 : vector<16xi32>
        %lt3A_329 = arith.constant 0 : i32
        %lt3A_330 = vector.broadcast %lt3A_329 : i32 to vector<16xi32>
        %lt3A_331 = arith.cmpi slt, %xor3A_328, %lt3A_330 : vector<16xi32>
        %add3A_332 = arith.constant 16 : i32
        %add3A_333 = vector.broadcast %add3A_332 : i32 to vector<16xi32>
        %add3A_334 = arith.addi %xor3A_328, %add3A_333 : vector<16xi32>
        %select_n3A_335 = arith.select %lt3A_331, %add3A_334, %xor3A_328 : vector<16xi1>, vector<16xi32>
        %broadcast_in_dim3A_336 = vector.shape_cast %select_n3A_335 : vector<16xi32> to vector<16x1xi32>
        %gather3A_337 = vector.shape_cast %broadcast_in_dim3A_336 : vector<16x1xi32> to vector<16xi32>
        %gather3A_338 = tpu.dynamic_gather %get3A_322[%gather3A_337] in [0] : vector<16xf32>, vector<16xi32> -> vector<16xf32>
        %add3A_339 = arith.addf %get3A_322, %gather3A_338 : vector<16xf32>
        %xor3A_340 = arith.constant 4 : i32
        %xor3A_341 = vector.broadcast %xor3A_340 : i32 to vector<16xi32>
        %xor3A_342 = arith.xori %iota3A, %xor3A_341 : vector<16xi32>
        %lt3A_343 = arith.constant 0 : i32
        %lt3A_344 = vector.broadcast %lt3A_343 : i32 to vector<16xi32>
        %lt3A_345 = arith.cmpi slt, %xor3A_342, %lt3A_344 : vector<16xi32>
        %add3A_346 = arith.constant 16 : i32
        %add3A_347 = vector.broadcast %add3A_346 : i32 to vector<16xi32>
        %add3A_348 = arith.addi %xor3A_342, %add3A_347 : vector<16xi32>
        %select_n3A_349 = arith.select %lt3A_345, %add3A_348, %xor3A_342 : vector<16xi1>, vector<16xi32>
        %broadcast_in_dim3A_350 = vector.shape_cast %select_n3A_349 : vector<16xi32> to vector<16x1xi32>
        %gather3A_351 = vector.shape_cast %broadcast_in_dim3A_350 : vector<16x1xi32> to vector<16xi32>
        %gather3A_352 = tpu.dynamic_gather %add3A_339[%gather3A_351] in [0] : vector<16xf32>, vector<16xi32> -> vector<16xf32>
        %add3A_353 = arith.addf %add3A_339, %gather3A_352 : vector<16xf32>
        %xor3A_354 = arith.constant 2 : i32
        %xor3A_355 = vector.broadcast %xor3A_354 : i32 to vector<16xi32>
        %xor3A_356 = arith.xori %iota3A, %xor3A_355 : vector<16xi32>
        %lt3A_357 = arith.constant 0 : i32
        %lt3A_358 = vector.broadcast %lt3A_357 : i32 to vector<16xi32>
        %lt3A_359 = arith.cmpi slt, %xor3A_356, %lt3A_358 : vector<16xi32>
        %add3A_360 = arith.constant 16 : i32
        %add3A_361 = vector.broadcast %add3A_360 : i32 to vector<16xi32>
        %add3A_362 = arith.addi %xor3A_356, %add3A_361 : vector<16xi32>
        %select_n3A_363 = arith.select %lt3A_359, %add3A_362, %xor3A_356 : vector<16xi1>, vector<16xi32>
        %broadcast_in_dim3A_364 = vector.shape_cast %select_n3A_363 : vector<16xi32> to vector<16x1xi32>
        %gather3A_365 = vector.shape_cast %broadcast_in_dim3A_364 : vector<16x1xi32> to vector<16xi32>
        %gather3A_366 = tpu.dynamic_gather %add3A_353[%gather3A_365] in [0] : vector<16xf32>, vector<16xi32> -> vector<16xf32>
        %add3A_367 = arith.addf %add3A_353, %gather3A_366 : vector<16xf32>
        %xor3A_368 = arith.constant 1 : i32
        %xor3A_369 = vector.broadcast %xor3A_368 : i32 to vector<16xi32>
        %xor3A_370 = arith.xori %iota3A, %xor3A_369 : vector<16xi32>
        %lt3A_371 = arith.constant 0 : i32
        %lt3A_372 = vector.broadcast %lt3A_371 : i32 to vector<16xi32>
        %lt3A_373 = arith.cmpi slt, %xor3A_370, %lt3A_372 : vector<16xi32>
        %add3A_374 = arith.constant 16 : i32
        %add3A_375 = vector.broadcast %add3A_374 : i32 to vector<16xi32>
        %add3A_376 = arith.addi %xor3A_370, %add3A_375 : vector<16xi32>
        %select_n3A_377 = arith.select %lt3A_373, %add3A_376, %xor3A_370 : vector<16xi1>, vector<16xi32>
        %broadcast_in_dim3A_378 = vector.shape_cast %select_n3A_377 : vector<16xi32> to vector<16x1xi32>
        %gather3A_379 = vector.shape_cast %broadcast_in_dim3A_378 : vector<16x1xi32> to vector<16xi32>
        %gather3A_380 = tpu.dynamic_gather %add3A_367[%gather3A_379] in [0] : vector<16xf32>, vector<16xi32> -> vector<16xf32>
        %add3A_381 = arith.addf %add3A_367, %gather3A_380 : vector<16xf32>
        %select_n3A_382 = arith.select %eq3A_325, %add3A_381, %select_n3A_315 : vector<16xi1>, vector<16xf32>
        %mul3A_383 = arith.constant 16 : i32
        %mul3A_384 = arith.muli %scan3A_51, %mul3A_383 : i32
        %add3A_385 = arith.constant 5 : i32
        %add3A_386 = arith.addi %mul3A_384, %add3A_385 : i32
        %get3A_387 = arith.index_cast %add3A_386 : i32 to index
        %get3A_388 = arith.constant 0 : index
        %get3A_389 = tpu.vector_load %arg12[%get3A_387, %get3A_388] {strides = array<i32>} : memref<128x16xf32, #tpu.memory_space<vmem>>, vector<16xf32>,
        %eq3A_390 = arith.constant 5 : i32
        %eq3A_391 = vector.broadcast %eq3A_390 : i32 to vector<16xi32>
        %eq3A_392 = arith.cmpi eq, %iota3A, %eq3A_391 : vector<16xi32>
        %xor3A_393 = arith.constant 8 : i32
        %xor3A_394 = vector.broadcast %xor3A_393 : i32 to vector<16xi32>
        %xor3A_395 = arith.xori %iota3A, %xor3A_394 : vector<16xi32>
        %lt3A_396 = arith.constant 0 : i32
        %lt3A_397 = vector.broadcast %lt3A_396 : i32 to vector<16xi32>
        %lt3A_398 = arith.cmpi slt, %xor3A_395, %lt3A_397 : vector<16xi32>
        %add3A_399 = arith.constant 16 : i32
        %add3A_400 = vector.broadcast %add3A_399 : i32 to vector<16xi32>
        %add3A_401 = arith.addi %xor3A_395, %add3A_400 : vector<16xi32>
        %select_n3A_402 = arith.select %lt3A_398, %add3A_401, %xor3A_395 : vector<16xi1>, vector<16xi32>
        %broadcast_in_dim3A_403 = vector.shape_cast %select_n3A_402 : vector<16xi32> to vector<16x1xi32>
        %gather3A_404 = vector.shape_cast %broadcast_in_dim3A_403 : vector<16x1xi32> to vector<16xi32>
        %gather3A_405 = tpu.dynamic_gather %get3A_389[%gather3A_404] in [0] : vector<16xf32>, vector<16xi32> -> vector<16xf32>
        %add3A_406 = arith.addf %get3A_389, %gather3A_405 : vector<16xf32>
        %xor3A_407 = arith.constant 4 : i32
        %xor3A_408 = vector.broadcast %xor3A_407 : i32 to vector<16xi32>
        %xor3A_409 = arith.xori %iota3A, %xor3A_408 : vector<16xi32>
        %lt3A_410 = arith.constant 0 : i32
        %lt3A_411 = vector.broadcast %lt3A_410 : i32 to vector<16xi32>
        %lt3A_412 = arith.cmpi slt, %xor3A_409, %lt3A_411 : vector<16xi32>
        %add3A_413 = arith.constant 16 : i32
        %add3A_414 = vector.broadcast %add3A_413 : i32 to vector<16xi32>
        %add3A_415 = arith.addi %xor3A_409, %add3A_414 : vector<16xi32>
        %select_n3A_416 = arith.select %lt3A_412, %add3A_415, %xor3A_409 : vector<16xi1>, vector<16xi32>
        %broadcast_in_dim3A_417 = vector.shape_cast %select_n3A_416 : vector<16xi32> to vector<16x1xi32>
        %gather3A_418 = vector.shape_cast %broadcast_in_dim3A_417 : vector<16x1xi32> to vector<16xi32>
        %gather3A_419 = tpu.dynamic_gather %add3A_406[%gather3A_418] in [0] : vector<16xf32>, vector<16xi32> -> vector<16xf32>
        %add3A_420 = arith.addf %add3A_406, %gather3A_419 : vector<16xf32>
        %xor3A_421 = arith.constant 2 : i32
        %xor3A_422 = vector.broadcast %xor3A_421 : i32 to vector<16xi32>
        %xor3A_423 = arith.xori %iota3A, %xor3A_422 : vector<16xi32>
        %lt3A_424 = arith.constant 0 : i32
        %lt3A_425 = vector.broadcast %lt3A_424 : i32 to vector<16xi32>
        %lt3A_426 = arith.cmpi slt, %xor3A_423, %lt3A_425 : vector<16xi32>
        %add3A_427 = arith.constant 16 : i32
        %add3A_428 = vector.broadcast %add3A_427 : i32 to vector<16xi32>
        %add3A_429 = arith.addi %xor3A_423, %add3A_428 : vector<16xi32>
        %select_n3A_430 = arith.select %lt3A_426, %add3A_429, %xor3A_423 : vector<16xi1>, vector<16xi32>
        %broadcast_in_dim3A_431 = vector.shape_cast %select_n3A_430 : vector<16xi32> to vector<16x1xi32>
        %gather3A_432 = vector.shape_cast %broadcast_in_dim3A_431 : vector<16x1xi32> to vector<16xi32>
        %gather3A_433 = tpu.dynamic_gather %add3A_420[%gather3A_432] in [0] : vector<16xf32>, vector<16xi32> -> vector<16xf32>
        %add3A_434 = arith.addf %add3A_420, %gather3A_433 : vector<16xf32>
        %xor3A_435 = arith.constant 1 : i32
        %xor3A_436 = vector.broadcast %xor3A_435 : i32 to vector<16xi32>
        %xor3A_437 = arith.xori %iota3A, %xor3A_436 : vector<16xi32>
        %lt3A_438 = arith.constant 0 : i32
        %lt3A_439 = vector.broadcast %lt3A_438 : i32 to vector<16xi32>
        %lt3A_440 = arith.cmpi slt, %xor3A_437, %lt3A_439 : vector<16xi32>
        %add3A_441 = arith.constant 16 : i32
        %add3A_442 = vector.broadcast %add3A_441 : i32 to vector<16xi32>
        %add3A_443 = arith.addi %xor3A_437, %add3A_442 : vector<16xi32>
        %select_n3A_444 = arith.select %lt3A_440, %add3A_443, %xor3A_437 : vector<16xi1>, vector<16xi32>
        %broadcast_in_dim3A_445 = vector.shape_cast %select_n3A_444 : vector<16xi32> to vector<16x1xi32>
        %gather3A_446 = vector.shape_cast %broadcast_in_dim3A_445 : vector<16x1xi32> to vector<16xi32>
        %gather3A_447 = tpu.dynamic_gather %add3A_434[%gather3A_446] in [0] : vector<16xf32>, vector<16xi32> -> vector<16xf32>
        %add3A_448 = arith.addf %add3A_434, %gather3A_447 : vector<16xf32>
        %select_n3A_449 = arith.select %eq3A_392, %add3A_448, %select_n3A_382 : vector<16xi1>, vector<16xf32>
        %mul3A_450 = arith.constant 16 : i32
        %mul3A_451 = arith.muli %scan3A_51, %mul3A_450 : i32
        %add3A_452 = arith.constant 6 : i32
        %add3A_453 = arith.addi %mul3A_451, %add3A_452 : i32
        %get3A_454 = arith.index_cast %add3A_453 : i32 to index
        %get3A_455 = arith.constant 0 : index
        %get3A_456 = tpu.vector_load %arg12[%get3A_454, %get3A_455] {strides = array<i32>} : memref<128x16xf32, #tpu.memory_space<vmem>>, vector<16xf32>,
        %eq3A_457 = arith.constant 6 : i32
        %eq3A_458 = vector.broadcast %eq3A_457 : i32 to vector<16xi32>
        %eq3A_459 = arith.cmpi eq, %iota3A, %eq3A_458 : vector<16xi32>
        %xor3A_460 = arith.constant 8 : i32
        %xor3A_461 = vector.broadcast %xor3A_460 : i32 to vector<16xi32>
        %xor3A_462 = arith.xori %iota3A, %xor3A_461 : vector<16xi32>
        %lt3A_463 = arith.constant 0 : i32
        %lt3A_464 = vector.broadcast %lt3A_463 : i32 to vector<16xi32>
        %lt3A_465 = arith.cmpi slt, %xor3A_462, %lt3A_464 : vector<16xi32>
        %add3A_466 = arith.constant 16 : i32
        %add3A_467 = vector.broadcast %add3A_466 : i32 to vector<16xi32>
        %add3A_468 = arith.addi %xor3A_462, %add3A_467 : vector<16xi32>
        %select_n3A_469 = arith.select %lt3A_465, %add3A_468, %xor3A_462 : vector<16xi1>, vector<16xi32>
        %broadcast_in_dim3A_470 = vector.shape_cast %select_n3A_469 : vector<16xi32> to vector<16x1xi32>
        %gather3A_471 = vector.shape_cast %broadcast_in_dim3A_470 : vector<16x1xi32> to vector<16xi32>
        %gather3A_472 = tpu.dynamic_gather %get3A_456[%gather3A_471] in [0] : vector<16xf32>, vector<16xi32> -> vector<16xf32>
        %add3A_473 = arith.addf %get3A_456, %gather3A_472 : vector<16xf32>
        %xor3A_474 = arith.constant 4 : i32
        %xor3A_475 = vector.broadcast %xor3A_474 : i32 to vector<16xi32>
        %xor3A_476 = arith.xori %iota3A, %xor3A_475 : vector<16xi32>
        %lt3A_477 = arith.constant 0 : i32
        %lt3A_478 = vector.broadcast %lt3A_477 : i32 to vector<16xi32>
        %lt3A_479 = arith.cmpi slt, %xor3A_476, %lt3A_478 : vector<16xi32>
        %add3A_480 = arith.constant 16 : i32
        %add3A_481 = vector.broadcast %add3A_480 : i32 to vector<16xi32>
        %add3A_482 = arith.addi %xor3A_476, %add3A_481 : vector<16xi32>
        %select_n3A_483 = arith.select %lt3A_479, %add3A_482, %xor3A_476 : vector<16xi1>, vector<16xi32>
        %broadcast_in_dim3A_484 = vector.shape_cast %select_n3A_483 : vector<16xi32> to vector<16x1xi32>
        %gather3A_485 = vector.shape_cast %broadcast_in_dim3A_484 : vector<16x1xi32> to vector<16xi32>
        %gather3A_486 = tpu.dynamic_gather %add3A_473[%gather3A_485] in [0] : vector<16xf32>, vector<16xi32> -> vector<16xf32>
        %add3A_487 = arith.addf %add3A_473, %gather3A_486 : vector<16xf32>
        %xor3A_488 = arith.constant 2 : i32
        %xor3A_489 = vector.broadcast %xor3A_488 : i32 to vector<16xi32>
        %xor3A_490 = arith.xori %iota3A, %xor3A_489 : vector<16xi32>
        %lt3A_491 = arith.constant 0 : i32
        %lt3A_492 = vector.broadcast %lt3A_491 : i32 to vector<16xi32>
        %lt3A_493 = arith.cmpi slt, %xor3A_490, %lt3A_492 : vector<16xi32>
        %add3A_494 = arith.constant 16 : i32
        %add3A_495 = vector.broadcast %add3A_494 : i32 to vector<16xi32>
        %add3A_496 = arith.addi %xor3A_490, %add3A_495 : vector<16xi32>
        %select_n3A_497 = arith.select %lt3A_493, %add3A_496, %xor3A_490 : vector<16xi1>, vector<16xi32>
        %broadcast_in_dim3A_498 = vector.shape_cast %select_n3A_497 : vector<16xi32> to vector<16x1xi32>
        %gather3A_499 = vector.shape_cast %broadcast_in_dim3A_498 : vector<16x1xi32> to vector<16xi32>
        %gather3A_500 = tpu.dynamic_gather %add3A_487[%gather3A_499] in [0] : vector<16xf32>, vector<16xi32> -> vector<16xf32>
        %add3A_501 = arith.addf %add3A_487, %gather3A_500 : vector<16xf32>
        %xor3A_502 = arith.constant 1 : i32
        %xor3A_503 = vector.broadcast %xor3A_502 : i32 to vector<16xi32>
        %xor3A_504 = arith.xori %iota3A, %xor3A_503 : vector<16xi32>
        %lt3A_505 = arith.constant 0 : i32
        %lt3A_506 = vector.broadcast %lt3A_505 : i32 to vector<16xi32>
        %lt3A_507 = arith.cmpi slt, %xor3A_504, %lt3A_506 : vector<16xi32>
        %add3A_508 = arith.constant 16 : i32
        %add3A_509 = vector.broadcast %add3A_508 : i32 to vector<16xi32>
        %add3A_510 = arith.addi %xor3A_504, %add3A_509 : vector<16xi32>
        %select_n3A_511 = arith.select %lt3A_507, %add3A_510, %xor3A_504 : vector<16xi1>, vector<16xi32>
        %broadcast_in_dim3A_512 = vector.shape_cast %select_n3A_511 : vector<16xi32> to vector<16x1xi32>
        %gather3A_513 = vector.shape_cast %broadcast_in_dim3A_512 : vector<16x1xi32> to vector<16xi32>
        %gather3A_514 = tpu.dynamic_gather %add3A_501[%gather3A_513] in [0] : vector<16xf32>, vector<16xi32> -> vector<16xf32>
        %add3A_515 = arith.addf %add3A_501, %gather3A_514 : vector<16xf32>
        %select_n3A_516 = arith.select %eq3A_459, %add3A_515, %select_n3A_449 : vector<16xi1>, vector<16xf32>
        %mul3A_517 = arith.constant 16 : i32
        %mul3A_518 = arith.muli %scan3A_51, %mul3A_517 : i32
        %add3A_519 = arith.constant 7 : i32
        %add3A_520 = arith.addi %mul3A_518, %add3A_519 : i32
        %get3A_521 = arith.index_cast %add3A_520 : i32 to index
        %get3A_522 = arith.constant 0 : index
        %get3A_523 = tpu.vector_load %arg12[%get3A_521, %get3A_522] {strides = array<i32>} : memref<128x16xf32, #tpu.memory_space<vmem>>, vector<16xf32>,
        %eq3A_524 = arith.constant 7 : i32
        %eq3A_525 = vector.broadcast %eq3A_524 : i32 to vector<16xi32>
        %eq3A_526 = arith.cmpi eq, %iota3A, %eq3A_525 : vector<16xi32>
        %xor3A_527 = arith.constant 8 : i32
        %xor3A_528 = vector.broadcast %xor3A_527 : i32 to vector<16xi32>
        %xor3A_529 = arith.xori %iota3A, %xor3A_528 : vector<16xi32>
        %lt3A_530 = arith.constant 0 : i32
        %lt3A_531 = vector.broadcast %lt3A_530 : i32 to vector<16xi32>
        %lt3A_532 = arith.cmpi slt, %xor3A_529, %lt3A_531 : vector<16xi32>
        %add3A_533 = arith.constant 16 : i32
        %add3A_534 = vector.broadcast %add3A_533 : i32 to vector<16xi32>
        %add3A_535 = arith.addi %xor3A_529, %add3A_534 : vector<16xi32>
        %select_n3A_536 = arith.select %lt3A_532, %add3A_535, %xor3A_529 : vector<16xi1>, vector<16xi32>
        %broadcast_in_dim3A_537 = vector.shape_cast %select_n3A_536 : vector<16xi32> to vector<16x1xi32>
        %gather3A_538 = vector.shape_cast %broadcast_in_dim3A_537 : vector<16x1xi32> to vector<16xi32>
        %gather3A_539 = tpu.dynamic_gather %get3A_523[%gather3A_538] in [0] : vector<16xf32>, vector<16xi32> -> vector<16xf32>
        %add3A_540 = arith.addf %get3A_523, %gather3A_539 : vector<16xf32>
        %xor3A_541 = arith.constant 4 : i32
        %xor3A_542 = vector.broadcast %xor3A_541 : i32 to vector<16xi32>
        %xor3A_543 = arith.xori %iota3A, %xor3A_542 : vector<16xi32>
        %lt3A_544 = arith.constant 0 : i32
        %lt3A_545 = vector.broadcast %lt3A_544 : i32 to vector<16xi32>
        %lt3A_546 = arith.cmpi slt, %xor3A_543, %lt3A_545 : vector<16xi32>
        %add3A_547 = arith.constant 16 : i32
        %add3A_548 = vector.broadcast %add3A_547 : i32 to vector<16xi32>
        %add3A_549 = arith.addi %xor3A_543, %add3A_548 : vector<16xi32>
        %select_n3A_550 = arith.select %lt3A_546, %add3A_549, %xor3A_543 : vector<16xi1>, vector<16xi32>
        %broadcast_in_dim3A_551 = vector.shape_cast %select_n3A_550 : vector<16xi32> to vector<16x1xi32>
        %gather3A_552 = vector.shape_cast %broadcast_in_dim3A_551 : vector<16x1xi32> to vector<16xi32>
        %gather3A_553 = tpu.dynamic_gather %add3A_540[%gather3A_552] in [0] : vector<16xf32>, vector<16xi32> -> vector<16xf32>
        %add3A_554 = arith.addf %add3A_540, %gather3A_553 : vector<16xf32>
        %xor3A_555 = arith.constant 2 : i32
        %xor3A_556 = vector.broadcast %xor3A_555 : i32 to vector<16xi32>
        %xor3A_557 = arith.xori %iota3A, %xor3A_556 : vector<16xi32>
        %lt3A_558 = arith.constant 0 : i32
        %lt3A_559 = vector.broadcast %lt3A_558 : i32 to vector<16xi32>
        %lt3A_560 = arith.cmpi slt, %xor3A_557, %lt3A_559 : vector<16xi32>
        %add3A_561 = arith.constant 16 : i32
        %add3A_562 = vector.broadcast %add3A_561 : i32 to vector<16xi32>
        %add3A_563 = arith.addi %xor3A_557, %add3A_562 : vector<16xi32>
        %select_n3A_564 = arith.select %lt3A_560, %add3A_563, %xor3A_557 : vector<16xi1>, vector<16xi32>
        %broadcast_in_dim3A_565 = vector.shape_cast %select_n3A_564 : vector<16xi32> to vector<16x1xi32>
        %gather3A_566 = vector.shape_cast %broadcast_in_dim3A_565 : vector<16x1xi32> to vector<16xi32>
        %gather3A_567 = tpu.dynamic_gather %add3A_554[%gather3A_566] in [0] : vector<16xf32>, vector<16xi32> -> vector<16xf32>
        %add3A_568 = arith.addf %add3A_554, %gather3A_567 : vector<16xf32>
        %xor3A_569 = arith.constant 1 : i32
        %xor3A_570 = vector.broadcast %xor3A_569 : i32 to vector<16xi32>
        %xor3A_571 = arith.xori %iota3A, %xor3A_570 : vector<16xi32>
        %lt3A_572 = arith.constant 0 : i32
        %lt3A_573 = vector.broadcast %lt3A_572 : i32 to vector<16xi32>
        %lt3A_574 = arith.cmpi slt, %xor3A_571, %lt3A_573 : vector<16xi32>
        %add3A_575 = arith.constant 16 : i32
        %add3A_576 = vector.broadcast %add3A_575 : i32 to vector<16xi32>
        %add3A_577 = arith.addi %xor3A_571, %add3A_576 : vector<16xi32>
        %select_n3A_578 = arith.select %lt3A_574, %add3A_577, %xor3A_571 : vector<16xi1>, vector<16xi32>
        %broadcast_in_dim3A_579 = vector.shape_cast %select_n3A_578 : vector<16xi32> to vector<16x1xi32>
        %gather3A_580 = vector.shape_cast %broadcast_in_dim3A_579 : vector<16x1xi32> to vector<16xi32>
        %gather3A_581 = tpu.dynamic_gather %add3A_568[%gather3A_580] in [0] : vector<16xf32>, vector<16xi32> -> vector<16xf32>
        %add3A_582 = arith.addf %add3A_568, %gather3A_581 : vector<16xf32>
        %select_n3A_583 = arith.select %eq3A_526, %add3A_582, %select_n3A_516 : vector<16xi1>, vector<16xf32>
        %mul3A_584 = arith.constant 16 : i32
        %mul3A_585 = arith.muli %scan3A_51, %mul3A_584 : i32
        %add3A_586 = arith.constant 8 : i32
        %add3A_587 = arith.addi %mul3A_585, %add3A_586 : i32
        %get3A_588 = arith.index_cast %add3A_587 : i32 to index
        %get3A_589 = arith.constant 0 : index
        %get3A_590 = tpu.vector_load %arg12[%get3A_588, %get3A_589] {strides = array<i32>} : memref<128x16xf32, #tpu.memory_space<vmem>>, vector<16xf32>,
        %eq3A_591 = arith.constant 8 : i32
        %eq3A_592 = vector.broadcast %eq3A_591 : i32 to vector<16xi32>
        %eq3A_593 = arith.cmpi eq, %iota3A, %eq3A_592 : vector<16xi32>
        %xor3A_594 = arith.constant 8 : i32
        %xor3A_595 = vector.broadcast %xor3A_594 : i32 to vector<16xi32>
        %xor3A_596 = arith.xori %iota3A, %xor3A_595 : vector<16xi32>
        %lt3A_597 = arith.constant 0 : i32
        %lt3A_598 = vector.broadcast %lt3A_597 : i32 to vector<16xi32>
        %lt3A_599 = arith.cmpi slt, %xor3A_596, %lt3A_598 : vector<16xi32>
        %add3A_600 = arith.constant 16 : i32
        %add3A_601 = vector.broadcast %add3A_600 : i32 to vector<16xi32>
        %add3A_602 = arith.addi %xor3A_596, %add3A_601 : vector<16xi32>
        %select_n3A_603 = arith.select %lt3A_599, %add3A_602, %xor3A_596 : vector<16xi1>, vector<16xi32>
        %broadcast_in_dim3A_604 = vector.shape_cast %select_n3A_603 : vector<16xi32> to vector<16x1xi32>
        %gather3A_605 = vector.shape_cast %broadcast_in_dim3A_604 : vector<16x1xi32> to vector<16xi32>
        %gather3A_606 = tpu.dynamic_gather %get3A_590[%gather3A_605] in [0] : vector<16xf32>, vector<16xi32> -> vector<16xf32>
        %add3A_607 = arith.addf %get3A_590, %gather3A_606 : vector<16xf32>
        %xor3A_608 = arith.constant 4 : i32
        %xor3A_609 = vector.broadcast %xor3A_608 : i32 to vector<16xi32>
        %xor3A_610 = arith.xori %iota3A, %xor3A_609 : vector<16xi32>
        %lt3A_611 = arith.constant 0 : i32
        %lt3A_612 = vector.broadcast %lt3A_611 : i32 to vector<16xi32>
        %lt3A_613 = arith.cmpi slt, %xor3A_610, %lt3A_612 : vector<16xi32>
        %add3A_614 = arith.constant 16 : i32
        %add3A_615 = vector.broadcast %add3A_614 : i32 to vector<16xi32>
        %add3A_616 = arith.addi %xor3A_610, %add3A_615 : vector<16xi32>
        %select_n3A_617 = arith.select %lt3A_613, %add3A_616, %xor3A_610 : vector<16xi1>, vector<16xi32>
        %broadcast_in_dim3A_618 = vector.shape_cast %select_n3A_617 : vector<16xi32> to vector<16x1xi32>
        %gather3A_619 = vector.shape_cast %broadcast_in_dim3A_618 : vector<16x1xi32> to vector<16xi32>
        %gather3A_620 = tpu.dynamic_gather %add3A_607[%gather3A_619] in [0] : vector<16xf32>, vector<16xi32> -> vector<16xf32>
        %add3A_621 = arith.addf %add3A_607, %gather3A_620 : vector<16xf32>
        %xor3A_622 = arith.constant 2 : i32
        %xor3A_623 = vector.broadcast %xor3A_622 : i32 to vector<16xi32>
        %xor3A_624 = arith.xori %iota3A, %xor3A_623 : vector<16xi32>
        %lt3A_625 = arith.constant 0 : i32
        %lt3A_626 = vector.broadcast %lt3A_625 : i32 to vector<16xi32>
        %lt3A_627 = arith.cmpi slt, %xor3A_624, %lt3A_626 : vector<16xi32>
        %add3A_628 = arith.constant 16 : i32
        %add3A_629 = vector.broadcast %add3A_628 : i32 to vector<16xi32>
        %add3A_630 = arith.addi %xor3A_624, %add3A_629 : vector<16xi32>
        %select_n3A_631 = arith.select %lt3A_627, %add3A_630, %xor3A_624 : vector<16xi1>, vector<16xi32>
        %broadcast_in_dim3A_632 = vector.shape_cast %select_n3A_631 : vector<16xi32> to vector<16x1xi32>
        %gather3A_633 = vector.shape_cast %broadcast_in_dim3A_632 : vector<16x1xi32> to vector<16xi32>
        %gather3A_634 = tpu.dynamic_gather %add3A_621[%gather3A_633] in [0] : vector<16xf32>, vector<16xi32> -> vector<16xf32>
        %add3A_635 = arith.addf %add3A_621, %gather3A_634 : vector<16xf32>
        %xor3A_636 = arith.constant 1 : i32
        %xor3A_637 = vector.broadcast %xor3A_636 : i32 to vector<16xi32>
        %xor3A_638 = arith.xori %iota3A, %xor3A_637 : vector<16xi32>
        %lt3A_639 = arith.constant 0 : i32
        %lt3A_640 = vector.broadcast %lt3A_639 : i32 to vector<16xi32>
        %lt3A_641 = arith.cmpi slt, %xor3A_638, %lt3A_640 : vector<16xi32>
        %add3A_642 = arith.constant 16 : i32
        %add3A_643 = vector.broadcast %add3A_642 : i32 to vector<16xi32>
        %add3A_644 = arith.addi %xor3A_638, %add3A_643 : vector<16xi32>
        %select_n3A_645 = arith.select %lt3A_641, %add3A_644, %xor3A_638 : vector<16xi1>, vector<16xi32>
        %broadcast_in_dim3A_646 = vector.shape_cast %select_n3A_645 : vector<16xi32> to vector<16x1xi32>
        %gather3A_647 = vector.shape_cast %broadcast_in_dim3A_646 : vector<16x1xi32> to vector<16xi32>
        %gather3A_648 = tpu.dynamic_gather %add3A_635[%gather3A_647] in [0] : vector<16xf32>, vector<16xi32> -> vector<16xf32>
        %add3A_649 = arith.addf %add3A_635, %gather3A_648 : vector<16xf32>
        %select_n3A_650 = arith.select %eq3A_593, %add3A_649, %select_n3A_583 : vector<16xi1>, vector<16xf32>
        %mul3A_651 = arith.constant 16 : i32
        %mul3A_652 = arith.muli %scan3A_51, %mul3A_651 : i32
        %add3A_653 = arith.constant 9 : i32
        %add3A_654 = arith.addi %mul3A_652, %add3A_653 : i32
        %get3A_655 = arith.index_cast %add3A_654 : i32 to index
        %get3A_656 = arith.constant 0 : index
        %get3A_657 = tpu.vector_load %arg12[%get3A_655, %get3A_656] {strides = array<i32>} : memref<128x16xf32, #tpu.memory_space<vmem>>, vector<16xf32>,
        %eq3A_658 = arith.constant 9 : i32
        %eq3A_659 = vector.broadcast %eq3A_658 : i32 to vector<16xi32>
        %eq3A_660 = arith.cmpi eq, %iota3A, %eq3A_659 : vector<16xi32>
        %xor3A_661 = arith.constant 8 : i32
        %xor3A_662 = vector.broadcast %xor3A_661 : i32 to vector<16xi32>
        %xor3A_663 = arith.xori %iota3A, %xor3A_662 : vector<16xi32>
        %lt3A_664 = arith.constant 0 : i32
        %lt3A_665 = vector.broadcast %lt3A_664 : i32 to vector<16xi32>
        %lt3A_666 = arith.cmpi slt, %xor3A_663, %lt3A_665 : vector<16xi32>
        %add3A_667 = arith.constant 16 : i32
        %add3A_668 = vector.broadcast %add3A_667 : i32 to vector<16xi32>
        %add3A_669 = arith.addi %xor3A_663, %add3A_668 : vector<16xi32>
        %select_n3A_670 = arith.select %lt3A_666, %add3A_669, %xor3A_663 : vector<16xi1>, vector<16xi32>
        %broadcast_in_dim3A_671 = vector.shape_cast %select_n3A_670 : vector<16xi32> to vector<16x1xi32>
        %gather3A_672 = vector.shape_cast %broadcast_in_dim3A_671 : vector<16x1xi32> to vector<16xi32>
        %gather3A_673 = tpu.dynamic_gather %get3A_657[%gather3A_672] in [0] : vector<16xf32>, vector<16xi32> -> vector<16xf32>
        %add3A_674 = arith.addf %get3A_657, %gather3A_673 : vector<16xf32>
        %xor3A_675 = arith.constant 4 : i32
        %xor3A_676 = vector.broadcast %xor3A_675 : i32 to vector<16xi32>
        %xor3A_677 = arith.xori %iota3A, %xor3A_676 : vector<16xi32>
        %lt3A_678 = arith.constant 0 : i32
        %lt3A_679 = vector.broadcast %lt3A_678 : i32 to vector<16xi32>
        %lt3A_680 = arith.cmpi slt, %xor3A_677, %lt3A_679 : vector<16xi32>
        %add3A_681 = arith.constant 16 : i32
        %add3A_682 = vector.broadcast %add3A_681 : i32 to vector<16xi32>
        %add3A_683 = arith.addi %xor3A_677, %add3A_682 : vector<16xi32>
        %select_n3A_684 = arith.select %lt3A_680, %add3A_683, %xor3A_677 : vector<16xi1>, vector<16xi32>
        %broadcast_in_dim3A_685 = vector.shape_cast %select_n3A_684 : vector<16xi32> to vector<16x1xi32>
        %gather3A_686 = vector.shape_cast %broadcast_in_dim3A_685 : vector<16x1xi32> to vector<16xi32>
        %gather3A_687 = tpu.dynamic_gather %add3A_674[%gather3A_686] in [0] : vector<16xf32>, vector<16xi32> -> vector<16xf32>
        %add3A_688 = arith.addf %add3A_674, %gather3A_687 : vector<16xf32>
        %xor3A_689 = arith.constant 2 : i32
        %xor3A_690 = vector.broadcast %xor3A_689 : i32 to vector<16xi32>
        %xor3A_691 = arith.xori %iota3A, %xor3A_690 : vector<16xi32>
        %lt3A_692 = arith.constant 0 : i32
        %lt3A_693 = vector.broadcast %lt3A_692 : i32 to vector<16xi32>
        %lt3A_694 = arith.cmpi slt, %xor3A_691, %lt3A_693 : vector<16xi32>
        %add3A_695 = arith.constant 16 : i32
        %add3A_696 = vector.broadcast %add3A_695 : i32 to vector<16xi32>
        %add3A_697 = arith.addi %xor3A_691, %add3A_696 : vector<16xi32>
        %select_n3A_698 = arith.select %lt3A_694, %add3A_697, %xor3A_691 : vector<16xi1>, vector<16xi32>
        %broadcast_in_dim3A_699 = vector.shape_cast %select_n3A_698 : vector<16xi32> to vector<16x1xi32>
        %gather3A_700 = vector.shape_cast %broadcast_in_dim3A_699 : vector<16x1xi32> to vector<16xi32>
        %gather3A_701 = tpu.dynamic_gather %add3A_688[%gather3A_700] in [0] : vector<16xf32>, vector<16xi32> -> vector<16xf32>
        %add3A_702 = arith.addf %add3A_688, %gather3A_701 : vector<16xf32>
        %xor3A_703 = arith.constant 1 : i32
        %xor3A_704 = vector.broadcast %xor3A_703 : i32 to vector<16xi32>
        %xor3A_705 = arith.xori %iota3A, %xor3A_704 : vector<16xi32>
        %lt3A_706 = arith.constant 0 : i32
        %lt3A_707 = vector.broadcast %lt3A_706 : i32 to vector<16xi32>
        %lt3A_708 = arith.cmpi slt, %xor3A_705, %lt3A_707 : vector<16xi32>
        %add3A_709 = arith.constant 16 : i32
        %add3A_710 = vector.broadcast %add3A_709 : i32 to vector<16xi32>
        %add3A_711 = arith.addi %xor3A_705, %add3A_710 : vector<16xi32>
        %select_n3A_712 = arith.select %lt3A_708, %add3A_711, %xor3A_705 : vector<16xi1>, vector<16xi32>
        %broadcast_in_dim3A_713 = vector.shape_cast %select_n3A_712 : vector<16xi32> to vector<16x1xi32>
        %gather3A_714 = vector.shape_cast %broadcast_in_dim3A_713 : vector<16x1xi32> to vector<16xi32>
        %gather3A_715 = tpu.dynamic_gather %add3A_702[%gather3A_714] in [0] : vector<16xf32>, vector<16xi32> -> vector<16xf32>
        %add3A_716 = arith.addf %add3A_702, %gather3A_715 : vector<16xf32>
        %select_n3A_717 = arith.select %eq3A_660, %add3A_716, %select_n3A_650 : vector<16xi1>, vector<16xf32>
        %mul3A_718 = arith.constant 16 : i32
        %mul3A_719 = arith.muli %scan3A_51, %mul3A_718 : i32
        %add3A_720 = arith.constant 10 : i32
        %add3A_721 = arith.addi %mul3A_719, %add3A_720 : i32
        %get3A_722 = arith.index_cast %add3A_721 : i32 to index
        %get3A_723 = arith.constant 0 : index
        %get3A_724 = tpu.vector_load %arg12[%get3A_722, %get3A_723] {strides = array<i32>} : memref<128x16xf32, #tpu.memory_space<vmem>>, vector<16xf32>,
        %eq3A_725 = arith.constant 10 : i32
        %eq3A_726 = vector.broadcast %eq3A_725 : i32 to vector<16xi32>
        %eq3A_727 = arith.cmpi eq, %iota3A, %eq3A_726 : vector<16xi32>
        %xor3A_728 = arith.constant 8 : i32
        %xor3A_729 = vector.broadcast %xor3A_728 : i32 to vector<16xi32>
        %xor3A_730 = arith.xori %iota3A, %xor3A_729 : vector<16xi32>
        %lt3A_731 = arith.constant 0 : i32
        %lt3A_732 = vector.broadcast %lt3A_731 : i32 to vector<16xi32>
        %lt3A_733 = arith.cmpi slt, %xor3A_730, %lt3A_732 : vector<16xi32>
        %add3A_734 = arith.constant 16 : i32
        %add3A_735 = vector.broadcast %add3A_734 : i32 to vector<16xi32>
        %add3A_736 = arith.addi %xor3A_730, %add3A_735 : vector<16xi32>
        %select_n3A_737 = arith.select %lt3A_733, %add3A_736, %xor3A_730 : vector<16xi1>, vector<16xi32>
        %broadcast_in_dim3A_738 = vector.shape_cast %select_n3A_737 : vector<16xi32> to vector<16x1xi32>
        %gather3A_739 = vector.shape_cast %broadcast_in_dim3A_738 : vector<16x1xi32> to vector<16xi32>
        %gather3A_740 = tpu.dynamic_gather %get3A_724[%gather3A_739] in [0] : vector<16xf32>, vector<16xi32> -> vector<16xf32>
        %add3A_741 = arith.addf %get3A_724, %gather3A_740 : vector<16xf32>
        %xor3A_742 = arith.constant 4 : i32
        %xor3A_743 = vector.broadcast %xor3A_742 : i32 to vector<16xi32>
        %xor3A_744 = arith.xori %iota3A, %xor3A_743 : vector<16xi32>
        %lt3A_745 = arith.constant 0 : i32
        %lt3A_746 = vector.broadcast %lt3A_745 : i32 to vector<16xi32>
        %lt3A_747 = arith.cmpi slt, %xor3A_744, %lt3A_746 : vector<16xi32>
        %add3A_748 = arith.constant 16 : i32
        %add3A_749 = vector.broadcast %add3A_748 : i32 to vector<16xi32>
        %add3A_750 = arith.addi %xor3A_744, %add3A_749 : vector<16xi32>
        %select_n3A_751 = arith.select %lt3A_747, %add3A_750, %xor3A_744 : vector<16xi1>, vector<16xi32>
        %broadcast_in_dim3A_752 = vector.shape_cast %select_n3A_751 : vector<16xi32> to vector<16x1xi32>
        %gather3A_753 = vector.shape_cast %broadcast_in_dim3A_752 : vector<16x1xi32> to vector<16xi32>
        %gather3A_754 = tpu.dynamic_gather %add3A_741[%gather3A_753] in [0] : vector<16xf32>, vector<16xi32> -> vector<16xf32>
        %add3A_755 = arith.addf %add3A_741, %gather3A_754 : vector<16xf32>
        %xor3A_756 = arith.constant 2 : i32
        %xor3A_757 = vector.broadcast %xor3A_756 : i32 to vector<16xi32>
        %xor3A_758 = arith.xori %iota3A, %xor3A_757 : vector<16xi32>
        %lt3A_759 = arith.constant 0 : i32
        %lt3A_760 = vector.broadcast %lt3A_759 : i32 to vector<16xi32>
        %lt3A_761 = arith.cmpi slt, %xor3A_758, %lt3A_760 : vector<16xi32>
        %add3A_762 = arith.constant 16 : i32
        %add3A_763 = vector.broadcast %add3A_762 : i32 to vector<16xi32>
        %add3A_764 = arith.addi %xor3A_758, %add3A_763 : vector<16xi32>
        %select_n3A_765 = arith.select %lt3A_761, %add3A_764, %xor3A_758 : vector<16xi1>, vector<16xi32>
        %broadcast_in_dim3A_766 = vector.shape_cast %select_n3A_765 : vector<16xi32> to vector<16x1xi32>
        %gather3A_767 = vector.shape_cast %broadcast_in_dim3A_766 : vector<16x1xi32> to vector<16xi32>
        %gather3A_768 = tpu.dynamic_gather %add3A_755[%gather3A_767] in [0] : vector<16xf32>, vector<16xi32> -> vector<16xf32>
        %add3A_769 = arith.addf %add3A_755, %gather3A_768 : vector<16xf32>
        %xor3A_770 = arith.constant 1 : i32
        %xor3A_771 = vector.broadcast %xor3A_770 : i32 to vector<16xi32>
        %xor3A_772 = arith.xori %iota3A, %xor3A_771 : vector<16xi32>
        %lt3A_773 = arith.constant 0 : i32
        %lt3A_774 = vector.broadcast %lt3A_773 : i32 to vector<16xi32>
        %lt3A_775 = arith.cmpi slt, %xor3A_772, %lt3A_774 : vector<16xi32>
        %add3A_776 = arith.constant 16 : i32
        %add3A_777 = vector.broadcast %add3A_776 : i32 to vector<16xi32>
        %add3A_778 = arith.addi %xor3A_772, %add3A_777 : vector<16xi32>
        %select_n3A_779 = arith.select %lt3A_775, %add3A_778, %xor3A_772 : vector<16xi1>, vector<16xi32>
        %broadcast_in_dim3A_780 = vector.shape_cast %select_n3A_779 : vector<16xi32> to vector<16x1xi32>
        %gather3A_781 = vector.shape_cast %broadcast_in_dim3A_780 : vector<16x1xi32> to vector<16xi32>
        %gather3A_782 = tpu.dynamic_gather %add3A_769[%gather3A_781] in [0] : vector<16xf32>, vector<16xi32> -> vector<16xf32>
        %add3A_783 = arith.addf %add3A_769, %gather3A_782 : vector<16xf32>
        %select_n3A_784 = arith.select %eq3A_727, %add3A_783, %select_n3A_717 : vector<16xi1>, vector<16xf32>
        %mul3A_785 = arith.constant 16 : i32
        %mul3A_786 = arith.muli %scan3A_51, %mul3A_785 : i32
        %add3A_787 = arith.constant 11 : i32
        %add3A_788 = arith.addi %mul3A_786, %add3A_787 : i32
        %get3A_789 = arith.index_cast %add3A_788 : i32 to index
        %get3A_790 = arith.constant 0 : index
        %get3A_791 = tpu.vector_load %arg12[%get3A_789, %get3A_790] {strides = array<i32>} : memref<128x16xf32, #tpu.memory_space<vmem>>, vector<16xf32>,
        %eq3A_792 = arith.constant 11 : i32
        %eq3A_793 = vector.broadcast %eq3A_792 : i32 to vector<16xi32>
        %eq3A_794 = arith.cmpi eq, %iota3A, %eq3A_793 : vector<16xi32>
        %xor3A_795 = arith.constant 8 : i32
        %xor3A_796 = vector.broadcast %xor3A_795 : i32 to vector<16xi32>
        %xor3A_797 = arith.xori %iota3A, %xor3A_796 : vector<16xi32>
        %lt3A_798 = arith.constant 0 : i32
        %lt3A_799 = vector.broadcast %lt3A_798 : i32 to vector<16xi32>
        %lt3A_800 = arith.cmpi slt, %xor3A_797, %lt3A_799 : vector<16xi32>
        %add3A_801 = arith.constant 16 : i32
        %add3A_802 = vector.broadcast %add3A_801 : i32 to vector<16xi32>
        %add3A_803 = arith.addi %xor3A_797, %add3A_802 : vector<16xi32>
        %select_n3A_804 = arith.select %lt3A_800, %add3A_803, %xor3A_797 : vector<16xi1>, vector<16xi32>
        %broadcast_in_dim3A_805 = vector.shape_cast %select_n3A_804 : vector<16xi32> to vector<16x1xi32>
        %gather3A_806 = vector.shape_cast %broadcast_in_dim3A_805 : vector<16x1xi32> to vector<16xi32>
        %gather3A_807 = tpu.dynamic_gather %get3A_791[%gather3A_806] in [0] : vector<16xf32>, vector<16xi32> -> vector<16xf32>
        %add3A_808 = arith.addf %get3A_791, %gather3A_807 : vector<16xf32>
        %xor3A_809 = arith.constant 4 : i32
        %xor3A_810 = vector.broadcast %xor3A_809 : i32 to vector<16xi32>
        %xor3A_811 = arith.xori %iota3A, %xor3A_810 : vector<16xi32>
        %lt3A_812 = arith.constant 0 : i32
        %lt3A_813 = vector.broadcast %lt3A_812 : i32 to vector<16xi32>
        %lt3A_814 = arith.cmpi slt, %xor3A_811, %lt3A_813 : vector<16xi32>
        %add3A_815 = arith.constant 16 : i32
        %add3A_816 = vector.broadcast %add3A_815 : i32 to vector<16xi32>
        %add3A_817 = arith.addi %xor3A_811, %add3A_816 : vector<16xi32>
        %select_n3A_818 = arith.select %lt3A_814, %add3A_817, %xor3A_811 : vector<16xi1>, vector<16xi32>
        %broadcast_in_dim3A_819 = vector.shape_cast %select_n3A_818 : vector<16xi32> to vector<16x1xi32>
        %gather3A_820 = vector.shape_cast %broadcast_in_dim3A_819 : vector<16x1xi32> to vector<16xi32>
        %gather3A_821 = tpu.dynamic_gather %add3A_808[%gather3A_820] in [0] : vector<16xf32>, vector<16xi32> -> vector<16xf32>
        %add3A_822 = arith.addf %add3A_808, %gather3A_821 : vector<16xf32>
        %xor3A_823 = arith.constant 2 : i32
        %xor3A_824 = vector.broadcast %xor3A_823 : i32 to vector<16xi32>
        %xor3A_825 = arith.xori %iota3A, %xor3A_824 : vector<16xi32>
        %lt3A_826 = arith.constant 0 : i32
        %lt3A_827 = vector.broadcast %lt3A_826 : i32 to vector<16xi32>
        %lt3A_828 = arith.cmpi slt, %xor3A_825, %lt3A_827 : vector<16xi32>
        %add3A_829 = arith.constant 16 : i32
        %add3A_830 = vector.broadcast %add3A_829 : i32 to vector<16xi32>
        %add3A_831 = arith.addi %xor3A_825, %add3A_830 : vector<16xi32>
        %select_n3A_832 = arith.select %lt3A_828, %add3A_831, %xor3A_825 : vector<16xi1>, vector<16xi32>
        %broadcast_in_dim3A_833 = vector.shape_cast %select_n3A_832 : vector<16xi32> to vector<16x1xi32>
        %gather3A_834 = vector.shape_cast %broadcast_in_dim3A_833 : vector<16x1xi32> to vector<16xi32>
        %gather3A_835 = tpu.dynamic_gather %add3A_822[%gather3A_834] in [0] : vector<16xf32>, vector<16xi32> -> vector<16xf32>
        %add3A_836 = arith.addf %add3A_822, %gather3A_835 : vector<16xf32>
        %xor3A_837 = arith.constant 1 : i32
        %xor3A_838 = vector.broadcast %xor3A_837 : i32 to vector<16xi32>
        %xor3A_839 = arith.xori %iota3A, %xor3A_838 : vector<16xi32>
        %lt3A_840 = arith.constant 0 : i32
        %lt3A_841 = vector.broadcast %lt3A_840 : i32 to vector<16xi32>
        %lt3A_842 = arith.cmpi slt, %xor3A_839, %lt3A_841 : vector<16xi32>
        %add3A_843 = arith.constant 16 : i32
        %add3A_844 = vector.broadcast %add3A_843 : i32 to vector<16xi32>
        %add3A_845 = arith.addi %xor3A_839, %add3A_844 : vector<16xi32>
        %select_n3A_846 = arith.select %lt3A_842, %add3A_845, %xor3A_839 : vector<16xi1>, vector<16xi32>
        %broadcast_in_dim3A_847 = vector.shape_cast %select_n3A_846 : vector<16xi32> to vector<16x1xi32>
        %gather3A_848 = vector.shape_cast %broadcast_in_dim3A_847 : vector<16x1xi32> to vector<16xi32>
        %gather3A_849 = tpu.dynamic_gather %add3A_836[%gather3A_848] in [0] : vector<16xf32>, vector<16xi32> -> vector<16xf32>
        %add3A_850 = arith.addf %add3A_836, %gather3A_849 : vector<16xf32>
        %select_n3A_851 = arith.select %eq3A_794, %add3A_850, %select_n3A_784 : vector<16xi1>, vector<16xf32>
        %mul3A_852 = arith.constant 16 : i32
        %mul3A_853 = arith.muli %scan3A_51, %mul3A_852 : i32
        %add3A_854 = arith.constant 12 : i32
        %add3A_855 = arith.addi %mul3A_853, %add3A_854 : i32
        %get3A_856 = arith.index_cast %add3A_855 : i32 to index
        %get3A_857 = arith.constant 0 : index
        %get3A_858 = tpu.vector_load %arg12[%get3A_856, %get3A_857] {strides = array<i32>} : memref<128x16xf32, #tpu.memory_space<vmem>>, vector<16xf32>,
        %eq3A_859 = arith.constant 12 : i32
        %eq3A_860 = vector.broadcast %eq3A_859 : i32 to vector<16xi32>
        %eq3A_861 = arith.cmpi eq, %iota3A, %eq3A_860 : vector<16xi32>
        %xor3A_862 = arith.constant 8 : i32
        %xor3A_863 = vector.broadcast %xor3A_862 : i32 to vector<16xi32>
        %xor3A_864 = arith.xori %iota3A, %xor3A_863 : vector<16xi32>
        %lt3A_865 = arith.constant 0 : i32
        %lt3A_866 = vector.broadcast %lt3A_865 : i32 to vector<16xi32>
        %lt3A_867 = arith.cmpi slt, %xor3A_864, %lt3A_866 : vector<16xi32>
        %add3A_868 = arith.constant 16 : i32
        %add3A_869 = vector.broadcast %add3A_868 : i32 to vector<16xi32>
        %add3A_870 = arith.addi %xor3A_864, %add3A_869 : vector<16xi32>
        %select_n3A_871 = arith.select %lt3A_867, %add3A_870, %xor3A_864 : vector<16xi1>, vector<16xi32>
        %broadcast_in_dim3A_872 = vector.shape_cast %select_n3A_871 : vector<16xi32> to vector<16x1xi32>
        %gather3A_873 = vector.shape_cast %broadcast_in_dim3A_872 : vector<16x1xi32> to vector<16xi32>
        %gather3A_874 = tpu.dynamic_gather %get3A_858[%gather3A_873] in [0] : vector<16xf32>, vector<16xi32> -> vector<16xf32>
        %add3A_875 = arith.addf %get3A_858, %gather3A_874 : vector<16xf32>
        %xor3A_876 = arith.constant 4 : i32
        %xor3A_877 = vector.broadcast %xor3A_876 : i32 to vector<16xi32>
        %xor3A_878 = arith.xori %iota3A, %xor3A_877 : vector<16xi32>
        %lt3A_879 = arith.constant 0 : i32
        %lt3A_880 = vector.broadcast %lt3A_879 : i32 to vector<16xi32>
        %lt3A_881 = arith.cmpi slt, %xor3A_878, %lt3A_880 : vector<16xi32>
        %add3A_882 = arith.constant 16 : i32
        %add3A_883 = vector.broadcast %add3A_882 : i32 to vector<16xi32>
        %add3A_884 = arith.addi %xor3A_878, %add3A_883 : vector<16xi32>
        %select_n3A_885 = arith.select %lt3A_881, %add3A_884, %xor3A_878 : vector<16xi1>, vector<16xi32>
        %broadcast_in_dim3A_886 = vector.shape_cast %select_n3A_885 : vector<16xi32> to vector<16x1xi32>
        %gather3A_887 = vector.shape_cast %broadcast_in_dim3A_886 : vector<16x1xi32> to vector<16xi32>
        %gather3A_888 = tpu.dynamic_gather %add3A_875[%gather3A_887] in [0] : vector<16xf32>, vector<16xi32> -> vector<16xf32>
        %add3A_889 = arith.addf %add3A_875, %gather3A_888 : vector<16xf32>
        %xor3A_890 = arith.constant 2 : i32
        %xor3A_891 = vector.broadcast %xor3A_890 : i32 to vector<16xi32>
        %xor3A_892 = arith.xori %iota3A, %xor3A_891 : vector<16xi32>
        %lt3A_893 = arith.constant 0 : i32
        %lt3A_894 = vector.broadcast %lt3A_893 : i32 to vector<16xi32>
        %lt3A_895 = arith.cmpi slt, %xor3A_892, %lt3A_894 : vector<16xi32>
        %add3A_896 = arith.constant 16 : i32
        %add3A_897 = vector.broadcast %add3A_896 : i32 to vector<16xi32>
        %add3A_898 = arith.addi %xor3A_892, %add3A_897 : vector<16xi32>
        %select_n3A_899 = arith.select %lt3A_895, %add3A_898, %xor3A_892 : vector<16xi1>, vector<16xi32>
        %broadcast_in_dim3A_900 = vector.shape_cast %select_n3A_899 : vector<16xi32> to vector<16x1xi32>
        %gather3A_901 = vector.shape_cast %broadcast_in_dim3A_900 : vector<16x1xi32> to vector<16xi32>
        %gather3A_902 = tpu.dynamic_gather %add3A_889[%gather3A_901] in [0] : vector<16xf32>, vector<16xi32> -> vector<16xf32>
        %add3A_903 = arith.addf %add3A_889, %gather3A_902 : vector<16xf32>
        %xor3A_904 = arith.constant 1 : i32
        %xor3A_905 = vector.broadcast %xor3A_904 : i32 to vector<16xi32>
        %xor3A_906 = arith.xori %iota3A, %xor3A_905 : vector<16xi32>
        %lt3A_907 = arith.constant 0 : i32
        %lt3A_908 = vector.broadcast %lt3A_907 : i32 to vector<16xi32>
        %lt3A_909 = arith.cmpi slt, %xor3A_906, %lt3A_908 : vector<16xi32>
        %add3A_910 = arith.constant 16 : i32
        %add3A_911 = vector.broadcast %add3A_910 : i32 to vector<16xi32>
        %add3A_912 = arith.addi %xor3A_906, %add3A_911 : vector<16xi32>
        %select_n3A_913 = arith.select %lt3A_909, %add3A_912, %xor3A_906 : vector<16xi1>, vector<16xi32>
        %broadcast_in_dim3A_914 = vector.shape_cast %select_n3A_913 : vector<16xi32> to vector<16x1xi32>
        %gather3A_915 = vector.shape_cast %broadcast_in_dim3A_914 : vector<16x1xi32> to vector<16xi32>
        %gather3A_916 = tpu.dynamic_gather %add3A_903[%gather3A_915] in [0] : vector<16xf32>, vector<16xi32> -> vector<16xf32>
        %add3A_917 = arith.addf %add3A_903, %gather3A_916 : vector<16xf32>
        %select_n3A_918 = arith.select %eq3A_861, %add3A_917, %select_n3A_851 : vector<16xi1>, vector<16xf32>
        %mul3A_919 = arith.constant 16 : i32
        %mul3A_920 = arith.muli %scan3A_51, %mul3A_919 : i32
        %add3A_921 = arith.constant 13 : i32
        %add3A_922 = arith.addi %mul3A_920, %add3A_921 : i32
        %get3A_923 = arith.index_cast %add3A_922 : i32 to index
        %get3A_924 = arith.constant 0 : index
        %get3A_925 = tpu.vector_load %arg12[%get3A_923, %get3A_924] {strides = array<i32>} : memref<128x16xf32, #tpu.memory_space<vmem>>, vector<16xf32>,
        %eq3A_926 = arith.constant 13 : i32
        %eq3A_927 = vector.broadcast %eq3A_926 : i32 to vector<16xi32>
        %eq3A_928 = arith.cmpi eq, %iota3A, %eq3A_927 : vector<16xi32>
        %xor3A_929 = arith.constant 8 : i32
        %xor3A_930 = vector.broadcast %xor3A_929 : i32 to vector<16xi32>
        %xor3A_931 = arith.xori %iota3A, %xor3A_930 : vector<16xi32>
        %lt3A_932 = arith.constant 0 : i32
        %lt3A_933 = vector.broadcast %lt3A_932 : i32 to vector<16xi32>
        %lt3A_934 = arith.cmpi slt, %xor3A_931, %lt3A_933 : vector<16xi32>
        %add3A_935 = arith.constant 16 : i32
        %add3A_936 = vector.broadcast %add3A_935 : i32 to vector<16xi32>
        %add3A_937 = arith.addi %xor3A_931, %add3A_936 : vector<16xi32>
        %select_n3A_938 = arith.select %lt3A_934, %add3A_937, %xor3A_931 : vector<16xi1>, vector<16xi32>
        %broadcast_in_dim3A_939 = vector.shape_cast %select_n3A_938 : vector<16xi32> to vector<16x1xi32>
        %gather3A_940 = vector.shape_cast %broadcast_in_dim3A_939 : vector<16x1xi32> to vector<16xi32>
        %gather3A_941 = tpu.dynamic_gather %get3A_925[%gather3A_940] in [0] : vector<16xf32>, vector<16xi32> -> vector<16xf32>
        %add3A_942 = arith.addf %get3A_925, %gather3A_941 : vector<16xf32>
        %xor3A_943 = arith.constant 4 : i32
        %xor3A_944 = vector.broadcast %xor3A_943 : i32 to vector<16xi32>
        %xor3A_945 = arith.xori %iota3A, %xor3A_944 : vector<16xi32>
        %lt3A_946 = arith.constant 0 : i32
        %lt3A_947 = vector.broadcast %lt3A_946 : i32 to vector<16xi32>
        %lt3A_948 = arith.cmpi slt, %xor3A_945, %lt3A_947 : vector<16xi32>
        %add3A_949 = arith.constant 16 : i32
        %add3A_950 = vector.broadcast %add3A_949 : i32 to vector<16xi32>
        %add3A_951 = arith.addi %xor3A_945, %add3A_950 : vector<16xi32>
        %select_n3A_952 = arith.select %lt3A_948, %add3A_951, %xor3A_945 : vector<16xi1>, vector<16xi32>
        %broadcast_in_dim3A_953 = vector.shape_cast %select_n3A_952 : vector<16xi32> to vector<16x1xi32>
        %gather3A_954 = vector.shape_cast %broadcast_in_dim3A_953 : vector<16x1xi32> to vector<16xi32>
        %gather3A_955 = tpu.dynamic_gather %add3A_942[%gather3A_954] in [0] : vector<16xf32>, vector<16xi32> -> vector<16xf32>
        %add3A_956 = arith.addf %add3A_942, %gather3A_955 : vector<16xf32>
        %xor3A_957 = arith.constant 2 : i32
        %xor3A_958 = vector.broadcast %xor3A_957 : i32 to vector<16xi32>
        %xor3A_959 = arith.xori %iota3A, %xor3A_958 : vector<16xi32>
        %lt3A_960 = arith.constant 0 : i32
        %lt3A_961 = vector.broadcast %lt3A_960 : i32 to vector<16xi32>
        %lt3A_962 = arith.cmpi slt, %xor3A_959, %lt3A_961 : vector<16xi32>
        %add3A_963 = arith.constant 16 : i32
        %add3A_964 = vector.broadcast %add3A_963 : i32 to vector<16xi32>
        %add3A_965 = arith.addi %xor3A_959, %add3A_964 : vector<16xi32>
        %select_n3A_966 = arith.select %lt3A_962, %add3A_965, %xor3A_959 : vector<16xi1>, vector<16xi32>
        %broadcast_in_dim3A_967 = vector.shape_cast %select_n3A_966 : vector<16xi32> to vector<16x1xi32>
        %gather3A_968 = vector.shape_cast %broadcast_in_dim3A_967 : vector<16x1xi32> to vector<16xi32>
        %gather3A_969 = tpu.dynamic_gather %add3A_956[%gather3A_968] in [0] : vector<16xf32>, vector<16xi32> -> vector<16xf32>
        %add3A_970 = arith.addf %add3A_956, %gather3A_969 : vector<16xf32>
        %xor3A_971 = arith.constant 1 : i32
        %xor3A_972 = vector.broadcast %xor3A_971 : i32 to vector<16xi32>
        %xor3A_973 = arith.xori %iota3A, %xor3A_972 : vector<16xi32>
        %lt3A_974 = arith.constant 0 : i32
        %lt3A_975 = vector.broadcast %lt3A_974 : i32 to vector<16xi32>
        %lt3A_976 = arith.cmpi slt, %xor3A_973, %lt3A_975 : vector<16xi32>
        %add3A_977 = arith.constant 16 : i32
        %add3A_978 = vector.broadcast %add3A_977 : i32 to vector<16xi32>
        %add3A_979 = arith.addi %xor3A_973, %add3A_978 : vector<16xi32>
        %select_n3A_980 = arith.select %lt3A_976, %add3A_979, %xor3A_973 : vector<16xi1>, vector<16xi32>
        %broadcast_in_dim3A_981 = vector.shape_cast %select_n3A_980 : vector<16xi32> to vector<16x1xi32>
        %gather3A_982 = vector.shape_cast %broadcast_in_dim3A_981 : vector<16x1xi32> to vector<16xi32>
        %gather3A_983 = tpu.dynamic_gather %add3A_970[%gather3A_982] in [0] : vector<16xf32>, vector<16xi32> -> vector<16xf32>
        %add3A_984 = arith.addf %add3A_970, %gather3A_983 : vector<16xf32>
        %select_n3A_985 = arith.select %eq3A_928, %add3A_984, %select_n3A_918 : vector<16xi1>, vector<16xf32>
        %mul3A_986 = arith.constant 16 : i32
        %mul3A_987 = arith.muli %scan3A_51, %mul3A_986 : i32
        %add3A_988 = arith.constant 14 : i32
        %add3A_989 = arith.addi %mul3A_987, %add3A_988 : i32
        %get3A_990 = arith.index_cast %add3A_989 : i32 to index
        %get3A_991 = arith.constant 0 : index
        %get3A_992 = tpu.vector_load %arg12[%get3A_990, %get3A_991] {strides = array<i32>} : memref<128x16xf32, #tpu.memory_space<vmem>>, vector<16xf32>,
        %eq3A_993 = arith.constant 14 : i32
        %eq3A_994 = vector.broadcast %eq3A_993 : i32 to vector<16xi32>
        %eq3A_995 = arith.cmpi eq, %iota3A, %eq3A_994 : vector<16xi32>
        %xor3A_996 = arith.constant 8 : i32
        %xor3A_997 = vector.broadcast %xor3A_996 : i32 to vector<16xi32>
        %xor3A_998 = arith.xori %iota3A, %xor3A_997 : vector<16xi32>
        %lt3A_999 = arith.constant 0 : i32
        %lt3A_1000 = vector.broadcast %lt3A_999 : i32 to vector<16xi32>
        %lt3A_1001 = arith.cmpi slt, %xor3A_998, %lt3A_1000 : vector<16xi32>
        %add3A_1002 = arith.constant 16 : i32
        %add3A_1003 = vector.broadcast %add3A_1002 : i32 to vector<16xi32>
        %add3A_1004 = arith.addi %xor3A_998, %add3A_1003 : vector<16xi32>
        %select_n3A_1005 = arith.select %lt3A_1001, %add3A_1004, %xor3A_998 : vector<16xi1>, vector<16xi32>
        %broadcast_in_dim3A_1006 = vector.shape_cast %select_n3A_1005 : vector<16xi32> to vector<16x1xi32>
        %gather3A_1007 = vector.shape_cast %broadcast_in_dim3A_1006 : vector<16x1xi32> to vector<16xi32>
        %gather3A_1008 = tpu.dynamic_gather %get3A_992[%gather3A_1007] in [0] : vector<16xf32>, vector<16xi32> -> vector<16xf32>
        %add3A_1009 = arith.addf %get3A_992, %gather3A_1008 : vector<16xf32>
        %xor3A_1010 = arith.constant 4 : i32
        %xor3A_1011 = vector.broadcast %xor3A_1010 : i32 to vector<16xi32>
        %xor3A_1012 = arith.xori %iota3A, %xor3A_1011 : vector<16xi32>
        %lt3A_1013 = arith.constant 0 : i32
        %lt3A_1014 = vector.broadcast %lt3A_1013 : i32 to vector<16xi32>
        %lt3A_1015 = arith.cmpi slt, %xor3A_1012, %lt3A_1014 : vector<16xi32>
        %add3A_1016 = arith.constant 16 : i32
        %add3A_1017 = vector.broadcast %add3A_1016 : i32 to vector<16xi32>
        %add3A_1018 = arith.addi %xor3A_1012, %add3A_1017 : vector<16xi32>
        %select_n3A_1019 = arith.select %lt3A_1015, %add3A_1018, %xor3A_1012 : vector<16xi1>, vector<16xi32>
        %broadcast_in_dim3A_1020 = vector.shape_cast %select_n3A_1019 : vector<16xi32> to vector<16x1xi32>
        %gather3A_1021 = vector.shape_cast %broadcast_in_dim3A_1020 : vector<16x1xi32> to vector<16xi32>
        %gather3A_1022 = tpu.dynamic_gather %add3A_1009[%gather3A_1021] in [0] : vector<16xf32>, vector<16xi32> -> vector<16xf32>
        %add3A_1023 = arith.addf %add3A_1009, %gather3A_1022 : vector<16xf32>
        %xor3A_1024 = arith.constant 2 : i32
        %xor3A_1025 = vector.broadcast %xor3A_1024 : i32 to vector<16xi32>
        %xor3A_1026 = arith.xori %iota3A, %xor3A_1025 : vector<16xi32>
        %lt3A_1027 = arith.constant 0 : i32
        %lt3A_1028 = vector.broadcast %lt3A_1027 : i32 to vector<16xi32>
        %lt3A_1029 = arith.cmpi slt, %xor3A_1026, %lt3A_1028 : vector<16xi32>
        %add3A_1030 = arith.constant 16 : i32
        %add3A_1031 = vector.broadcast %add3A_1030 : i32 to vector<16xi32>
        %add3A_1032 = arith.addi %xor3A_1026, %add3A_1031 : vector<16xi32>
        %select_n3A_1033 = arith.select %lt3A_1029, %add3A_1032, %xor3A_1026 : vector<16xi1>, vector<16xi32>
        %broadcast_in_dim3A_1034 = vector.shape_cast %select_n3A_1033 : vector<16xi32> to vector<16x1xi32>
        %gather3A_1035 = vector.shape_cast %broadcast_in_dim3A_1034 : vector<16x1xi32> to vector<16xi32>
        %gather3A_1036 = tpu.dynamic_gather %add3A_1023[%gather3A_1035] in [0] : vector<16xf32>, vector<16xi32> -> vector<16xf32>
        %add3A_1037 = arith.addf %add3A_1023, %gather3A_1036 : vector<16xf32>
        %xor3A_1038 = arith.constant 1 : i32
        %xor3A_1039 = vector.broadcast %xor3A_1038 : i32 to vector<16xi32>
        %xor3A_1040 = arith.xori %iota3A, %xor3A_1039 : vector<16xi32>
        %lt3A_1041 = arith.constant 0 : i32
        %lt3A_1042 = vector.broadcast %lt3A_1041 : i32 to vector<16xi32>
        %lt3A_1043 = arith.cmpi slt, %xor3A_1040, %lt3A_1042 : vector<16xi32>
        %add3A_1044 = arith.constant 16 : i32
        %add3A_1045 = vector.broadcast %add3A_1044 : i32 to vector<16xi32>
        %add3A_1046 = arith.addi %xor3A_1040, %add3A_1045 : vector<16xi32>
        %select_n3A_1047 = arith.select %lt3A_1043, %add3A_1046, %xor3A_1040 : vector<16xi1>, vector<16xi32>
        %broadcast_in_dim3A_1048 = vector.shape_cast %select_n3A_1047 : vector<16xi32> to vector<16x1xi32>
        %gather3A_1049 = vector.shape_cast %broadcast_in_dim3A_1048 : vector<16x1xi32> to vector<16xi32>
        %gather3A_1050 = tpu.dynamic_gather %add3A_1037[%gather3A_1049] in [0] : vector<16xf32>, vector<16xi32> -> vector<16xf32>
        %add3A_1051 = arith.addf %add3A_1037, %gather3A_1050 : vector<16xf32>
        %select_n3A_1052 = arith.select %eq3A_995, %add3A_1051, %select_n3A_985 : vector<16xi1>, vector<16xf32>
        %mul3A_1053 = arith.constant 16 : i32
        %mul3A_1054 = arith.muli %scan3A_51, %mul3A_1053 : i32
        %add3A_1055 = arith.constant 15 : i32
        %add3A_1056 = arith.addi %mul3A_1054, %add3A_1055 : i32
        %get3A_1057 = arith.index_cast %add3A_1056 : i32 to index
        %get3A_1058 = arith.constant 0 : index
        %get3A_1059 = tpu.vector_load %arg12[%get3A_1057, %get3A_1058] {strides = array<i32>} : memref<128x16xf32, #tpu.memory_space<vmem>>, vector<16xf32>,
        %eq3A_1060 = arith.constant 15 : i32
        %eq3A_1061 = vector.broadcast %eq3A_1060 : i32 to vector<16xi32>
        %eq3A_1062 = arith.cmpi eq, %iota3A, %eq3A_1061 : vector<16xi32>
        %xor3A_1063 = arith.constant 8 : i32
        %xor3A_1064 = vector.broadcast %xor3A_1063 : i32 to vector<16xi32>
        %xor3A_1065 = arith.xori %iota3A, %xor3A_1064 : vector<16xi32>
        %lt3A_1066 = arith.constant 0 : i32
        %lt3A_1067 = vector.broadcast %lt3A_1066 : i32 to vector<16xi32>
        %lt3A_1068 = arith.cmpi slt, %xor3A_1065, %lt3A_1067 : vector<16xi32>
        %add3A_1069 = arith.constant 16 : i32
        %add3A_1070 = vector.broadcast %add3A_1069 : i32 to vector<16xi32>
        %add3A_1071 = arith.addi %xor3A_1065, %add3A_1070 : vector<16xi32>
        %select_n3A_1072 = arith.select %lt3A_1068, %add3A_1071, %xor3A_1065 : vector<16xi1>, vector<16xi32>
        %broadcast_in_dim3A_1073 = vector.shape_cast %select_n3A_1072 : vector<16xi32> to vector<16x1xi32>
        %gather3A_1074 = vector.shape_cast %broadcast_in_dim3A_1073 : vector<16x1xi32> to vector<16xi32>
        %gather3A_1075 = tpu.dynamic_gather %get3A_1059[%gather3A_1074] in [0] : vector<16xf32>, vector<16xi32> -> vector<16xf32>
        %add3A_1076 = arith.addf %get3A_1059, %gather3A_1075 : vector<16xf32>
        %xor3A_1077 = arith.constant 4 : i32
        %xor3A_1078 = vector.broadcast %xor3A_1077 : i32 to vector<16xi32>
        %xor3A_1079 = arith.xori %iota3A, %xor3A_1078 : vector<16xi32>
        %lt3A_1080 = arith.constant 0 : i32
        %lt3A_1081 = vector.broadcast %lt3A_1080 : i32 to vector<16xi32>
        %lt3A_1082 = arith.cmpi slt, %xor3A_1079, %lt3A_1081 : vector<16xi32>
        %add3A_1083 = arith.constant 16 : i32
        %add3A_1084 = vector.broadcast %add3A_1083 : i32 to vector<16xi32>
        %add3A_1085 = arith.addi %xor3A_1079, %add3A_1084 : vector<16xi32>
        %select_n3A_1086 = arith.select %lt3A_1082, %add3A_1085, %xor3A_1079 : vector<16xi1>, vector<16xi32>
        %broadcast_in_dim3A_1087 = vector.shape_cast %select_n3A_1086 : vector<16xi32> to vector<16x1xi32>
        %gather3A_1088 = vector.shape_cast %broadcast_in_dim3A_1087 : vector<16x1xi32> to vector<16xi32>
        %gather3A_1089 = tpu.dynamic_gather %add3A_1076[%gather3A_1088] in [0] : vector<16xf32>, vector<16xi32> -> vector<16xf32>
        %add3A_1090 = arith.addf %add3A_1076, %gather3A_1089 : vector<16xf32>
        %xor3A_1091 = arith.constant 2 : i32
        %xor3A_1092 = vector.broadcast %xor3A_1091 : i32 to vector<16xi32>
        %xor3A_1093 = arith.xori %iota3A, %xor3A_1092 : vector<16xi32>
        %lt3A_1094 = arith.constant 0 : i32
        %lt3A_1095 = vector.broadcast %lt3A_1094 : i32 to vector<16xi32>
        %lt3A_1096 = arith.cmpi slt, %xor3A_1093, %lt3A_1095 : vector<16xi32>
        %add3A_1097 = arith.constant 16 : i32
        %add3A_1098 = vector.broadcast %add3A_1097 : i32 to vector<16xi32>
        %add3A_1099 = arith.addi %xor3A_1093, %add3A_1098 : vector<16xi32>
        %select_n3A_1100 = arith.select %lt3A_1096, %add3A_1099, %xor3A_1093 : vector<16xi1>, vector<16xi32>
        %broadcast_in_dim3A_1101 = vector.shape_cast %select_n3A_1100 : vector<16xi32> to vector<16x1xi32>
        %gather3A_1102 = vector.shape_cast %broadcast_in_dim3A_1101 : vector<16x1xi32> to vector<16xi32>
        %gather3A_1103 = tpu.dynamic_gather %add3A_1090[%gather3A_1102] in [0] : vector<16xf32>, vector<16xi32> -> vector<16xf32>
        %add3A_1104 = arith.addf %add3A_1090, %gather3A_1103 : vector<16xf32>
        %xor3A_1105 = arith.constant 1 : i32
        %xor3A_1106 = vector.broadcast %xor3A_1105 : i32 to vector<16xi32>
        %xor3A_1107 = arith.xori %iota3A, %xor3A_1106 : vector<16xi32>
        %lt3A_1108 = arith.constant 0 : i32
        %lt3A_1109 = vector.broadcast %lt3A_1108 : i32 to vector<16xi32>
        %lt3A_1110 = arith.cmpi slt, %xor3A_1107, %lt3A_1109 : vector<16xi32>
        %add3A_1111 = arith.constant 16 : i32
        %add3A_1112 = vector.broadcast %add3A_1111 : i32 to vector<16xi32>
        %add3A_1113 = arith.addi %xor3A_1107, %add3A_1112 : vector<16xi32>
        %select_n3A_1114 = arith.select %lt3A_1110, %add3A_1113, %xor3A_1107 : vector<16xi1>, vector<16xi32>
        %broadcast_in_dim3A_1115 = vector.shape_cast %select_n3A_1114 : vector<16xi32> to vector<16x1xi32>
        %gather3A_1116 = vector.shape_cast %broadcast_in_dim3A_1115 : vector<16x1xi32> to vector<16xi32>
        %gather3A_1117 = tpu.dynamic_gather %add3A_1104[%gather3A_1116] in [0] : vector<16xf32>, vector<16xi32> -> vector<16xf32>
        %add3A_1118 = arith.addf %add3A_1104, %gather3A_1117 : vector<16xf32>
        %select_n3A_1119 = arith.select %eq3A_1062, %add3A_1118, %select_n3A_1052 : vector<16xi1>, vector<16xf32>
        %get3A_1120 = arith.constant 0 : index
        %get3A_1121 = tpu.vector_load %arg15[%get3A_1120] {strides = array<i32>} : memref<16xf32, #tpu.memory_space<vmem>>, vector<16xf32>,
        %add3A_1122 = arith.addf %select_n3A_1119, %get3A_1121 : vector<16xf32>
        %neg3A = arith.constant 0.000000e+00 : f32
        %neg3A_1123 = vector.broadcast %neg3A : f32 to vector<16xf32>
        %neg3A_1124 = arith.subf %neg3A_1123, %add3A_1122 : vector<16xf32>
        %exp3A = math.exp %neg3A_1124 : vector<16xf32>
        %add3A_1125 = arith.constant 1.000000e+00 : f32
        %add3A_1126 = vector.broadcast %add3A_1125 : f32 to vector<16xf32>
        %add3A_1127 = arith.addf %add3A_1126, %exp3A : vector<16xf32>
        %div3A_1128 = arith.constant 1.000000e+00 : f32
        %div3A_1129 = vector.broadcast %div3A_1128 : f32 to vector<16xf32>
        %div3A_1130 = arith.divf %div3A_1129, %add3A_1127 : vector<16xf32>
        %mul3A_1131 = arith.constant 16 : i32
        %mul3A_1132 = arith.muli %scan3A_51, %mul3A_1131 : i32
        %swap3A = arith.index_cast %mul3A_1132 : i32 to index
        %swap3A_1133 = tpu.vector_load %arg16[%swap3A] {strides = array<i32>} : memref<128xf32, #tpu.memory_space<vmem>>, vector<16xf32>,
        tpu.vector_store %arg16[%swap3A], %div3A_1130 {strides = array<i32>} : memref<128xf32, #tpu.memory_space<vmem>>, vector<16xf32>,
      }
      %scan3A_50 = arith.constant 8 : i32
      "tpu.region"() ({
        %run_scoped3A = tpu.sem_alloc : memref<!tpu.dma_semaphore, #tpu.memory_space<semaphore_mem>>
        %dma_start3A_51 = tpu.memref_slice %arg8[%add3A_11] : memref<16384xf32, #tpu.memory_space<hbm>> -> memref<128xf32, #tpu.memory_space<hbm>>
        %dma_start3A_52 = tpu.memref_slice %arg8[%add3A_11] : memref<16384xf32, #tpu.memory_space<hbm>> -> memref<128xf32, #tpu.memory_space<hbm>>
        tpu.enqueue_dma source(%arg16 : memref<128xf32, #tpu.memory_space<vmem>>) target(%dma_start3A_52 : memref<128xf32, #tpu.memory_space<hbm>>) target_semaphore(%run_scoped3A : memref<!tpu.dma_semaphore, #tpu.memory_space<semaphore_mem>>)
        %dma_wait3A = tpu.memref_slice %arg8[%add3A_11] : memref<16384xf32, #tpu.memory_space<hbm>> -> memref<128xf32, #tpu.memory_space<hbm>>
        %dma_wait3A_53 = tpu.memref_slice %arg8[%add3A_11] : memref<16384xf32, #tpu.memory_space<hbm>> -> memref<128xf32, #tpu.memory_space<hbm>>
        tpu.wait_dma2 semaphore(%run_scoped3A : memref<!tpu.dma_semaphore, #tpu.memory_space<semaphore_mem>>) src(%arg16 : memref<128xf32, #tpu.memory_space<vmem>>) dst(%dma_wait3A_53 : memref<128xf32, #tpu.memory_space<hbm>>)
        tpu.yield
      }) : () -> ()
    }
    %scan3A_5 = arith.constant 4 : i32
    return
  }
}

</mosaic_0001>

<sc_bundles>
// kernel: kernel.3.cloned.1.call-start
scs
__scs_entry_jumppad:
0x0: {  	(pc) =	sbr.rel $0x88, $3  }
0x1: {  	(tag) =	ssettag $0x0;
	lr =	simm.s32 $0x1  }
0x2: {  	[smem:$0x3F97] =	sst lr;
	_ =	strace $0xD0000000  }
0x3: {  	_ = 	snop  }
0x4: {  	_ = 	snop  }
0x5: {  	_ = 	snop  }
0x6: {  	_ = 	snop  }
0x7: {  	_ = 	snop  }
__scs_overlays_trampoline_lowered:
0x8: {  	[smem:$0x3FA6] =	sst s0  }
0x9: {  	[smem:$0x3FA7] =	sst s1  }
0xa: {  	[smem:$0x3FA8] =	sst s2  }
0xb: {  	[smem:$0x3FA9] =	sst s3  }
0xc: {  	[smem:$0x3FAA] =	sst s4  }
0xd: {  	[smem:$0x3FAB] =	sst s5  }
0xe: {  	[smem:$0x3FAC] =	sst s6  }
0xf: {  	[smem:$0x3FAD] =	sst s7  }
0x10: {  	[smem:$0x3FAE] =	sst s8  }
0x11: {  	[smem:$0x3FAF] =	sst s9;
	s0 =	simm.s32 @!p0 $0x0  }
0x12: {  	s1 =	sld [smem:$0x3F95];
	s0 =	simm.s32 @p0 $0x1  }
0x13: {  	[smem:$0x3FB0] =	sst s0;
	s0 =	simm.s32 @!p1 $0x0  }
0x14: {  	s2 =	sld [smem:$0x3F94];
	s0 =	simm.s32 @p1 $0x1  }
0x15: {  	[smem:$0x3FB1] =	sst s0;
	s0 =	simm.s32 @!p2 $0x0  }
0x16: {  	s3 =	sld [smem:$0x3FDB];
	s0 =	simm.s32 @p2 $0x1  }
0x17: {  	s4 =	simm.s32 $0x1BF5;
	[smem:$0x3FB3] =	sst s0  }
0x18: {  	s0 =	sld [smem:$0x3F96];
	_ =	swait.ge [sflag:s4], $0x0  }
0x19: {  	s7 =	sld [smem:$0x3F97]  }
0x1a: {  	s8 =	sadd.s32 $0xFFFFE003, lr  }
0x1b: {  	s9 =	sadd.s32 $0xFFFFFEF7, lr;
	s5 =	simm.s32 $0xFFFFFFFF;
	p2 =	slt.u32 s8, $0xFFFFF086  }
0x1c: {  	p1 =	slt.u32 s9, $0xF7A;
	s5 =	simm.s32 @!p2 $0x0  }
0x1d: {  	s5 =	simm.s32 @p1 $0x1;
	p0 =	seq.s32 s7, s2  }
0x1e: {  	s7 =	smul.u32 @!p0 $0xF7A, s2;
	p2 =	seq.s32 @!p0 s5, $0x0  }
0x1f: {  	s9 =	smul.u32 $0xF7A, s1;
	s8 =	simm.s32 @!p0 $0x1BF5;
	p2 =	por !p2, p0  }
0x20: {  	[sflag:s8] =	ssyncset.s32 @!p0 $0xFFFFF086;
	s6 =	sadd.s32 @!p0 s3, s7;
	s7 =	simm.s32 @!p0 $0x108  }
0x21: {  	s3 =	sadd.s32 s3, s9;
	s6 =	sadd.s32 @!p0 $0x88, s6;
	s7 =	simm.s32 @p2 $0x1082  }
0x22: {  	[simem:s7], [sflag:s8] =	dma.local @!p0 [hbm:s6], $0xF7A  }
0x23: {  	s9 =	sor.u32 $0xD0000000, s2;
	s6 =	simm.s32 $0x108;
	_ =	swait.ge @!p0 [sflag:s8], $0x0  }
0x24: {  	s3 =	sadd.s32 $0x88, s3;
	s6 =	simm.s32 @!p1 $0x1082;
	[sflag:s4] =	ssyncset.s32 $0xFFFFF086  }
0x25: {  	[simem:s6], [sflag:s4] =	dma.local [hbm:s3], $0xF7A  }
0x26: {  	[smem:$0x3F97] =	sst s1;
	(tag) =	ssettag s2;
	_ =	strace s9  }
0x27: {  	s1 =	sld [smem:$0x3FA7]  }
0x28: {  	s2 =	sld [smem:$0x3FA8]  }
0x29: {  	s4 =	sld [smem:$0x3FAA]  }
0x2a: {  	p0 =	seq.s32 s5, $0x0;
	s5 =	sld [smem:$0x3FAB]  }
0x2b: {  	s6 =	sld [smem:$0x3FAC]  }
0x2c: {  	s7 =	sld [smem:$0x3FAD]  }
0x2d: {  	s3 =	simm.s32 $0x108;
	s8 =	sld [smem:$0x3FAE]  }
0x2e: {  	s3 =	simm.s32 @!p0 $0x1082;
	s9 =	sld [smem:$0x3FAF]  }
0x2f: {  	lr =	sadd.s32 s0, s3;
	s0 =	sld [smem:$0x3FA6]  }
0x30: {  	s3 =	sld [smem:$0x3FA9]  }
0x31: {  	[smem:$0x3FB2] =	sst s10  }
0x32: {  	s10 =	sld [smem:$0x3FB0];
	_ =	sdelay $0x3  }
0x33: {  	p0 =	seq.s32 s10, $0x1;
	s10 =	sld [smem:$0x3FB2];
	_ =	sdelay $0x3  }
0x34: {  	[smem:$0x3FB2] =	sst s10  }
0x35: {  	s10 =	sld [smem:$0x3FB1];
	_ =	sdelay $0x3  }
0x36: {  	p1 =	seq.s32 s10, $0x1;
	s10 =	sld [smem:$0x3FB2];
	_ =	sdelay $0x3  }
0x37: {  	[smem:$0x3FB2] =	sst s10  }
0x38: {  	s10 =	sld [smem:$0x3FB3]  }
0x39: {  	_ = 	snop;
	(pc) =	sbr.ind lr, $3  }
0x3a: {  	_ = 	snop  }
0x3b: {  	_ = 	snop  }
0x3c: {  	p2 =	seq.s32 s10, $0x1;
	s10 =	sld [smem:$0x3FB2]  }
0x3d: {  	_ =	shalt  }
0x3e: {  	_ =	shalt  }
0x3f: {  	_ =	shalt  }
0x40: {  	_ =	shalt  }
0x41: {  	_ =	shalt  }
0x42: {  	_ =	shalt  }
0x43: {  	_ =	shalt  }
0x44: {  	_ =	shalt  }
0x45: {  	_ =	shalt  }
0x46: {  	_ =	shalt  }
0x47: {  	_ =	shalt  }
0x48: {  	_ =	shalt  }
0x49: {  	_ =	shalt  }
0x4a: {  	_ =	shalt  }
0x4b: {  	_ =	shalt  }
0x4c: {  	_ =	shalt  }
0x4d: {  	_ =	shalt  }
0x4e: {  	_ =	shalt  }
0x4f: {  	_ =	shalt  }
0x50: {  	_ =	shalt  }
0x51: {  	_ =	shalt  }
0x52: {  	_ =	shalt  }
0x53: {  	_ =	shalt  }
0x54: {  	_ =	shalt  }
0x55: {  	_ =	shalt  }
0x56: {  	_ =	shalt  }
0x57: {  	_ =	shalt  }
0x58: {  	_ =	shalt  }
0x59: {  	_ =	shalt  }
0x5a: {  	_ =	shalt  }
0x5b: {  	_ =	shalt  }
0x5c: {  	_ =	shalt  }
0x5d: {  	_ =	shalt  }
0x5e: {  	_ =	shalt  }
0x5f: {  	_ =	shalt  }
0x60: {  	_ =	shalt  }
0x61: {  	_ =	shalt  }
0x62: {  	_ =	shalt  }
0x63: {  	_ =	shalt  }
0x64: {  	_ =	shalt  }
0x65: {  	_ =	shalt  }
0x66: {  	_ =	shalt  }
0x67: {  	_ =	shalt  }
0x68: {  	_ =	shalt  }
0x69: {  	_ =	shalt  }
0x6a: {  	_ =	shalt  }
0x6b: {  	_ =	shalt  }
0x6c: {  	_ =	shalt  }
0x6d: {  	_ =	shalt  }
0x6e: {  	_ =	shalt  }
0x6f: {  	_ =	shalt  }
0x70: {  	_ =	shalt  }
0x71: {  	_ =	shalt  }
0x72: {  	_ =	shalt  }
0x73: {  	_ =	shalt  }
0x74: {  	_ =	shalt  }
0x75: {  	_ =	shalt  }
0x76: {  	_ =	shalt  }
0x77: {  	_ =	shalt  }
0x78: {  	_ =	shalt  }
0x79: {  	_ =	shalt  }
0x7a: {  	_ =	shalt  }
0x7b: {  	_ =	shalt  }
0x7c: {  	_ =	shalt  }
0x7d: {  	_ =	shalt  }
0x7e: {  	_ =	shalt  }
0x7f: {  	_ =	shalt  }
0x80: {  	_ =	shalt  }
0x81: {  	_ =	shalt  }
0x82: {  	_ =	shalt  }
0x83: {  	_ =	shalt  }
0x84: {  	_ =	shalt  }
0x85: {  	_ =	shalt  }
0x86: {  	_ =	shalt  }
0x87: {  	_ =	shalt  }
.Lfunc_end0:
.L_simem_size_0:
called_computation.1_lowered:
.L_overlay_start_0:
0x88: {  	s2 =	sld [smem:$0x3FD9]  }
0x89: {  	s3 =	sld [smem:$0x3FFE];
	_ =	sdelay $0x1  }
0x8a: {  	s1 =	srdreg.scid  }
0x8b: {  	s0 =	sand.u32 $0x1, s1  }
0x8c: {  	s17 =	sshll.u32 s0, $0xA;
	s2 =	sadd.s32 s3, s2  }
0x8d: {  	s2 =	sadd.s32 s2, s17  }
0x8e: {  	[smem:$0x3FBE] =	sst s2  }
0x8f: {  	_ = 	snop  }
0x90: {  	s2 =	sld [smem:$0x3FD0];
	(tm) =	ssettm $0x1  }
0x91: {  	s18 =	sld [smem:$0x3FFB];
	_ =	sdelay $0x3  }
0x92: {  	_ =	strace s18  }
0x93: {  	s3 =	sld [smem:$0x3FFC];
	_ =	sdelay $0x3  }
0x94: {  	_ =	strace s3  }
0x95: {  	s3 =	sld [smem:$0x3FFD];
	_ =	sdelay $0x3  }
0x96: {  	_ =	strace s3  }
0x97: {  	_ =	strace $0x8FFFFFFF  }
0x98: {  	s19 =	sld [smem:$0x3FDB];
	_ =	sdelay $0x1  }
0x99: {  	s4 =	simm.s32 $_scs_section_size  }
0x9a: {  	s5 =	simm.s32 $_size__tile_overlayer_lowered;
	s6 =	simm.s32 $_tile_overlayer_lowered  }
0x9b: {  	s22 =	simm.s32 $0x1BFF;
	s21 =	sshll.u32 s6, $0x1;
	s3 =	sadd.s32 s4, s19  }
0x9c: {  	s7 =	simm.s32 $0x0;
	s20 =	sshll.u32 s5, $0x1;
	s5 =	sadd.s32 s21, s3  }
0x9d: {  	[timem:s7], [sflag:s22] =	dma.local [hbm:s5], s20  }
0x9e: {  	_ =	swait.ge [sflag:s22], s20  }
0x9f: {  	s4 =	ssub.s32 $0x0, s20;
	[sflag:s22] =	ssyncset.done $0x0  }
0xa0: {  	[sflag:s22] =	ssyncadd.s32 s4;
	_ =	sdelay $0x1  }
0xa1: {  	s23 =	simm.s32 $0x1B8B  }
0xa2: {  	_ =	swait.ge [sflag:s23], $0x1  }
0xa3: {  	[sflag:s23] =	ssyncset.done $0x0  }
0xa4: {  	s25 =	simm.s32 $0x1B8E;
	s24 =	sld [smem:$0x3FFE];
	[sflag:s23] =	ssyncadd.s32 $0xFFFFFFFF  }
0xa5: {  	s26 =	simm.s32 $execute0_lowered;
	[smem:$0x3FD2] =	sst s25  }
0xa6: {  	s5 =	sshll.u32 s26, $0x1;
	_ =	strace $0x80000049;
	[dreg:$0x1] =	wrdreg $0xFFFFFFFF  }
0xa7: {  	s28 =	simm.s32 $_size_execute0_lowered;
	s3 =	sadd.s32 s3, s5;
	[dreg:$0x0] =	wrdreg $0x0  }
0xa8: {  	s5 =	sshll.u32 s28, $0x1;
	[dreg:$0x2] =	wrdreg s3  }
0xa9: {  	[dreg:$0x3] =	wrdreg s5  }
0xaa: {  	[dreg:$0x4] =	wrdreg $0xC0  }
0xab: {  	_ =	task [dreg:s7], $0x5FFFF  }
0xac: {  	[dreg:$0x1] =	wrdreg $0xFFFFFFFF  }
0xad: {  	[dreg:$0x0] =	wrdreg $0x60  }
0xae: {  	[dreg:$0x2] =	wrdreg s24  }
0xaf: {  	[dreg:$0x3] =	wrdreg s2  }
0xb0: {  	[dreg:$0x4] =	wrdreg $0x9  }
0xb1: {  	_ =	task.clear_ibuf [dreg:s7], $0x5FFFF;
	_ =	strace $0x90000049  }
0xb2: {  	s29 =	simm.s32 $0x9;
	_ =	strace $0x8000004B  }
0xb3: {  	_ =	swait.ge [sflag:s29], $0x1  }
0xb4: {  	[sflag:s29] =	ssyncadd.s32 $0xFFFFFFFF  }
0xb5: {  	_ =	strace $0x9000004B  }
0xb6: {  	_ =	sfence  }
0xb7: {  	s30 =	sld [smem:$0x0];
	_ =	sdelay $0x2  }
0xb8: {  	s31 =	sshll.u32 s1, $0xD;
	s1 =	sshrl.u32 s1, $0x2  }
0xb9: {  	s3 =	sand.u32 $0x4000, s31;
	s1 =	sadd.s32 s1, s30  }
0xba: {  	s0 =	sor.u32 s3, s0;
	s1 =	sshll.u32 s1, $0x11  }
0xbb: {  	s0 =	sor.u32 s1, s0  }
0xbc: {  	s0 =	sadd.s32 $0x8F2B, s0  }
0xbd: {  	[sflag:s0] =	ssyncadd.remote.s32 $0x1  }
0xbe: {  	_ =	sfence.sel $0xFFFF  }
0xbf: {  	[dreg:$0x0] =	wrdreg $0xFFFFFFFF;
	(pc) =	sbr.abs _section_cstart, $3  }
0xc0: {  	[dreg:$0x1] =	wrdreg $0xFFFFFFFF  }
0xc1: {  	_ =	task.clear_ibuf [dreg:s7], $0x2FFFF;
	_ =	strace $0x9FFFFFFF  }
0xc2: {  	(tm) =	ssettm $0x7FFFFFFF  }
0xc3: {  	_ =	shalt  }
tec
execute0_lowered:
.L_overlay_start_1:
0x0: {  	(tag) =	ssettag $0x1  }
0x1: {  	v0 =	vimm.s32 $0xFEDCBA98;
	v1 =	vimm.s32 $0x76543210  }
0x2: {  	v2 =	vimm.s32 $0xBA98FEDC;
	v3 =	vimm.s32 $0x32107654;
	v4 =	vimm.s32 $0xDCFE98BA  }
0x3: {  	v5 =	vimm.s32 $0x54761032;
	v6 =	vimm.s32 $0xEFCDAB89;
	v7 =	vimm.s32 $0x67452301  }
0x4: {  	s1 =	rddreg [dreg:$0x0];
	vm0 =	vmmov $0xfff;
	vm2 =	vmmov $0x3ff;
	vm1 =	vmmov $0x7ff  }
0x5: {  	s2 =	rddreg [dreg:$0x1];
	vm3 =	vmmov $0x1ff;
	vm5 =	vmmov $0x7f;
	vm4 =	vmmov $0xff  }
0x6: {  	s0 =	rddreg [dreg:$0x2];
	vm7 =	vmmov $0x1f;
	vm6 =	vmmov $0x3f;
	vm9 =	vmmov $0x7  }
0x7: {  	s3 =	simm.s32 $0x0;
	s7 =	srdreg.scid;
	s13 =	simm.s32 $0x3;
	vm8 =	vmmov $0xf;
	vm11 =	vmmov $0x1;
	vm10 =	vmmov $0x3  }
0x8: {  	s14 =	simm.s32 $0x10100;
	s15 =	simm.s32 $0x10300;
	s16 =	simm.s32 $0x2000;
	v0 =	vunpack.c.l.s4.s8 v0;
	v1 =	vunpack.c.l.s4.s8 v1;
	v2 =	vunpack.c.l.s4.s8 v2  }
0x9: {  	s17 =	simm.s32 $0x80;
	s18 =	simm.s32 $0x4000;
	s19 =	simm.s32 $0x8000;
	v3 =	vunpack.c.l.s4.s8 v3;
	v4 =	vunpack.c.l.s4.s8 v4;
	v5 =	vunpack.c.l.s4.s8 v5  }
0xa: {  	s20 =	simm.s32 $0x1;
	s21 =	simm.s32 $0x2;
	s22 =	simm.s32 $0x10380;
	v6 =	vunpack.c.l.s4.s8 v6;
	v7 =	vunpack.c.l.s4.s8 v7;
	v0 =	vunpack.c.0.s8.s32 v0  }
0xb: {  	s23 =	simm.s32 $0x0;
	[smem:$0x7FF] =	sst s3;
	s4 =	sadd.s32 $0x2A0000, s1;
	v2 =	vunpack.c.0.s8.s32 v2;
	v3 =	vunpack.c.0.s8.s32 v3;
	v4 =	vunpack.c.0.s8.s32 v4  }
0xc: {  	s5 =	sadd.s32 $0x280000, s1;
	s6 =	sadd.s32 $0x2C0000, s1;
	s9 =	sand.u32 $0x1, s7;
	v5 =	vunpack.c.0.s8.s32 v5;
	v6 =	vunpack.c.0.s8.s32 v6;
	v7 =	vunpack.c.0.s8.s32 v7  }
0xd: {  	vm12 =	vmmov $0x1fff;
	s8 =	sadd.s32 $0x2C0200, s1;
	s7 =	stileid.u32;
	s10 =	ssub.s32 $0x2, s9;
	v1 =	vunpack.c.0.s8.s32 v1;
	v2 =	vcombine.low v3, v2  }
0xe: {  	_ =	strace $0x8000004A;
	s31 =	sshll.u32 s7, $0xA;
	s11 =	sshrl.u32 s10, $0x1;
	v3 =	vcombine.low v5, v4;
	v4 =	vcombine.low v7, v6;
	v0 =	vand.u32 $0xF, v0  }
0xf: {  	vm13 =	vmmov $0x3fff;
	vm14 =	vmmov $0x7fff;
	s12 =	sshll.u32 s9, $0x9;
	s9 =	sadd.s32 $0xA2800, s1;
	s11 =	ssub.s32 s10, s11;
	v0 =	vcombine.low v0, v1  }
0x10: {  	s10 =	sor.u32 s12, s31;
	s12 =	simm.s32 $0x10000;
	s11 =	smax.u32 s11, $0x1;
	v1 =	vand.u32 $0xF, v2;
	v2 =	vand.u32 $0xF, v3;
	v3 =	vand.u32 $0xF, v4  }
.LBB2_1:
0x11: {  	[tilespmem:s12], [sflag:$0x3] =	stream.linear.gather [hbm4b:s6+s3], $0x100, $0x38;
	[tilespmem:$0x10400] =	vst v63  }
0x12: {  	_ =	swait.ge [sflag:s13], $0x100  }
0x13: {  	[sflag:s13] =	ssyncset.done $0x0  }
0x14: {  	[sflag:s13] =	ssyncadd.s32 $0xFFFFFF00  }
0x15: {  	[tilespmem:s14], [sflag:$0x3] =	stream.linear.gather [hbm4b:s8+s3], $0x200, $0x38;
	[tilespmem:$0x10400] =	vst v63  }
0x16: {  	_ =	swait.ge [sflag:s13], $0x200  }
0x17: {  	[sflag:s13] =	ssyncset.done $0x0  }
0x18: {  	[sflag:s13] =	ssyncadd.s32 $0xFFFFFE00  }
0x19: {  	[tilespmem:s15], [sflag:$0x3] =	stream.linear.gather [hbm4b:s9+s3], $0x80, $0x38;
	[tilespmem:$0x10400] =	vst v63  }
0x1a: {  	_ =	swait.ge [sflag:s13], $0x80  }
0x1b: {  	[sflag:s13] =	ssyncset.done $0x0  }
0x1c: {  	s24 =	simm.s32 $0x0;
	[sflag:s13] =	ssyncadd.s32 $0xFFFFFF80  }
.LBB2_2:
0x1d: {  	s25 =	sshll.u32 s24, $0x7  }
0x1e: {  	s25 =	sadd.s32 s10, s25  }
0x1f: {  	s28 =	sshll.u32 s25, $0x3  }
0x20: {  	s26 =	simm.s32 $0x0;
	s29 =	sadd.s32 s4, s28  }
0x21: {  	[tilespmem:s26], [sflag:$0x3] =	stream.linear.gather [hbm4b:s29+s26], $0x2000, $0x38;
	[tilespmem:$0x10400] =	vst v63  }
0x22: {  	_ =	swait.ge [sflag:s13], $0x2000  }
0x23: {  	[sflag:s13] =	ssyncset.done $0x0  }
0x24: {  	s28 =	sadd.s32 s5, s28;
	[sflag:s13] =	ssyncadd.s32 $0xFFFFE000  }
0x25: {  	[tilespmem:s16], [sflag:$0x3] =	stream.linear.gather [hbm4b:s28+s26], $0x2000, $0x38;
	[tilespmem:$0x10400] =	vst v63  }
0x26: {  	_ =	swait.ge [sflag:s13], $0x2000  }
0x27: {  	[sflag:s13] =	ssyncset.done $0x0  }
0x28: {  	[sflag:s13] =	ssyncadd.s32 $0xFFFFE000  }
0x29: {  	[tilespmem:s18], [sflag:$0x1] =	stream.indirect.gather [hbm4b:s1+s17], $0x80, s26, s17, $0xb8;
	[tilespmem:$0x10400] =	vst v63  }
.LBB2_3:
0x2a: {  	s28 =	sshll.u32 s26, $0x9  }
0x2b: {  	s29 =	sshrl.u32 s28, $0x2  }
0x2c: {  	s29 =	sadd.s32 $0x2000, s29  }
0x2d: {  	[tilespmem:s19], [sflag:$0x2] =	stream.indirect.gather [hbm4b:s1+s17], $0x80, s29, s17, $0xb8;
	[tilespmem:$0x10400] =	vst v63  }
0x2e: {  	_ =	swait.ge [sflag:s20], $0x4000  }
0x2f: {  	[sflag:s20] =	ssyncset.done $0x0  }
0x30: {  	s31 =	simm.s32 $0x0;
	[sflag:s20] =	ssyncadd.s32 $0xFFFFC000  }
0x31: {  	v4 =	vld [tilespmem:s31+$0x4070]  }
0x32: {  	v6 =	vld [tilespmem:s31+$0x4000]  }
0x33: {  	v8 =	vld [tilespmem:s31+$0x4010]  }
0x34: {  	v7 =	vld [tilespmem:s31+$0x4020]  }
0x35: {  	v10 =	vld [tilespmem:s31+$0x4030]  }
0x36: {  	v5 =	vimm.bf16 $0.0e+00;
	v39 =	vimm.bf16 $0.0e+00;
	v24 =	vld [tilespmem:s31+$0x4040]  }
0x37: {  	v33 =	vimm.bf16 $0.0e+00;
	v38 =	vimm.bf16 $0.0e+00;
	v40 =	vld [tilespmem:s31+$0x4050];
	v4 =	vadd.bf16 v4, v5  }
0x38: {  	s30 =	simm.s32 $0x400;
	s29 =	simm.s32 $0x80;
	v41 =	vld [tilespmem:s31+$0x4060];
	v6 =	vadd.bf16 v6, v5;
	v9 =	vadd.bf16 v8, v5;
	v8 =	vimm.bf16 $0.0e+00  }
.LBB2_4:
0x39: {  	p0 =	sne.s32 s30, $0x7E00;
	v11 =	vld [tilespmem:s29+$0x4070];
	v5 =	vadd.bf16 v7, v5  }
0x3a: {  	v12 =	vld [tilespmem:s29+$0x4000];
	v8 =	vadd.bf16 v10, v8  }
0x3b: {  	v13 =	vld [tilespmem:s29+$0x4010];
	v39 =	vadd.bf16 v24, v39  }
.Ltmp0:
0x3c: {  	v7 =	vld [tilespmem:s29+$0x4020];
	v33 =	vadd.bf16 v40, v33;
	(pc) =	sbr.rel @p0 .LBB2_4-.Ltmp0, $4  }
0x3d: {  	v10 =	vld [tilespmem:s29+$0x4030];
	v38 =	vadd.bf16 v41, v38  }
0x3e: {  	v24 =	vld [tilespmem:s29+$0x4040];
	v4 =	vadd.bf16 v11, v4  }
0x3f: {  	v6 =	vadd.bf16 v12, v6;
	v40 =	vld [tilespmem:s29+$0x4050]  }
0x40: {  	v9 =	vadd.bf16 v13, v9;
	v41 =	vld [tilespmem:s29+$0x4060];
	s29 =	sshra.s32 s30, $0x2;
	s30 =	sadd.s32 $0x200, s30  }
0x41: {  	v42 =	vld [tilespmem:s29+$0x4070]  }
0x42: {  	v43 =	vld [tilespmem:s29+$0x4000]  }
0x43: {  	v44 =	vld [tilespmem:s29+$0x4010]  }
0x44: {  	v45 =	vld [tilespmem:s29+$0x4020]  }
0x45: {  	v46 =	vld [tilespmem:s29+$0x4030]  }
0x46: {  	v47 =	vld [tilespmem:s29+$0x4040]  }
0x47: {  	v48 =	vld [tilespmem:s29+$0x4050]  }
0x48: {  	v49 =	vld [tilespmem:s29+$0x4060]  }
0x49: {  	v37 =	vld [tilespmem:$0x10000]  }
0x4a: {  	v36 =	vld [tilespmem:$0x10080]  }
0x4b: {  	v35 =	vld [tilespmem:$0x10100]  }
0x4c: {  	v32 =	vld [tilespmem:$0x10180]  }
0x4d: {  	v34 =	vld [tilespmem:$0x10010]  }
0x4e: {  	v31 =	vld [tilespmem:$0x10090]  }
0x4f: {  	v30 =	vld [tilespmem:$0x10110]  }
0x50: {  	v28 =	vld [tilespmem:$0x10190]  }
0x51: {  	v29 =	vld [tilespmem:$0x10020]  }
0x52: {  	v27 =	vld [tilespmem:$0x100A0]  }
0x53: {  	v26 =	vld [tilespmem:$0x10120]  }
0x54: {  	v23 =	vld [tilespmem:$0x101A0]  }
0x55: {  	v25 =	vld [tilespmem:$0x10030]  }
0x56: {  	v22 =	vld [tilespmem:$0x100B0]  }
0x57: {  	v21 =	vld [tilespmem:$0x10130]  }
0x58: {  	v19 =	vld [tilespmem:$0x101B0]  }
0x59: {  	v20 =	vld [tilespmem:$0x10040]  }
0x5a: {  	v18 =	vld [tilespmem:$0x100C0]  }
0x5b: {  	v17 =	vld [tilespmem:$0x10140]  }
0x5c: {  	v15 =	vld [tilespmem:$0x101C0]  }
0x5d: {  	v16 =	vld [tilespmem:$0x10050]  }
0x5e: {  	v14 =	vld [tilespmem:$0x100D0]  }
0x5f: {  	v13 =	vld [tilespmem:$0x10150]  }
0x60: {  	v11 =	vld [tilespmem:$0x101D0]  }
0x61: {  	v12 =	vld [tilespmem:$0x10060]  }
0x62: {  	v50 =	vadd.bf16 v7, v5;
	v7 =	vld [tilespmem:$0x100E0]  }
0x63: {  	v5 =	vld [tilespmem:$0x101E0];
	v51 =	vadd.bf16 v10, v8  }
0x64: {  	v8 =	vld [tilespmem:$0x10160];
	v24 =	vadd.bf16 v24, v39;
	v33 =	vadd.bf16 v40, v33  }
0x65: {  	s31 =	simm.s32 $0x0;
	v10 =	vld [tilespmem:$0x10070];
	v38 =	vadd.bf16 v41, v38;
	v52 =	vadd.bf16 v42, v4  }
0x66: {  	v57 =	vld [tilespmem:s31+$0x6000];
	v63 =	vadd.bf16 v43, v6;
	v9 =	vadd.bf16 v44, v9  }
0x67: {  	v58 =	vld [tilespmem:s31+$0x6010];
	v40 =	vadd.bf16 v45, v50;
	v41 =	vadd.bf16 v46, v51  }
0x68: {  	v55 =	vimm.bf16 $0.0e+00;
	v62 =	vld [tilespmem:s31+$0x6020];
	v24 =	vadd.bf16 v47, v24;
	v33 =	vadd.bf16 v48, v33  }
0x69: {  	v4 =	vld [tilespmem:$0x10170];
	v45 =	vadd.bf16 v49, v38;
	v53 =	vunpack.i.u.bf16.f32 v63;
	v60 =	vunpack.i.l.bf16.f32 v63  }
0x6a: {  	v46 =	vld [tilespmem:s31+$0x6070];
	v51 =	vunpack.i.u.bf16.f32 v9;
	v54 =	vunpack.i.l.bf16.f32 v9;
	v49 =	vunpack.i.u.bf16.f32 v40  }
0x6b: {  	v56 =	vld [tilespmem:s31+$0x6040];
	v50 =	vunpack.i.l.bf16.f32 v40;
	v39 =	vunpack.i.u.bf16.f32 v41;
	v47 =	vunpack.i.l.bf16.f32 v41  }
0x6c: {  	v61 =	vld [tilespmem:s31+$0x6050];
	v43 =	vunpack.i.u.bf16.f32 v24;
	v44 =	vunpack.i.l.bf16.f32 v24;
	v41 =	vunpack.i.u.bf16.f32 v33  }
0x6d: {  	[tilespmem:$0x1FFC0] =	vst v5;
	v42 =	vunpack.i.l.bf16.f32 v33;
	v24 =	vld [tilespmem:s31+$0x6030];
	v63 =	vimm.bf16 $0.0e+00;
	v38 =	vunpack.i.u.bf16.f32 v45  }
0x6e: {  	v59 =	vld [tilespmem:s31+$0x6060];
	v40 =	vunpack.i.l.bf16.f32 v45;
	v45 =	vadd.bf16 v58, v55;
	[tilespmem:$0x1FFD0] =	vst v4;
	v4 =	vunpack.i.u.bf16.f32 v52  }
0x6f: {  	v6 =	vld [tilespmem:$0x100F0];
	v58 =	vimm.bf16 $0.0e+00;
	v48 =	vadd.bf16 v46, v55;
	[tilespmem:$0x1FFE0] =	vst v4;
	v4 =	vunpack.i.l.bf16.f32 v52  }
0x70: {  	s29 =	simm.s32 $0x80;
	s30 =	simm.s32 $0x400;
	v9 =	vld [tilespmem:$0x101F0];
	v46 =	vadd.bf16 v57, v55;
	v57 =	vimm.bf16 $0.0e+00;
	v52 =	vimm.bf16 $0.0e+00;
	[tilespmem:$0x1FFF0] =	vst v4  }
.LBB2_6:
0x71: {  	p0 =	sne.s32 s30, $0x7E00;
	v33 =	vld [tilespmem:s29+$0x6070];
	v55 =	vadd.bf16 v62, v55  }
0x72: {  	v4 =	vld [tilespmem:s29+$0x6000];
	v63 =	vadd.bf16 v24, v63  }
0x73: {  	v5 =	vld [tilespmem:s29+$0x6010];
	v57 =	vadd.bf16 v56, v57  }
.Ltmp1:
0x74: {  	v62 =	vld [tilespmem:s29+$0x6020];
	v58 =	vadd.bf16 v61, v58;
	(pc) =	sbr.rel @p0 .LBB2_6-.Ltmp1, $4  }
0x75: {  	v24 =	vld [tilespmem:s29+$0x6030];
	v52 =	vadd.bf16 v59, v52  }
0x76: {  	v56 =	vld [tilespmem:s29+$0x6040];
	v48 =	vadd.bf16 v33, v48  }
0x77: {  	v46 =	vadd.bf16 v4, v46;
	v61 =	vld [tilespmem:s29+$0x6050]  }
0x78: {  	v45 =	vadd.bf16 v5, v45;
	v59 =	vld [tilespmem:s29+$0x6060];
	s29 =	sshra.s32 s30, $0x2;
	s30 =	sadd.s32 $0x200, s30  }
0x79: {  	v4 =	vadd.f32 v37, v60;
	v5 =	vadd.f32 v36, v53  }
0x7a: {  	v33 =	vadd.f32 v34, v54;
	v51 =	vadd.f32 v31, v51  }
0x7b: {  	v50 =	vadd.f32 v29, v50;
	v49 =	vadd.f32 v27, v49  }
0x7c: {  	v47 =	vadd.f32 v25, v47;
	v44 =	vadd.f32 v20, v44  }
0x7d: {  	v43 =	vadd.f32 v18, v43;
	v42 =	vadd.f32 v16, v42;
	v4 =	vmax.f32 v4, $0.0e+00  }
0x7e: {  	v41 =	vadd.f32 v14, v41;
	v24 =	vadd.bf16 v24, v63;
	v4 =	vmin.f32 v4, $1.000000000e+00  }
0x7f: {  	v63 =	vadd.f32 v22, v39;
	v5 =	vmax.f32 v5, $0.0e+00;
	v4 =	vmul.f32 v4, v35  }
0x80: {  	v60 =	vld [tilespmem:s29+$0x6070];
	v33 =	vmax.f32 v33, $0.0e+00;
	v50 =	vmax.f32 v50, $0.0e+00;
	v5 =	vmin.f32 v5, $1.000000000e+00  }
0x81: {  	v49 =	vmax.f32 v49, $0.0e+00;
	v5 =	vmul.f32 v5, v32;
	v4 =	vadd.f32 $0.0e+00, v4  }
0x82: {  	v54 =	vadd.bf16 v56, v57;
	v47 =	vmax.f32 v47, $0.0e+00;
	v33 =	vmin.f32 v33, $1.000000000e+00  }
0x83: {  	v33 =	vmul.f32 v33, v30;
	v4 =	vadd.f32 v5, v4;
	v5 =	vmax.f32 v51, $0.0e+00  }
0x84: {  	v44 =	vmax.f32 v44, $0.0e+00;
	v42 =	vmax.f32 v42, $0.0e+00;
	v5 =	vmin.f32 v5, $1.000000000e+00  }
0x85: {  	v39 =	vadd.bf16 v60, v48;
	v60 =	vld [tilespmem:s29+$0x6040];
	v4 =	vadd.f32 v33, v4;
	v5 =	vmul.f32 v5, v28  }
0x86: {  	v41 =	vmax.f32 v41, $0.0e+00;
	v49 =	vmin.f32 v49, $1.000000000e+00;
	v47 =	vmin.f32 v47, $1.000000000e+00  }
0x87: {  	v56 =	vld [tilespmem:s29+$0x6020];
	v44 =	vmin.f32 v44, $1.000000000e+00;
	v4 =	vadd.f32 v5, v4;
	v5 =	vmin.f32 v50, $1.000000000e+00  }
0x88: {  	v52 =	vadd.bf16 v59, v52;
	v33 =	vadd.bf16 v62, v55;
	v62 =	vld [tilespmem:s29+$0x6010];
	v5 =	vmul.f32 v5, v26  }
0x89: {  	v55 =	vadd.bf16 v61, v58;
	v61 =	vmax.f32 v63, $0.0e+00;
	v63 =	vmul.f32 v44, v17  }
0x8a: {  	v44 =	vadd.bf16 v60, v54;
	v50 =	vld [tilespmem:s29+$0x6000];
	v4 =	vadd.f32 v5, v4;
	v5 =	vmul.f32 v49, v23  }
0x8b: {  	v41 =	vmin.f32 v41, $1.000000000e+00;
	v58 =	vadd.f32 v12, v40;
	v40 =	vadd.f32 v7, v38  }
0x8c: {  	v33 =	vadd.bf16 v56, v33;
	v4 =	vadd.f32 v5, v4;
	v5 =	vmul.f32 v47, v21  }
0x8d: {  	v48 =	vmin.f32 v61, $1.000000000e+00;
	v56 =	vmul.f32 v41, v11;
	v49 =	vld [tilespmem:s29+$0x6030];
	v45 =	vadd.bf16 v62, v45  }
0x8e: {  	v61 =	vunpack.i.l.bf16.f32 v33;
	v4 =	vadd.f32 v5, v4;
	v5 =	vmul.f32 v48, v19  }
0x8f: {  	v46 =	vadd.bf16 v50, v46;
	v54 =	vunpack.i.l.bf16.f32 v45;
	v57 =	vunpack.i.u.bf16.f32 v45  }
0x90: {  	v62 =	vld [tilespmem:s29+$0x6050];
	v59 =	vadd.f32 v57, v31;
	v4 =	vadd.f32 v5, v4;
	v5 =	vmax.f32 v43, $0.0e+00  }
0x91: {  	v47 =	vunpack.i.l.bf16.f32 v46;
	v50 =	vunpack.i.u.bf16.f32 v46;
	v5 =	vmin.f32 v5, $1.000000000e+00  }
0x92: {  	v24 =	vadd.bf16 v49, v24;
	v4 =	vadd.f32 v63, v4;
	v5 =	vmul.f32 v5, v15  }
0x93: {  	v45 =	vmax.f32 v40, $0.0e+00;
	v49 =	vadd.f32 v47, v37;
	v51 =	vadd.f32 v50, v36  }
0x94: {  	v31 =	vmax.f32 v59, $0.0e+00;
	v4 =	vadd.f32 v5, v4;
	v5 =	vmin.f32 v42, $1.000000000e+00  }
0x95: {  	v43 =	vadd.bf16 v62, v55;
	v37 =	vmax.f32 v49, $0.0e+00;
	v5 =	vmul.f32 v5, v13  }
0x96: {  	v55 =	vadd.f32 v54, v34;
	v31 =	vmin.f32 v31, $1.000000000e+00;
	v37 =	vmin.f32 v37, $1.000000000e+00  }
0x97: {  	v53 =	vmul.f32 v37, v35;
	v4 =	vadd.f32 v5, v4;
	v5 =	vmax.f32 v51, $0.0e+00  }
0x98: {  	v62 =	vadd.f32 v61, v29;
	v36 =	vmul.f32 v31, v28;
	v5 =	vmin.f32 v5, $1.000000000e+00  }
0x99: {  	v34 =	vmax.f32 v55, $0.0e+00;
	v35 =	vadd.f32 $0.0e+00, v53;
	v5 =	vmul.f32 v5, v32  }
0x9a: {  	v41 =	vunpack.i.l.bf16.f32 v24;
	v24 =	vunpack.i.u.bf16.f32 v24;
	v34 =	vmin.f32 v34, $1.000000000e+00  }
0x9b: {  	v49 =	vunpack.i.l.bf16.f32 v44;
	v60 =	vmul.f32 v34, v30;
	v5 =	vadd.f32 v35, v5  }
0x9c: {  	v63 =	vmax.f32 v58, $0.0e+00;
	v25 =	vadd.f32 v41, v25;
	v37 =	vunpack.i.u.bf16.f32 v33  }
0x9d: {  	v29 =	vmax.f32 v62, $0.0e+00;
	v27 =	vadd.f32 v37, v27;
	v5 =	vadd.f32 v60, v5  }
0x9e: {  	v47 =	vadd.f32 v24, v22;
	v61 =	vunpack.i.u.bf16.f32 v43;
	v29 =	vmin.f32 v29, $1.000000000e+00  }
0x9f: {  	v26 =	vmul.f32 v29, v26;
	v27 =	vmax.f32 v27, $0.0e+00;
	v5 =	vadd.f32 v5, v36  }
0xa0: {  	v50 =	vadd.f32 v49, v20;
	v14 =	vadd.f32 v61, v14;
	v27 =	vmin.f32 v27, $1.000000000e+00  }
0xa1: {  	v25 =	vmax.f32 v25, $0.0e+00;
	v46 =	vmul.f32 v27, v23;
	v5 =	vadd.f32 v26, v5  }
0xa2: {  	v22 =	vmax.f32 v47, $0.0e+00;
	v20 =	vmax.f32 v50, $0.0e+00;
	v25 =	vmin.f32 v25, $1.000000000e+00  }
0xa3: {  	v24 =	vld [tilespmem:s29+$0x6060];
	v22 =	vmin.f32 v22, $1.000000000e+00;
	v48 =	vmul.f32 v25, v21;
	v5 =	vadd.f32 v5, v46  }
0xa4: {  	v53 =	vunpack.i.u.bf16.f32 v44;
	v20 =	vmin.f32 v20, $1.000000000e+00;
	v4 =	vadd.f32 v56, v4  }
0xa5: {  	v62 =	vld [tilespmem:$0x1FFF0];
	v51 =	vmul.f32 v22, v19;
	v56 =	vadd.f32 v53, v18;
	v5 =	vadd.f32 v48, v5  }
0xa6: {  	v58 =	vunpack.i.l.bf16.f32 v43;
	v14 =	vmax.f32 v14, $0.0e+00;
	v57 =	vmul.f32 v20, v17  }
0xa7: {  	v54 =	vld [tilespmem:$0x1FFC0];
	v14 =	vmin.f32 v14, $1.000000000e+00;
	v18 =	vmax.f32 v56, $0.0e+00;
	v5 =	vadd.f32 v5, v51  }
0xa8: {  	v59 =	vadd.bf16 v24, v52;
	v11 =	vmul.f32 v14, v11;
	v14 =	vld [tilespmem:$0x1FFE0];
	v18 =	vmin.f32 v18, $1.000000000e+00  }
0xa9: {  	v60 =	vadd.f32 v58, v16;
	v15 =	vmul.f32 v18, v15;
	v5 =	vadd.f32 v57, v5  }
0xaa: {  	v42 =	vmin.f32 v63, $1.000000000e+00;
	v25 =	vmin.f32 v45, $1.000000000e+00;
	v18 =	vadd.f32 v10, v62  }
0xab: {  	p0 =	seq.s32 s26, $0x3F;
	v16 =	vmax.f32 v60, $0.0e+00;
	v5 =	vadd.f32 v5, v15;
	v15 =	vunpack.i.l.bf16.f32 v59  }
0xac: {  	s28 =	sshrl.u32 @!p0 s28, $0x2;
	v16 =	vmin.f32 v16, $1.000000000e+00;
	v26 =	vmul.f32 v42, v8;
	v12 =	vadd.f32 v15, v12  }
0xad: {  	s30 =	simm.s32 @!p0 $0x4000;
	s28 =	sadd.s32 @!p0 $0x80, s28;
	s29 =	simm.s32 @!p0 $0x80;
	v55 =	vmul.f32 v25, v54;
	v14 =	vadd.f32 v6, v14;
	v13 =	vmul.f32 v16, v13  }
0xae: {  	[tilespmem:s30], [sflag:$0x1] =	stream.indirect.gather @!p0 [hbm4b:s1+s29], $0x80, s28, s29, $0xb8;
	v63 =	vmax.f32 v18, $0.0e+00;
	v4 =	vadd.f32 v26, v4;
	v12 =	vmax.f32 v12, $0.0e+00;
	[tilespmem:$0x10400] =	vst v63  }
0xaf: {  	_ =	swait.ge [sflag:s21], $0x4000;
	v5 =	vadd.f32 v13, v5;
	v13 =	vunpack.i.u.bf16.f32 v59;
	v12 =	vmin.f32 v12, $1.000000000e+00  }
0xb0: {  	v7 =	vadd.f32 v13, v7;
	v8 =	vmul.f32 v12, v8;
	v12 =	vmax.f32 v14, $0.0e+00;
	v14 =	vld [tilespmem:$0x1FFD0]  }
0xb1: {  	v4 =	vadd.f32 v55, v4;
	v5 =	vadd.f32 v5, v11;
	v11 =	vunpack.i.l.bf16.f32 v39  }
0xb2: {  	v15 =	vmin.f32 v63, $1.000000000e+00;
	v7 =	vmax.f32 v7, $0.0e+00;
	v10 =	vadd.f32 v11, v10  }
0xb3: {  	v7 =	vmin.f32 v7, $1.000000000e+00;
	v5 =	vadd.f32 v8, v5;
	v8 =	vunpack.i.u.bf16.f32 v39  }
0xb4: {  	[sflag:s21] =	ssyncset.done $0x0;
	v7 =	vmul.f32 v7, v54;
	v10 =	vmax.f32 v10, $0.0e+00;
	v6 =	vadd.f32 v8, v6  }
0xb5: {  	s31 =	simm.s32 $0x0;
	[sflag:s21] =	ssyncadd.s32 $0xFFFFC000;
	v11 =	vmin.f32 v12, $1.000000000e+00;
	v10 =	vmin.f32 v10, $1.000000000e+00;
	v12 =	vmul.f32 v15, v14  }
0xb6: {  	v13 =	vld [tilespmem:s31+$0x8000];
	v5 =	vadd.f32 v5, v7;
	v6 =	vmax.f32 v6, $0.0e+00;
	v7 =	vmul.f32 v10, v14  }
0xb7: {  	v8 =	vld [tilespmem:s31+$0x8070];
	v10 =	vmul.f32 v11, v9;
	v6 =	vmin.f32 v6, $1.000000000e+00;
	v4 =	vadd.f32 v12, v4  }
0xb8: {  	v14 =	vld [tilespmem:s31+$0x8010];
	v5 =	vadd.f32 v7, v5;
	v7 =	vmul.f32 v6, v9  }
0xb9: {  	v6 =	vld [tilespmem:s31+$0x8020];
	v4 =	vadd.f32 v10, v4  }
0xba: {  	v10 =	vld [tilespmem:s31+$0x8030];
	v5 =	vadd.f32 v5, v7  }
0xbb: {  	v40 =	vimm.bf16 $0.0e+00;
	v26 =	vld [tilespmem:s31+$0x8040];
	[tilespmem:$0x1FFA0] =	vst v4;
	v4 =	vimm.bf16 $0.0e+00  }
0xbc: {  	v41 =	vimm.bf16 $0.0e+00;
	v34 =	vimm.bf16 $0.0e+00;
	v42 =	vld [tilespmem:s31+$0x8050];
	[tilespmem:$0x1FFB0] =	vst v5;
	v5 =	vadd.bf16 v8, v4  }
0xbd: {  	s28 =	simm.s32 $0x80;
	s29 =	simm.s32 $0x400;
	v43 =	vld [tilespmem:s31+$0x8060];
	v7 =	vadd.bf16 v13, v4;
	v13 =	vadd.bf16 v14, v4;
	v8 =	vimm.bf16 $0.0e+00  }
.LBB2_8:
0xbe: {  	p0 =	sne.s32 s29, $0x7E00;
	v9 =	vld [tilespmem:s28+$0x8070];
	v4 =	vadd.bf16 v6, v4  }
0xbf: {  	v11 =	vld [tilespmem:s28+$0x8000];
	v8 =	vadd.bf16 v10, v8  }
0xc0: {  	v12 =	vld [tilespmem:s28+$0x8010];
	v41 =	vadd.bf16 v26, v41  }
.Ltmp2:
0xc1: {  	v6 =	vld [tilespmem:s28+$0x8020];
	v34 =	vadd.bf16 v42, v34;
	(pc) =	sbr.rel @p0 .LBB2_8-.Ltmp2, $4  }
0xc2: {  	v10 =	vld [tilespmem:s28+$0x8030];
	v40 =	vadd.bf16 v43, v40  }
0xc3: {  	v26 =	vld [tilespmem:s28+$0x8040];
	v5 =	vadd.bf16 v9, v5  }
0xc4: {  	v7 =	vadd.bf16 v11, v7;
	v42 =	vld [tilespmem:s28+$0x8050]  }
0xc5: {  	v13 =	vadd.bf16 v12, v13;
	v43 =	vld [tilespmem:s28+$0x8060];
	s28 =	sshra.s32 s29, $0x2;
	s29 =	sadd.s32 $0x200, s29  }
0xc6: {  	v11 =	vld [tilespmem:s28+$0x8070]  }
0xc7: {  	v44 =	vld [tilespmem:s28+$0x8000]  }
0xc8: {  	v45 =	vld [tilespmem:s28+$0x8010]  }
0xc9: {  	v46 =	vld [tilespmem:s28+$0x8020]  }
0xca: {  	v47 =	vld [tilespmem:s28+$0x8030]  }
0xcb: {  	v48 =	vld [tilespmem:s28+$0x8040]  }
0xcc: {  	v49 =	vld [tilespmem:s28+$0x8050]  }
0xcd: {  	v50 =	vld [tilespmem:s28+$0x8060]  }
0xce: {  	v38 =	vld [tilespmem:$0x10000]  }
0xcf: {  	v37 =	vld [tilespmem:$0x10080]  }
0xd0: {  	v36 =	vld [tilespmem:$0x10200]  }
0xd1: {  	v33 =	vld [tilespmem:$0x10280]  }
0xd2: {  	v35 =	vld [tilespmem:$0x10010]  }
0xd3: {  	v32 =	vld [tilespmem:$0x10090]  }
0xd4: {  	v31 =	vld [tilespmem:$0x10210]  }
0xd5: {  	v29 =	vld [tilespmem:$0x10290]  }
0xd6: {  	v30 =	vld [tilespmem:$0x10020]  }
0xd7: {  	v28 =	vld [tilespmem:$0x100A0]  }
0xd8: {  	v27 =	vld [tilespmem:$0x10220]  }
0xd9: {  	v24 =	vld [tilespmem:$0x102A0]  }
0xda: {  	v25 =	vld [tilespmem:$0x10030]  }
0xdb: {  	v23 =	vld [tilespmem:$0x100B0]  }
0xdc: {  	v22 =	vld [tilespmem:$0x10230]  }
0xdd: {  	v20 =	vld [tilespmem:$0x102B0]  }
0xde: {  	v21 =	vld [tilespmem:$0x10040]  }
0xdf: {  	v19 =	vld [tilespmem:$0x100C0]  }
0xe0: {  	v18 =	vld [tilespmem:$0x10240]  }
0xe1: {  	v16 =	vld [tilespmem:$0x102C0]  }
0xe2: {  	v17 =	vld [tilespmem:$0x10050]  }
0xe3: {  	v15 =	vld [tilespmem:$0x100D0]  }
0xe4: {  	v14 =	vld [tilespmem:$0x10250]  }
0xe5: {  	v9 =	vld [tilespmem:$0x102D0]  }
0xe6: {  	v12 =	vld [tilespmem:$0x10060]  }
0xe7: {  	v51 =	vadd.bf16 v6, v4;
	v6 =	vld [tilespmem:$0x100E0]  }
0xe8: {  	v4 =	vld [tilespmem:$0x102E0];
	v52 =	vadd.bf16 v10, v8  }
0xe9: {  	v8 =	vld [tilespmem:$0x10260];
	v26 =	vadd.bf16 v26, v41;
	v34 =	vadd.bf16 v42, v34  }
0xea: {  	s30 =	simm.s32 $0x0;
	v10 =	vld [tilespmem:$0x10070];
	v40 =	vadd.bf16 v43, v40;
	v54 =	vadd.bf16 v11, v5  }
0xeb: {  	v59 =	vld [tilespmem:s30+$0xA000];
	v11 =	vadd.bf16 v44, v7;
	v13 =	vadd.bf16 v45, v13  }
0xec: {  	v60 =	vld [tilespmem:s30+$0xA010];
	v41 =	vadd.bf16 v46, v51;
	v39 =	vadd.bf16 v47, v52  }
0xed: {  	v57 =	vimm.bf16 $0.0e+00;
	v58 =	vld [tilespmem:s30+$0xA040];
	v26 =	vadd.bf16 v48, v26;
	v34 =	vadd.bf16 v49, v34  }
0xee: {  	[tilespmem:$0x1FF60] =	vst v4;
	v4 =	vld [tilespmem:$0x10270];
	v47 =	vadd.bf16 v50, v40;
	v55 =	vunpack.i.u.bf16.f32 v11;
	v62 =	vunpack.i.l.bf16.f32 v11  }
0xef: {  	v48 =	vld [tilespmem:s30+$0xA070];
	v53 =	vunpack.i.u.bf16.f32 v13;
	v56 =	vunpack.i.l.bf16.f32 v13;
	v51 =	vunpack.i.u.bf16.f32 v41  }
0xf0: {  	v63 =	vld [tilespmem:s30+$0xA050];
	v52 =	vunpack.i.l.bf16.f32 v41;
	v46 =	vunpack.i.u.bf16.f32 v39;
	v49 =	vunpack.i.l.bf16.f32 v39  }
0xf1: {  	v44 =	vunpack.i.u.bf16.f32 v26;
	v45 =	vunpack.i.l.bf16.f32 v26;
	v42 =	vunpack.i.u.bf16.f32 v34;
	v11 =	vld [tilespmem:s30+$0xA020]  }
0xf2: {  	v43 =	vunpack.i.l.bf16.f32 v34;
	v34 =	vld [tilespmem:s30+$0xA030];
	v26 =	vimm.bf16 $0.0e+00;
	v40 =	vunpack.i.u.bf16.f32 v47  }
0xf3: {  	v61 =	vld [tilespmem:s30+$0xA060];
	v41 =	vunpack.i.l.bf16.f32 v47;
	v47 =	vadd.bf16 v60, v57;
	[tilespmem:$0x1FF70] =	vst v4;
	v4 =	vunpack.i.u.bf16.f32 v54  }
0xf4: {  	v7 =	vld [tilespmem:$0x100F0];
	v60 =	vimm.bf16 $0.0e+00;
	v50 =	vadd.bf16 v48, v57;
	[tilespmem:$0x1FF80] =	vst v4;
	v4 =	vunpack.i.l.bf16.f32 v54  }
0xf5: {  	s28 =	simm.s32 $0x80;
	s29 =	simm.s32 $0x400;
	v13 =	vld [tilespmem:$0x102F0];
	v48 =	vadd.bf16 v59, v57;
	v59 =	vimm.bf16 $0.0e+00;
	v54 =	vimm.bf16 $0.0e+00;
	[tilespmem:$0x1FF90] =	vst v4  }
.LBB2_10:
0xf6: {  	p0 =	sne.s32 s29, $0x7E00;
	v39 =	vld [tilespmem:s28+$0xA070];
	v57 =	vadd.bf16 v11, v57  }
0xf7: {  	v4 =	vld [tilespmem:s28+$0xA000];
	v26 =	vadd.bf16 v34, v26  }
0xf8: {  	v5 =	vld [tilespmem:s28+$0xA010];
	v59 =	vadd.bf16 v58, v59  }
.Ltmp3:
0xf9: {  	v11 =	vld [tilespmem:s28+$0xA020];
	v60 =	vadd.bf16 v63, v60;
	(pc) =	sbr.rel @p0 .LBB2_10-.Ltmp3, $4  }
0xfa: {  	v34 =	vld [tilespmem:s28+$0xA030];
	v54 =	vadd.bf16 v61, v54  }
0xfb: {  	v58 =	vld [tilespmem:s28+$0xA040];
	v50 =	vadd.bf16 v39, v50  }
0xfc: {  	v48 =	vadd.bf16 v4, v48;
	v63 =	vld [tilespmem:s28+$0xA050]  }
0xfd: {  	v47 =	vadd.bf16 v5, v47;
	v61 =	vld [tilespmem:s28+$0xA060];
	s28 =	sshra.s32 s29, $0x2;
	s29 =	sadd.s32 $0x200, s29  }
0xfe: {  	v4 =	vadd.f32 v38, v62;
	v5 =	vadd.f32 v37, v55  }
0xff: {  	v39 =	vadd.f32 v35, v56;
	v53 =	vadd.f32 v32, v53  }
0x100: {  	v52 =	vadd.f32 v30, v52;
	v11 =	vadd.bf16 v11, v57  }
0x101: {  	v51 =	vadd.f32 v28, v51;
	v49 =	vadd.f32 v25, v49  }
0x102: {  	v46 =	vadd.f32 v23, v46;
	v45 =	vadd.f32 v21, v45  }
0x103: {  	v44 =	vadd.f32 v19, v44;
	v43 =	vadd.f32 v17, v43  }
0x104: {  	v42 =	vadd.f32 v15, v42;
	v41 =	vadd.f32 v12, v41  }
0x105: {  	v62 =	vld [tilespmem:$0x1FFA0];
	v26 =	vadd.bf16 v34, v26;
	v4 =	vmax.f32 v4, $0.0e+00;
	v5 =	vmax.f32 v5, $0.0e+00  }
0x106: {  	v39 =	vmax.f32 v39, $0.0e+00;
	v56 =	vmax.f32 v52, $0.0e+00;
	v57 =	vmax.f32 v51, $0.0e+00  }
0x107: {  	v34 =	vld [tilespmem:s28+$0xA000];
	v46 =	vmax.f32 v46, $0.0e+00;
	v45 =	vmax.f32 v45, $0.0e+00;
	v4 =	vmin.f32 v4, $1.000000000e+00  }
0x108: {  	v51 =	vld [tilespmem:s28+$0xA010];
	v43 =	vmax.f32 v43, $0.0e+00;
	v42 =	vmax.f32 v42, $0.0e+00;
	v4 =	vmul.f32 v4, v36  }
0x109: {  	v5 =	vmin.f32 v5, $1.000000000e+00;
	v39 =	vmin.f32 v39, $1.000000000e+00;
	v55 =	vadd.bf16 v63, v60  }
0x10a: {  	v60 =	vld [tilespmem:s28+$0xA030];
	v46 =	vmin.f32 v46, $1.000000000e+00;
	v5 =	vmul.f32 v5, v33;
	v4 =	vadd.f32 v4, v62  }
0x10b: {  	v45 =	vmin.f32 v45, $1.000000000e+00;
	v39 =	vmul.f32 v39, v31;
	v54 =	vadd.bf16 v61, v54  }
0x10c: {  	v34 =	vadd.bf16 v34, v48;
	v4 =	vadd.f32 v5, v4;
	v5 =	vmax.f32 v53, $0.0e+00  }
0x10d: {  	v47 =	vadd.bf16 v51, v47;
	v53 =	vadd.bf16 v58, v59;
	v5 =	vmin.f32 v5, $1.000000000e+00  }
0x10e: {  	v52 =	vld [tilespmem:s28+$0xA070];
	v59 =	vmax.f32 v49, $0.0e+00;
	v4 =	vadd.f32 v39, v4;
	v5 =	vmul.f32 v5, v29  }
0x10f: {  	v63 =	vld [tilespmem:s28+$0xA040];
	v48 =	vmax.f32 v41, $0.0e+00;
	v26 =	vadd.bf16 v60, v26;
	v62 =	vmin.f32 v59, $1.000000000e+00  }
0x110: {  	v59 =	vunpack.i.l.bf16.f32 v47;
	v4 =	vadd.f32 v5, v4;
	v5 =	vmin.f32 v56, $1.000000000e+00  }
0x111: {  	v39 =	vmin.f32 v57, $1.000000000e+00;
	v57 =	vmin.f32 v42, $1.000000000e+00;
	v5 =	vmul.f32 v5, v27  }
0x112: {  	v60 =	vadd.f32 v59, v35;
	v61 =	vmul.f32 v57, v9;
	v57 =	vunpack.i.u.bf16.f32 v26  }
0x113: {  	v56 =	vld [tilespmem:s28+$0xA020];
	v59 =	vadd.f32 v57, v23;
	v4 =	vadd.f32 v5, v4;
	v5 =	vmul.f32 v39, v24  }
0x114: {  	v39 =	vadd.bf16 v52, v50;
	v52 =	vmul.f32 v45, v18;
	v45 =	vadd.bf16 v63, v53  }
0x115: {  	v53 =	vunpack.i.l.bf16.f32 v34;
	v4 =	vadd.f32 v5, v4;
	v5 =	vmul.f32 v62, v22  }
0x116: {  	v34 =	vunpack.i.u.bf16.f32 v34;
	v63 =	vunpack.i.u.bf16.f32 v47;
	v50 =	vadd.f32 v6, v40  }
0x117: {  	v34 =	vadd.f32 v34, v37;
	v4 =	vadd.f32 v5, v4;
	v5 =	vmul.f32 v46, v20  }
0x118: {  	v23 =	vmax.f32 v59, $0.0e+00;
	v42 =	vadd.f32 v63, v32;
	v11 =	vadd.bf16 v56, v11  }
0x119: {  	v56 =	vadd.f32 v53, v38;
	v4 =	vadd.f32 v5, v4;
	v5 =	vmax.f32 v44, $0.0e+00  }
0x11a: {  	v53 =	vmin.f32 v48, $1.000000000e+00;
	v57 =	vunpack.i.u.bf16.f32 v39;
	v5 =	vmin.f32 v5, $1.000000000e+00  }
0x11b: {  	v32 =	vmax.f32 v42, $0.0e+00;
	v4 =	vadd.f32 v52, v4;
	v5 =	vmul.f32 v5, v16  }
0x11c: {  	v38 =	vmax.f32 v56, $0.0e+00;
	v46 =	vunpack.i.l.bf16.f32 v11;
	v32 =	vmin.f32 v32, $1.000000000e+00  }
0x11d: {  	v62 =	vld [tilespmem:$0x1FFB0];
	v11 =	vunpack.i.u.bf16.f32 v11;
	v4 =	vadd.f32 v5, v4;
	v5 =	vmin.f32 v43, $1.000000000e+00  }
0x11e: {  	v51 =	vld [tilespmem:s28+$0xA050];
	v56 =	vmax.f32 v50, $0.0e+00;
	v38 =	vmin.f32 v38, $1.000000000e+00;
	v5 =	vmul.f32 v5, v14  }
0x11f: {  	v47 =	vadd.f32 v46, v30;
	v49 =	vmul.f32 v32, v29;
	v11 =	vadd.f32 v11, v28  }
0x120: {  	v58 =	vmul.f32 v38, v36;
	v4 =	vadd.f32 v5, v4;
	v5 =	vmax.f32 v34, $0.0e+00  }
0x121: {  	v63 =	vmin.f32 v56, $1.000000000e+00;
	v29 =	vmin.f32 v23, $1.000000000e+00;
	v5 =	vmin.f32 v5, $1.000000000e+00  }
0x122: {  	v36 =	vadd.f32 v58, v62;
	v34 =	vmax.f32 v60, $0.0e+00;
	v5 =	vmul.f32 v5, v33  }
0x123: {  	v44 =	vadd.bf16 v51, v55;
	v30 =	vmax.f32 v47, $0.0e+00;
	v34 =	vmin.f32 v34, $1.000000000e+00  }
0x124: {  	v11 =	vmax.f32 v11, $0.0e+00;
	v62 =	vld [tilespmem:s28+$0xA060];
	v43 =	vmul.f32 v34, v31;
	v5 =	vadd.f32 v36, v5  }
0x125: {  	v30 =	vmin.f32 v30, $1.000000000e+00;
	v52 =	vunpack.i.l.bf16.f32 v26;
	v11 =	vmin.f32 v11, $1.000000000e+00  }
0x126: {  	v58 =	vmul.f32 v53, v8;
	v55 =	vadd.f32 v52, v25;
	v5 =	vadd.f32 v43, v5  }
0x127: {  	v42 =	vunpack.i.u.bf16.f32 v44;
	v51 =	vmul.f32 v30, v27;
	v11 =	vmul.f32 v11, v24  }
0x128: {  	v32 =	vld [tilespmem:$0x1FF60];
	v30 =	vmul.f32 v29, v20;
	v25 =	vmax.f32 v55, $0.0e+00;
	v5 =	vadd.f32 v5, v49  }
0x129: {  	v55 =	vunpack.i.l.bf16.f32 v39;
	v25 =	vmin.f32 v25, $1.000000000e+00;
	v37 =	vadd.bf16 v62, v54  }
0x12a: {  	v4 =	vadd.f32 v61, v4;
	v61 =	vunpack.i.l.bf16.f32 v45;
	v5 =	vadd.f32 v51, v5  }
0x12b: {  	v60 =	vmul.f32 v25, v22;
	v31 =	vunpack.i.u.bf16.f32 v45;
	v28 =	vadd.f32 v61, v21  }
0x12c: {  	v46 =	vunpack.i.l.bf16.f32 v37;
	v34 =	vadd.f32 v31, v19;
	v5 =	vadd.f32 v5, v11  }
0x12d: {  	v33 =	vmul.f32 v63, v32;
	v48 =	vadd.f32 v46, v12;
	v4 =	vadd.f32 v58, v4  }
0x12e: {  	v36 =	vunpack.i.l.bf16.f32 v44;
	v21 =	vmax.f32 v28, $0.0e+00;
	v5 =	vadd.f32 v60, v5  }
0x12f: {  	v44 =	vadd.f32 v42, v15;
	v19 =	vmax.f32 v34, $0.0e+00;
	v21 =	vmin.f32 v21, $1.000000000e+00  }
0x130: {  	v38 =	vadd.f32 v36, v17;
	v35 =	vmul.f32 v21, v18;
	v5 =	vadd.f32 v5, v30  }
0x131: {  	v58 =	vadd.f32 v57, v7;
	v12 =	vmax.f32 v48, $0.0e+00;
	v40 =	vmin.f32 v19, $1.000000000e+00  }
0x132: {  	v43 =	vld [tilespmem:$0x1FF90];
	v41 =	vmul.f32 v40, v16;
	v17 =	vmax.f32 v38, $0.0e+00;
	v5 =	vadd.f32 v35, v5  }
0x133: {  	v52 =	vld [tilespmem:$0x1FF80];
	v4 =	vadd.f32 v33, v4;
	v15 =	vmax.f32 v44, $0.0e+00;
	v17 =	vmin.f32 v17, $1.000000000e+00  }
0x134: {  	v12 =	vmin.f32 v12, $1.000000000e+00;
	v45 =	vmul.f32 v17, v14;
	v5 =	vadd.f32 v5, v41  }
0x135: {  	v62 =	vmax.f32 v58, $0.0e+00;
	v15 =	vmin.f32 v15, $1.000000000e+00;
	v51 =	vunpack.i.u.bf16.f32 v37  }
0x136: {  	v50 =	vmul.f32 v15, v9;
	v53 =	vadd.f32 v51, v6;
	v60 =	vld [tilespmem:$0x1FF70];
	v5 =	vadd.f32 v45, v5  }
0x137: {  	v54 =	vmul.f32 v12, v8;
	v9 =	vadd.f32 v55, v10;
	v18 =	vadd.f32 v10, v43  }
0x138: {  	v15 =	vadd.f32 v7, v52;
	v6 =	vmax.f32 v53, $0.0e+00;
	v5 =	vadd.f32 v5, v50  }
0x139: {  	v9 =	vmax.f32 v9, $0.0e+00;
	v47 =	vmax.f32 v18, $0.0e+00;
	v6 =	vmin.f32 v6, $1.000000000e+00  }
0x13a: {  	v49 =	vmin.f32 v47, $1.000000000e+00;
	v6 =	vmul.f32 v6, v32;
	v5 =	vadd.f32 v54, v5  }
0x13b: {  	v56 =	vmax.f32 v15, $0.0e+00;
	v9 =	vmin.f32 v9, $1.000000000e+00;
	v61 =	vmul.f32 v49, v60  }
0x13c: {  	s31 =	sshll.u32 s26, $0x8;
	s26 =	sadd.s32 $0x1, s26;
	v59 =	vmin.f32 v56, $1.000000000e+00;
	v63 =	vmul.f32 v9, v60;
	v5 =	vadd.f32 v5, v6  }
0x13d: {  	p0 =	sne.s32 s26, $0x40;
	v8 =	vmul.f32 v59, v13;
	v4 =	vadd.f32 v61, v4;
	v6 =	vmin.f32 v62, $1.000000000e+00  }
.Ltmp4:
0x13e: {  	v6 =	vmul.f32 v6, v13;
	v5 =	vadd.f32 v63, v5;
	(pc) =	sbr.rel @p0 .LBB2_3-.Ltmp4, $4  }
0x13f: {  	v4 =	vadd.f32 v8, v4  }
0x140: {  	s28 =	sand.u32 $0x3FFFFF00, s31;
	v5 =	vadd.f32 v5, v6  }
0x141: {  	[tilespmem:s28+$0xC000] =	vst v4  }
0x142: {  	[tilespmem:s28+$0xC080] =	vst v5  }
0x143: {  	s28 =	simm.s32 $0xC400  }
0x144: {  	v4 =	vld [tilespmem:s28+$0x380]  }
0x145: {  	v5 =	vld [tilespmem:s28+$0x300]  }
0x146: {  	v6 =	vld [tilespmem:s28+$0x280];
	_ =	sdelay $0x1  }
0x147: {  	v7 =	vld [tilespmem:s28+$0x200];
	_ =	sdelay $0x1  }
0x148: {  	v8 =	vperm.xlane v4, v0  }
0x149: {  	v9 =	vperm.xlane v5, v0;
	v10 =	vperm.xlane v6, v0  }
0x14a: {  	v4 =	vadd.f32 v8, v4  }
0x14b: {  	v5 =	vadd.f32 v9, v5;
	v8 =	vperm.xlane v7, v0;
	v6 =	vadd.f32 v10, v6;
	v10 =	vld [tilespmem:s28+$0x180]  }
0x14c: {  	v12 =	vld [tilespmem:s28+$0x100];
	v9 =	vperm.xlane v4, v1  }
0x14d: {  	v14 =	vld [tilespmem:s28+$0xFFFFFF80];
	v11 =	vperm.xlane v5, v1;
	v7 =	vadd.f32 v8, v7;
	v8 =	vperm.xlane v6, v1  }
0x14e: {  	v4 =	vadd.f32 v9, v4;
	v9 =	vld [tilespmem:s28+$0x80]  }
0x14f: {  	v5 =	vadd.f32 v11, v5;
	v11 =	vld [tilespmem:s28+$0x0];
	v13 =	vperm.xlane v7, v1;
	v6 =	vadd.f32 v8, v6  }
0x150: {  	v17 =	vperm.xlane v10, v0;
	v8 =	vperm.xlane v4, v2  }
0x151: {  	v15 =	vperm.xlane v5, v2;
	v7 =	vadd.f32 v13, v7;
	v13 =	vperm.xlane v6, v2  }
0x152: {  	v16 =	vld [tilespmem:s28+$0xFFFFFF00];
	v10 =	vadd.f32 v17, v10;
	v4 =	vadd.f32 v8, v4;
	v8 =	vperm.xlane v12, v0  }
0x153: {  	v17 =	vperm.xlane v14, v0;
	v5 =	vadd.f32 v15, v5;
	v15 =	vperm.xlane v9, v0  }
0x154: {  	v6 =	vadd.f32 v13, v6;
	v13 =	vperm.xlane v11, v0;
	v12 =	vadd.f32 v8, v12  }
0x155: {  	v18 =	vperm.xlane v7, v2;
	v14 =	vadd.f32 v17, v14;
	v19 =	vadd.f32 v15, v9  }
0x156: {  	v11 =	vadd.f32 v13, v11;
	v15 =	vperm.xlane v10, v1;
	v13 =	vperm.xlane v12, v1  }
0x157: {  	v7 =	vadd.f32 v18, v7;
	v8 =	vld [tilespmem:s28+$0xFFFFFE80];
	v18 =	vperm.xlane v16, v0;
	v20 =	vperm.xlane v19, v1  }
0x158: {  	v9 =	vld [tilespmem:s28+$0xFFFFFC00];
	v17 =	vperm.xlane v11, v1;
	v12 =	vadd.f32 v13, v12;
	v13 =	vadd.f32 v15, v10  }
0x159: {  	s26 =	simm.s32 $0x0;
	s29 =	simm.s32 $0x40;
	v10 =	vld [tilespmem:s28+$0xFFFFFC80];
	v15 =	vadd.f32 v18, v16;
	v18 =	vperm.xlane v14, v1;
	v16 =	vadd.f32 v20, v19  }
.LBB2_13:
0x15a: {  	p0 =	sne.s32 s29, $0x1C0;
	v19 =	vld [tilespmem:s28+$0xFFFFFD00];
	v11 =	vadd.f32 v17, v11;
	v17 =	vperm.xlane v12, v2;
	v20 =	vperm.xlane v13, v2  }
0x15b: {  	v21 =	vld [tilespmem:s28+$0xFFFFFD80];
	v22 =	vperm.xlane v15, v1;
	v14 =	vadd.f32 v18, v14;
	v18 =	vperm.xlane v16, v2  }
0x15c: {  	v23 =	vld [tilespmem:s28+$0xFFFFFE00];
	v24 =	vperm.xlane v11, v2;
	v12 =	vadd.f32 v17, v12;
	v13 =	vadd.f32 v20, v13  }
0x15d: {  	v15 =	vadd.f32 v22, v15;
	v17 =	vperm.xlane v14, v2;
	v16 =	vadd.f32 v18, v16  }
0x15e: {  	v18 =	vperm.xlane v9, v0;
	v20 =	vperm.xlane v10, v0;
	v11 =	vadd.f32 v24, v11  }
0x15f: {  	v22 =	vperm.xlane v19, v0;
	v24 =	vperm.xlane v15, v2;
	v14 =	vadd.f32 v17, v14  }
0x160: {  	v9 =	vadd.f32 v18, v9;
	v10 =	vadd.f32 v20, v10;
	v17 =	vperm.xlane v21, v0  }
0x161: {  	v20 =	vperm.xlane v8, v0;
	v18 =	vadd.f32 v22, v19;
	v19 =	vperm.xlane v23, v0  }
0x162: {  	v22 =	vperm.xlane v9, v1;
	v25 =	vperm.xlane v10, v1;
	v17 =	vadd.f32 v17, v21  }
0x163: {  	v8 =	vadd.f32 v20, v8;
	v21 =	vperm.xlane v18, v1;
	v19 =	vadd.f32 v19, v23  }
0x164: {  	v9 =	vadd.f32 v22, v9;
	v10 =	vadd.f32 v25, v10;
	v20 =	vperm.xlane v17, v1  }
0x165: {  	v22 =	vperm.xlane v8, v1;
	v18 =	vadd.f32 v21, v18;
	v21 =	vperm.xlane v19, v1  }
0x166: {  	v23 =	vperm.xlane v9, v2;
	v25 =	vperm.xlane v10, v2;
	v17 =	vadd.f32 v20, v17  }
0x167: {  	v8 =	vadd.f32 v22, v8;
	v20 =	vperm.xlane v18, v2;
	v19 =	vadd.f32 v21, v19  }
0x168: {  	v9 =	vadd.f32 v23, v9;
	v10 =	vadd.f32 v25, v10;
	v21 =	vperm.xlane v17, v2  }
0x169: {  	v22 =	vperm.xlane v8, v2;
	v18 =	vadd.f32 v20, v18;
	v20 =	vperm.xlane v19, v2  }
0x16a: {  	v23 =	vperm.xlane v9, v3;
	v25 =	vperm.xlane v10, v3;
	v17 =	vadd.f32 v21, v17  }
0x16b: {  	v8 =	vadd.f32 v22, v8;
	v21 =	vperm.xlane v18, v3;
	v19 =	vadd.f32 v20, v19  }
0x16c: {  	v9 =	vadd.f32 v23, v9;
	v10 =	vadd.f32 v25, v10;
	v20 =	vperm.xlane v17, v3  }
0x16d: {  	v15 =	vadd.f32 v24, v15;
	v18 =	vadd.f32 v21, v18;
	v21 =	vperm.xlane v19, v3  }
0x16e: {  	v9 =	vsel vm11, v9, v10;
	v10 =	vadd.f32 v20, v17;
	v17 =	vperm.xlane v8, v3  }
0x16f: {  	v9 =	vsel vm10, v9, v18;
	v18 =	vadd.f32 v21, v19;
	v19 =	vperm.xlane v15, v3  }
0x170: {  	v9 =	vsel vm9, v9, v10;
	v8 =	vadd.f32 v17, v8;
	v10 =	vperm.xlane v14, v3  }
0x171: {  	v17 =	vperm.xlane v11, v3;
	v9 =	vsel vm8, v9, v18;
	v15 =	vadd.f32 v19, v15  }
0x172: {  	v8 =	vsel vm7, v9, v8;
	v9 =	vadd.f32 v10, v14;
	v10 =	vperm.xlane v16, v3  }
0x173: {  	v11 =	vadd.f32 v17, v11;
	v14 =	vperm.xlane v12, v3;
	v8 =	vsel vm6, v8, v15  }
0x174: {  	v8 =	vsel vm5, v8, v9;
	v9 =	vadd.f32 v10, v16;
	v10 =	vperm.xlane v13, v3  }
0x175: {  	v8 =	vsel vm4, v8, v11;
	v11 =	vadd.f32 v14, v12;
	v12 =	vperm.xlane v7, v3  }
0x176: {  	v8 =	vsel vm3, v8, v9;
	v9 =	vadd.f32 v10, v13;
	v10 =	vperm.xlane v6, v3  }
0x177: {  	v8 =	vsel vm2, v8, v11;
	v7 =	vadd.f32 v12, v7;
	v11 =	vperm.xlane v5, v3  }
0x178: {  	v8 =	vsel vm1, v8, v9;
	v6 =	vadd.f32 v10, v6;
	v9 =	vperm.xlane v4, v3;
	v10 =	vld [tilespmem:$0x10300]  }
0x179: {  	v7 =	vsel vm0, v8, v7;
	v5 =	vadd.f32 v11, v5  }
0x17a: {  	v6 =	vsel vm12, v7, v6;
	v4 =	vadd.f32 v9, v4  }
0x17b: {  	v5 =	vsel vm13, v6, v5  }
0x17c: {  	v4 =	vsel vm14, v5, v4  }
0x17d: {  	v4 =	vadd.f32 v4, v10;
	_ =	sdelay $0x1  }
0x17e: {  	v4 =	vsub.f32 $0.0e+00, v4;
	_ =	sdelay $0x1  }
0x17f: {  	v4 =	vmul.f32 $1.442695020e+00, v4;
	_ =	sdelay $0x1  }
0x180: {  	(erf) = vpow2.f32 v4;
	_ =	sdelay $0x8  }
0x181: {  	v4 =	vpop (erf)  }
0x182: {  	v4 =	vadd.f32 $1.000000000e+00, v4;
	_ =	sdelay $0x1  }
0x183: {  	(erf) = vrcp.f32 v4;
	_ =	sdelay $0x8  }
0x184: {  	s30 =	sshra.s32 s26, $0x2;
	s26 =	smov.u32 s29;
	v4 =	vpop (erf)  }
0x185: {  	s28 =	sadd.s32 $0x800, s28;
	[tilespmem:s30+$0x10380] =	vst v4  }
0x186: {  	v4 =	vld [tilespmem:s28+$0x380]  }
0x187: {  	v5 =	vld [tilespmem:s28+$0x300]  }
0x188: {  	v6 =	vld [tilespmem:s28+$0x280];
	_ =	sdelay $0x1  }
0x189: {  	v7 =	vld [tilespmem:s28+$0x200]  }
0x18a: {  	v8 =	vperm.xlane v4, v0  }
0x18b: {  	v9 =	vperm.xlane v5, v0  }
0x18c: {  	v10 =	vperm.xlane v6, v0;
	v4 =	vadd.f32 v8, v4  }
0x18d: {  	v5 =	vadd.f32 v9, v5  }
0x18e: {  	v8 =	vperm.xlane v7, v0;
	v6 =	vadd.f32 v10, v6;
	v9 =	vperm.xlane v4, v1  }
0x18f: {  	v10 =	vld [tilespmem:s28+$0x180];
	v11 =	vperm.xlane v5, v1  }
0x190: {  	v12 =	vld [tilespmem:s28+$0x100];
	v7 =	vadd.f32 v8, v7;
	v8 =	vperm.xlane v6, v1;
	v4 =	vadd.f32 v9, v4  }
0x191: {  	v9 =	vld [tilespmem:s28+$0x80];
	v5 =	vadd.f32 v11, v5  }
0x192: {  	v11 =	vld [tilespmem:s28+$0x0];
	v13 =	vperm.xlane v7, v1;
	v6 =	vadd.f32 v8, v6;
	v8 =	vperm.xlane v4, v2  }
0x193: {  	v14 =	vld [tilespmem:s28+$0xFFFFFF80];
	v15 =	vperm.xlane v5, v2  }
0x194: {  	v7 =	vadd.f32 v13, v7;
	v13 =	vperm.xlane v6, v2;
	v4 =	vadd.f32 v8, v4  }
0x195: {  	v17 =	vperm.xlane v10, v0;
	v16 =	vld [tilespmem:s28+$0xFFFFFF00];
	v8 =	vperm.xlane v12, v0;
	v5 =	vadd.f32 v15, v5  }
0x196: {  	v15 =	vperm.xlane v9, v0;
	v18 =	vperm.xlane v7, v2;
	v6 =	vadd.f32 v13, v6  }
0x197: {  	v10 =	vadd.f32 v17, v10;
	v13 =	vperm.xlane v11, v0;
	v12 =	vadd.f32 v8, v12  }
.Ltmp5:
0x198: {  	v17 =	vperm.xlane v14, v0;
	v19 =	vadd.f32 v15, v9;
	v7 =	vadd.f32 v18, v7;
	(pc) =	sbr.rel @p0 .LBB2_13-.Ltmp5, $4  }
0x199: {  	v15 =	vperm.xlane v10, v1;
	v11 =	vadd.f32 v13, v11;
	v13 =	vperm.xlane v12, v1  }
0x19a: {  	v8 =	vld [tilespmem:s28+$0xFFFFFE80];
	v18 =	vperm.xlane v16, v0;
	v14 =	vadd.f32 v17, v14;
	v20 =	vperm.xlane v19, v1  }
0x19b: {  	v9 =	vld [tilespmem:s28+$0xFFFFFC00];
	v17 =	vperm.xlane v11, v1;
	v12 =	vadd.f32 v13, v12;
	v13 =	vadd.f32 v15, v10  }
0x19c: {  	s29 =	sadd.s32 $0x40, s29;
	v10 =	vld [tilespmem:s28+$0xFFFFFC80];
	v15 =	vadd.f32 v18, v16;
	v18 =	vperm.xlane v14, v1;
	v16 =	vadd.f32 v20, v19  }
0x19d: {  	v19 =	vld [tilespmem:s28+$0xFFFFFD00];
	v11 =	vadd.f32 v17, v11;
	v59 =	vperm.xlane v12, v2;
	v20 =	vperm.xlane v13, v2  }
0x19e: {  	v21 =	vld [tilespmem:s28+$0xFFFFFD80];
	v22 =	vperm.xlane v15, v1;
	v14 =	vadd.f32 v18, v14;
	v60 =	vperm.xlane v16, v2  }
0x19f: {  	v23 =	vld [tilespmem:s28+$0xFFFFFE00];
	v24 =	vperm.xlane v11, v2;
	v12 =	vadd.f32 v59, v12;
	v13 =	vadd.f32 v20, v13  }
0x1a0: {  	v33 =	vperm.xlane v8, v0;
	v15 =	vadd.f32 v22, v15;
	v61 =	vperm.xlane v14, v2  }
0x1a1: {  	v16 =	vadd.f32 v60, v16;
	v62 =	vperm.xlane v9, v0;
	v63 =	vperm.xlane v10, v0  }
0x1a2: {  	v11 =	vadd.f32 v24, v11;
	v8 =	vadd.f32 v33, v8;
	v28 =	vperm.xlane v19, v0  }
0x1a3: {  	v9 =	vadd.f32 v62, v9;
	v30 =	vperm.xlane v21, v0;
	v10 =	vadd.f32 v63, v10  }
0x1a4: {  	v29 =	vperm.xlane v15, v2;
	v32 =	vperm.xlane v23, v0;
	v31 =	vadd.f32 v28, v19  }
0x1a5: {  	v34 =	vperm.xlane v9, v1;
	v17 =	vadd.f32 v30, v21;
	v25 =	vperm.xlane v10, v1  }
0x1a6: {  	v14 =	vadd.f32 v61, v14;
	v19 =	vadd.f32 v32, v23;
	v35 =	vperm.xlane v31, v1  }
0x1a7: {  	v9 =	vadd.f32 v34, v9;
	v36 =	vperm.xlane v17, v1;
	v10 =	vadd.f32 v25, v10  }
0x1a8: {  	v38 =	vperm.xlane v8, v1;
	v37 =	vperm.xlane v19, v1;
	v18 =	vadd.f32 v35, v31  }
0x1a9: {  	v39 =	vperm.xlane v9, v2;
	v17 =	vadd.f32 v36, v17;
	v25 =	vperm.xlane v10, v2  }
0x1aa: {  	v8 =	vadd.f32 v38, v8;
	v19 =	vadd.f32 v37, v19;
	v40 =	vperm.xlane v18, v2  }
0x1ab: {  	v9 =	vadd.f32 v39, v9;
	v41 =	vperm.xlane v17, v2;
	v10 =	vadd.f32 v25, v10  }
0x1ac: {  	v22 =	vperm.xlane v8, v2;
	v42 =	vperm.xlane v19, v2;
	v18 =	vadd.f32 v40, v18  }
0x1ad: {  	v23 =	vperm.xlane v9, v3;
	v17 =	vadd.f32 v41, v17;
	v25 =	vperm.xlane v10, v3  }
0x1ae: {  	v8 =	vadd.f32 v22, v8;
	v19 =	vadd.f32 v42, v19;
	v43 =	vperm.xlane v18, v3  }
0x1af: {  	v9 =	vadd.f32 v23, v9;
	v44 =	vperm.xlane v17, v3;
	v10 =	vadd.f32 v25, v10  }
0x1b0: {  	v15 =	vadd.f32 v29, v15;
	v45 =	vperm.xlane v19, v3;
	v18 =	vadd.f32 v43, v18  }
0x1b1: {  	v47 =	vperm.xlane v8, v3;
	v46 =	vadd.f32 v44, v17;
	v9 =	vsel vm11, v9, v10  }
0x1b2: {  	v49 =	vperm.xlane v15, v3;
	v48 =	vadd.f32 v45, v19;
	v9 =	vsel vm10, v9, v18  }
0x1b3: {  	v50 =	vperm.xlane v14, v3;
	v8 =	vadd.f32 v47, v8;
	v9 =	vsel vm9, v9, v46  }
0x1b4: {  	v51 =	vperm.xlane v11, v3;
	v15 =	vadd.f32 v49, v15;
	v9 =	vsel vm8, v9, v48  }
0x1b5: {  	v53 =	vperm.xlane v16, v3;
	v52 =	vadd.f32 v50, v14;
	v8 =	vsel vm7, v9, v8  }
0x1b6: {  	v54 =	vperm.xlane v12, v3;
	v11 =	vadd.f32 v51, v11;
	v8 =	vsel vm6, v8, v15  }
0x1b7: {  	v56 =	vperm.xlane v13, v3;
	v55 =	vadd.f32 v53, v16;
	v8 =	vsel vm5, v8, v52  }
0x1b8: {  	v58 =	vperm.xlane v7, v3;
	v57 =	vadd.f32 v54, v12;
	v8 =	vsel vm4, v8, v11  }
0x1b9: {  	v60 =	vperm.xlane v6, v3;
	v59 =	vadd.f32 v56, v13;
	v8 =	vsel vm3, v8, v55  }
0x1ba: {  	v7 =	vadd.f32 v58, v7;
	v61 =	vperm.xlane v5, v3;
	v8 =	vsel vm2, v8, v57  }
0x1bb: {  	v6 =	vadd.f32 v60, v6;
	v62 =	vperm.xlane v4, v3;
	v63 =	vld [tilespmem:$0x10300];
	v8 =	vsel vm1, v8, v59  }
0x1bc: {  	v5 =	vadd.f32 v61, v5;
	v7 =	vsel vm0, v8, v7  }
0x1bd: {  	v4 =	vadd.f32 v62, v4;
	v6 =	vsel vm12, v7, v6  }
0x1be: {  	v5 =	vsel vm13, v6, v5  }
0x1bf: {  	v4 =	vsel vm14, v5, v4  }
0x1c0: {  	v4 =	vadd.f32 v4, v63;
	_ =	sdelay $0x1  }
0x1c1: {  	v4 =	vsub.f32 $0.0e+00, v4;
	_ =	sdelay $0x1  }
0x1c2: {  	v4 =	vmul.f32 $1.442695020e+00, v4;
	_ =	sdelay $0x1  }
0x1c3: {  	(erf) = vpow2.f32 v4;
	_ =	sdelay $0x8  }
0x1c4: {  	v4 =	vpop (erf)  }
0x1c5: {  	v4 =	vadd.f32 $1.000000000e+00, v4;
	_ =	sdelay $0x1  }
0x1c6: {  	(erf) = vrcp.f32 v4;
	_ =	sdelay $0x7  }
0x1c7: {  	s24 =	sadd.s32 $0x1, s24  }
0x1c8: {  	s26 =	sshra.s32 s26, $0x2;
	s25 =	sshrl.u32 s25, $0x3;
	p0 =	sne.s32 s24, $0x4;
	v4 =	vpop (erf)  }
.Ltmp6:
0x1c9: {  	s25 =	sadd.s32 s2, s25;
	[tilespmem:s26+$0x10380] =	vst v4;
	(pc) =	sbr.rel @p0 .LBB2_2-.Ltmp6, $4  }
0x1ca: {  	[hbm4b:s25+s3] =	stream.linear.scatter [tilespmem:s22], [sflag:$0x3], $0x80, $0x38;
	[tilespmem:$0x10400] =	vst v63  }
0x1cb: {  	_ =	swait.ge [sflag:s13], $0x80  }
0x1cc: {  	[sflag:s13] =	ssyncset.done $0x0  }
0x1cd: {  	[sflag:s13] =	ssyncadd.s32 $0xFFFFFF80  }
0x1ce: {  	s23 =	sadd.s32 $0x1, s23  }
0x1cf: {  	p0 =	sne.s32 s23, s11  }
.Ltmp7:
0x1d0: {  	_ = 	snop;
	(pc) =	sbr.rel @p0 .LBB2_1-.Ltmp7, $1  }
0x1d1: {  	_ =	sdelay $0x3  }
0x1d2: {  	_ =	sfence.sel $0x180000  }
0x1d3: {  	[bflag:$0x0] =	sbarrier.arrive $0xFFFF  }
0x1d4: {  	p0 =	sne.s32 s7, $0x0;
	_ =	strace $0x9000004A  }
0x1d5: {  	s0 =	sadd.s32 @!p0 $0x100000, s0;
	[bflag:$0x2] =	sbarrier.arrive $0xFFFF  }
0x1d6: {  	[sflag:s0] =	ssyncadd.tile.s32 @!p0 $0x1;
	_ =	shalt  }
.Lfunc_end2:
_tile_overlayer_lowered:
.L_overlay_start_2:
0x1d7: {  	(tag) =	ssettag $0x2  }
0x1d8: {  	s0 =	rddreg [dreg:$0x0];
	s2 =	stileid.u32  }
0x1d9: {  	s1 =	rddreg [dreg:$0x1];
	p0 =	sne.s32 s2, $0x0  }
0x1da: {  	s3 =	rddreg [dreg:$0x2];
	[bflag:$0x3] =	sbarrier.arrive $0xFFFF;
	s2 =	simm.s32 @!p0 $0x1C03  }
0x1db: {  	[timem:s3], [sflag:s2] =	dma.local @!p0 [hbm:s0], s1  }
0x1dc: {  	s0 =	simm.s32 @!p0 $0x3  }
0x1dd: {  	_ =	swait.ge @!p0 [sflag:s0], s1  }
0x1de: {  	s1 =	ssub.s32 @!p0 $0x0, s1;
	[sflag:s0] =	ssyncset.done @!p0 $0x0  }
0x1df: {  	[sflag:s0] =	ssyncadd.s32 @!p0 s1  }
0x1e0: {  	[bflag:$0x3] =	sbarrier.arrive $0xFFFF  }
0x1e1: {  	_ =	shalt  }

// kernel: sparse-core-data-format-call.cloned.1.call-start
scs
called_computation_lowered:
.L_overlay_start_0:
0x0: {  	s1 =	sld [smem:$0x3FD9]  }
0x1: {  	s2 =	sld [smem:$0x3FFE];
	_ =	sdelay $0x1  }
0x2: {  	s3 =	srdreg.scid  }
0x3: {  	s0 =	sand.u32 $0x1, s3  }
0x4: {  	s17 =	sshll.u32 s0, $0xA;
	s1 =	sadd.s32 s2, s1  }
0x5: {  	s1 =	sadd.s32 s1, s17  }
0x6: {  	[smem:$0x3FBE] =	sst s1  }
0x7: {  	_ = 	snop  }
0x8: {  	(tm) =	ssettm $0x1  }
0x9: {  	s18 =	sld [smem:$0x3FFB];
	_ =	sdelay $0x3  }
0xa: {  	_ =	strace s18  }
0xb: {  	s1 =	sld [smem:$0x3FFC];
	_ =	sdelay $0x3  }
0xc: {  	_ =	strace s1  }
0xd: {  	s1 =	sld [smem:$0x3FFD];
	_ =	sdelay $0x3  }
0xe: {  	_ =	strace s1  }
0xf: {  	_ =	strace $0x8FFFFFFF  }
0x10: {  	s19 =	sld [smem:$0x3FDB];
	_ =	sdelay $0x1  }
0x11: {  	s20 =	simm.s32 $_scs_section_size  }
0x12: {  	s4 =	simm.s32 $_size__tile_overlayer_lowered;
	s5 =	simm.s32 $_tile_overlayer_lowered  }
0x13: {  	s23 =	simm.s32 $0x1BFF;
	s22 =	sshll.u32 s5, $0x1;
	s1 =	sadd.s32 s20, s19  }
0x14: {  	s6 =	simm.s32 $0x0;
	s21 =	sshll.u32 s4, $0x1;
	s4 =	sadd.s32 s22, s1  }
0x15: {  	[timem:s6], [sflag:s23] =	dma.local [hbm:s4], s21  }
0x16: {  	_ =	swait.ge [sflag:s23], s21  }
0x17: {  	s2 =	ssub.s32 $0x0, s21;
	[sflag:s23] =	ssyncset.done $0x0  }
0x18: {  	[sflag:s23] =	ssyncadd.s32 s2;
	_ =	sdelay $0x1  }
0x19: {  	s24 =	simm.s32 $0x1B8B  }
0x1a: {  	_ =	swait.ge [sflag:s24], $0x1  }
0x1b: {  	[sflag:s24] =	ssyncset.done $0x0  }
0x1c: {  	s26 =	simm.s32 $0x1B8E;
	s25 =	sld [smem:$0x3FFE];
	[sflag:s24] =	ssyncadd.s32 $0xFFFFFFFF  }
0x1d: {  	s27 =	simm.s32 $execute0_lowered;
	[smem:$0x3FD2] =	sst s26  }
0x1e: {  	s4 =	sshll.u32 s27, $0x1;
	_ =	strace $0x80000046;
	[dreg:$0x1] =	wrdreg $0xFFFFFFFF  }
0x1f: {  	s28 =	simm.s32 $_size_execute0_lowered;
	s1 =	sadd.s32 s1, s4;
	[dreg:$0x0] =	wrdreg $0x0  }
0x20: {  	s4 =	sshll.u32 s28, $0x1;
	[dreg:$0x2] =	wrdreg s1  }
0x21: {  	[dreg:$0x3] =	wrdreg s4  }
0x22: {  	[dreg:$0x4] =	wrdreg $0xC0  }
0x23: {  	_ =	task [dreg:s6], $0x5FFFF  }
0x24: {  	[dreg:$0x1] =	wrdreg $0xFFFFFFFF  }
0x25: {  	[dreg:$0x0] =	wrdreg $0x60  }
0x26: {  	[dreg:$0x2] =	wrdreg s25  }
0x27: {  	[dreg:$0x3] =	wrdreg $0x9  }
0x28: {  	_ =	task.clear_ibuf [dreg:s6], $0x4FFFF;
	_ =	strace $0x90000046  }
0x29: {  	s29 =	simm.s32 $0x9;
	_ =	strace $0x80000048  }
0x2a: {  	_ =	swait.ge [sflag:s29], $0x1  }
0x2b: {  	[sflag:s29] =	ssyncadd.s32 $0xFFFFFFFF  }
0x2c: {  	_ =	strace $0x90000048  }
0x2d: {  	_ =	sfence  }
0x2e: {  	s30 =	sld [smem:$0x0];
	_ =	sdelay $0x2  }
0x2f: {  	s31 =	sshll.u32 s3, $0xD;
	s3 =	sshrl.u32 s3, $0x2  }
0x30: {  	s2 =	sand.u32 $0x4000, s31;
	s1 =	sadd.s32 s3, s30  }
0x31: {  	s0 =	sor.u32 s2, s0;
	s1 =	sshll.u32 s1, $0x11  }
0x32: {  	s0 =	sor.u32 s1, s0  }
0x33: {  	s0 =	sadd.s32 $0x8F2B, s0  }
0x34: {  	[sflag:s0] =	ssyncadd.remote.s32 $0x1  }
0x35: {  	_ =	sfence.sel $0xFFFF  }
0x36: {  	[dreg:$0x0] =	wrdreg $0xFFFFFFFF;
	(pc) =	sbr.abs _section_cstart, $3  }
0x37: {  	[dreg:$0x1] =	wrdreg $0xFFFFFFFF  }
0x38: {  	_ =	task.clear_ibuf [dreg:s6], $0x2FFFF;
	_ =	strace $0x9FFFFFFF  }
0x39: {  	(tm) =	ssettm $0x7FFFFFFF  }
tec
execute0_lowered:
.L_overlay_start_1:
0x0: {  	(tag) =	ssettag $0x1  }
0x1: {  	s0 =	srdreg.scid  }
0x2: {  	s2 =	rddreg [dreg:$0x0];
	s7 =	simm.s32 $0x1;
	s1 =	sshll.u32 s0, $0x4  }
0x3: {  	s8 =	simm.s32 $0x2;
	s0 =	stileid.u32;
	s1 =	sand.u32 $0x10, s1  }
0x4: {  	s12 =	simm.s32 $0x0;
	s13 =	simm.s32 $0x0;
	s1 =	sor.u32 s0, s1  }
0x5: {  	s9 =	simm.s32 $0x0;
	s11 =	simm.s32 $0x0;
	s3 =	sshll.u32 s1, $0x7  }
0x6: {  	s4 =	sadd.s32 $0x140000, s2;
	s1 =	rddreg [dreg:$0x1];
	s6 =	ssub.s32 $0xA000, s3  }
.Ltmp0:
0x7: {  	_ =	strace $0x80000047;
	s5 =	sand.u32 $0xF80, s6;
	(pc) =	sbr.rel .LBB1_1-.Ltmp0, $4  }
0x8: {  	s10 =	smov.u32 s3;
	p0 =	sne.s32 s5, $0x0;
	s5 =	simm.s32 $0x1  }
0x9: {  	s6 =	sshrl.u32 s6, $0xC;
	s7 =	simm.s32 @!p0 $0x0;
	[sflag:s5] =	ssyncpa.u1 $0x0  }
0xa: {  	p0 =	por $0x0, $0x0;
	s7 =	sadd.s32 s7, s6;
	[sflag:s8] =	ssyncpa.u1 $0x0  }
0xb: {  	s8 =	simm.s32 $0x50000;
	s6 =	sshll.u32 s7, $0x1;
	s7 =	sshllo.u32 s7, $0x1  }
.LBB1_4:
0xc: {  	s19 =	sshrl.u32 s12, $0x3  }
0xd: {  	s20 =	sshll.u32 s13, $0x3;
	s24 =	sshll.u32 s12, $0x7;
	s19 =	smul.u32 $0x50000, s19  }
0xe: {  	v5 =	vld [tilespmem:s17+$0xFFFFFFD0];
	[tilespmem:s16+$0x2040 ss:$0x81] =	vst.msk $0xffff, v4;
	s25 =	sand.u32 $0x7F, s13;
	s20 =	sand.u32 $0xFFFFFC00, s20;
	s12 =	sand.u32 $0x380, s24  }
0xf: {  	v58 =	vld [tilespmem:s17+$0xFFFFFFE0];
	[tilespmem:s16+$0x2850 ss:$0x81] =	vst.msk $0xffff, v2;
	s12 =	sor.u32 s25, s12;
	s19 =	sadd.s32 s20, s19  }
0x10: {  	s26 =	sshra.s32 s18, $0x2;
	v59 =	vld [tilespmem:s17+$0xFFFFFFF0];
	[tilespmem:s16+$0x3060 ss:$0x81] =	vst.msk $0xffff, v3;
	s12 =	sor.u32 s19, s12  }
0x11: {  	v60 =	vld [tilespmem:s17+$0x0];
	[tilespmem:s16+$0x0 ss:$0x81] =	vst.msk $0xffff, v0;
	s13 =	sadd.s32 s26, s15;
	s27 =	smulhi.u32 $0xCCCCCCCD, s12  }
0x12: {  	v61 =	vld [tilespmem:s17+$0x10];
	[tilespmem:s13+$0x3870 ss:$0x81] =	vst.msk $0xffff, v1  }
0x13: {  	v62 =	vld [tilespmem:s17+$0x20];
	s28 =	smulhi.u32 $0xCCCCCCCD, s19;
	[tilespmem:s13+$0x810 ss:$0x81] =	vst.msk $0xffff, v5;
	s15 =	sshrl.u32 s27, $0xF  }
0x14: {  	v63 =	vld [tilespmem:s17+$0xFFFFFFC0];
	[tilespmem:s13+$0x1020 ss:$0x81] =	vst.msk $0xffff, v58;
	s15 =	smul.u32 $0xA000, s15  }
0x15: {  	[tilespmem:s13+$0x1830 ss:$0x81] =	vst.msk $0xffff, v59;
	s16 =	sshrl.u32 s28, $0xF  }
0x16: {  	[tilespmem:s13+$0x2040 ss:$0x81] =	vst.msk $0xffff, v60;
	s29 =	sand.u32 $0xFF, s16;
	s12 =	ssub.s32 s12, s15  }
0x17: {  	[tilespmem:s13+$0x2850 ss:$0x81] =	vst.msk $0xffff, v61;
	s15 =	smul.u32 $0x1400, s29;
	s30 =	sshrl.u32 s12, $0x3;
	s12 =	sand.u32 $0x7, s12  }
0x18: {  	[tilespmem:s13+$0x3060 ss:$0x81] =	vst.msk $0xffff, v62;
	s16 =	sadd.s32 s4, s30;
	s12 =	sshll.u32 s12, $0x12  }
0x19: {  	[tilespmem:s13+$0x0 ss:$0x81] =	vst.msk $0xffff, v63;
	s31 =	sadd.s32 s15, s16;
	s12 =	sor.u32 $0x400, s12  }
0x1a: {  	[hbm4b:s31+s12] =	stream.strided.scatter [tilespmem:s14], [sflag:$0x2], $0x4000, s8, s12, $0x20;
	[tilespmem:$0x10100] =	vst v63  }
.LBB1_5:
0x1b: {  	s14 =	sadd.s32 $0x80, s9  }
0x1c: {  	s12 =	sadd.s32 $0x1000, s10;
	s16 =	smov.u32 s10;
	p2 =	sgt.s32 s14, $0xFF  }
0x1d: {  	s16 =	smov.u32 @p2 s12  }
0x1e: {  	s14 =	simm.s32 @p2 $0x0;
	p2 =	sgt.s32 s16, $0x9FFF  }
0x1f: {  	s16 =	smov.u32 @p2 s3;
	p2 =	sne.s32 s11, s7  }
.Ltmp1:
0x20: {  	p1 =	slt.u32 s11, $0x2;
	(pc) =	sbr.rel @!p2 .LBB1_6-.Ltmp1, $4  }
0x21: {  	s15 =	simm.s32 @!p1 $0x2  }
0x22: {  	s13 =	smov.u32 s10;
	p0 =	por !p0, !p0;
	_ =	swait.ge @!p1 [sflag:s15], $0x4000  }
0x23: {  	s12 =	smov.u32 s9;
	[sflag:s15] =	ssyncset.done @!p1 $0x0;
	s9 =	smov.u32 s14  }
0x24: {  	s11 =	sadd.s32 $0x1, s11;
	[sflag:s15] =	ssyncadd.s32 @!p1 $0xFFFFC000;
	s10 =	smov.u32 s16  }
.LBB1_1:
0x25: {  	p1 =	sge.u32 s11, s6  }
0x26: {  	s14 =	sshll.u32 @!p1 s10, $0x8;
	s15 =	sshll.u32 @!p1 s9, $0x3  }
0x27: {  	s16 =	sshll.u32 @!p1 s10, $0x7;
	s14 =	sand.u32 @!p1 $0xFFFFF800, s14;
	s15 =	sand.u32 @!p1 $0xFFFFFC00, s15  }
0x28: {  	s14 =	sadd.s32 @!p1 s14, s15;
	s15 =	sand.u32 @!p1 $0x300, s16  }
0x29: {  	s14 =	sor.u32 @!p1 s15, s14  }
0x2a: {  	s14 =	sshrl.u32 @!p1 s14, $0x8  }
0x2b: {  	s15 =	smulhi.u32 @!p1 $0xCCCCCD, s14;
	_ =	sdelay $0x1  }
0x2c: {  	s17 =	sxor.u32 @!p1 $0xFFFFFFFF, s11;
	s18 =	sand.u32 @!p1 $0x78, s9;
	s15 =	sshrl.u32 @!p1 s15, $0x7  }
0x2d: {  	s17 =	sshll.u32 @!p1 s17, $0xE;
	s16 =	sand.u32 @!p1 $0x80, s16;
	s15 =	smul.u32 @!p1 $0xA000, s15  }
0x2e: {  	s31 =	sadd.s32 $0xFFFFFFFF, s11;
	s17 =	sand.u32 @!p1 $0x4000, s17;
	s16 =	sor.u32 @!p1 s18, s16  }
0x2f: {  	s14 =	ssub.s32 @!p1 s14, s15;
	s15 =	sshrl.u32 @!p1 s16, $0x3;
	s16 =	sand.u32 @!p1 $0x7, s9  }
0x30: {  	s14 =	sshll.u32 @!p1 s14, $0x5;
	s15 =	sadd.s32 @!p1 s2, s15;
	s16 =	sshll.u32 @!p1 s16, $0x12  }
0x31: {  	s14 =	sadd.s32 @!p1 s14, s15;
	s15 =	sor.u32 @!p1 $0x400, s16;
	s16 =	simm.s32 @!p1 $0x800  }
0x32: {  	[tilespmem:s17], [sflag:$0x1] =	stream.strided.gather @!p1 [hbm4b:s14+s15], $0x4000, s16, s15, $0x38;
	[tilespmem:$0x10100] =	vst v63  }
0x33: {  	p1 =	sge.u32 s31, s6  }
.Ltmp2:
0x34: {  	_ = 	snop;
	(pc) =	sbr.rel @p1 .LBB1_5-.Ltmp2, $1  }
0x35: {  	_ =	sdelay $0x3  }
0x36: {  	s14 =	simm.s32 $0x1  }
0x37: {  	_ =	swait.ge [sflag:s5], $0x4000;
	s14 =	simm.s32 @!p0 $0x0  }
0x38: {  	[sflag:s5] =	ssyncset.done $0x0;
	s15 =	sshll.u32 s14, $0xE  }
0x39: {  	[sflag:s5] =	ssyncadd.s32 $0xFFFFC000;
	s17 =	sor.u32 $0x40, s15  }
0x3a: {  	s14 =	smul.u32 $0x10200, s14;
	v0 =	vld [tilespmem:s17+$0x30]  }
0x3b: {  	v1 =	vld [tilespmem:s17+$0xFFFFFFD0]  }
0x3c: {  	s14 =	sshrl.u32 s14, $0x2;
	v5 =	vld [tilespmem:s17+$0xFFFFFFE0]  }
0x3d: {  	v6 =	vld [tilespmem:s17+$0xFFFFFFF0];
	s15 =	sor.u32 $0x8000, s14  }
0x3e: {  	s31 =	sand.u32 $0x1, s11;
	v4 =	vld [tilespmem:s17+$0x0];
	s16 =	sadd.s32 $0x0, s15  }
0x3f: {  	v2 =	vld [tilespmem:s17+$0x10];
	s14 =	smul.u32 $0x10200, s31;
	[tilespmem:s16+$0x3870 ss:$0x81] =	vst.msk $0xffff, v0  }
0x40: {  	v3 =	vld [tilespmem:s17+$0x20];
	[tilespmem:s16+$0x810 ss:$0x81] =	vst.msk $0xffff, v1  }
0x41: {  	s14 =	sshrl.u32 s14, $0x2;
	v0 =	vld [tilespmem:s17+$0xFFFFFFC0];
	[tilespmem:s16+$0x1020 ss:$0x81] =	vst.msk $0xffff, v5;
	s17 =	sadd.s32 $0x80, s17  }
0x42: {  	s18 =	simm.s32 $0x4;
	s19 =	simm.s32 $0x8;
	s14 =	sor.u32 $0x8000, s14;
	[tilespmem:s16+$0x1830 ss:$0x81] =	vst.msk $0xffff, v6;
	v1 =	vld [tilespmem:s17+$0x30]  }
.LBB1_3:
0x43: {  	p1 =	sne.s32 s19, $0x1FC;
	v5 =	vld [tilespmem:s17+$0xFFFFFFD0];
	[tilespmem:s16+$0x2040 ss:$0x81] =	vst.msk $0xffff, v4  }
0x44: {  	v6 =	vld [tilespmem:s17+$0xFFFFFFE0];
	[tilespmem:s16+$0x2850 ss:$0x81] =	vst.msk $0xffff, v2  }
0x45: {  	s20 =	sshra.s32 s18, $0x2;
	s18 =	smov.u32 s19;
	v7 =	vld [tilespmem:s17+$0xFFFFFFF0];
	[tilespmem:s16+$0x3060 ss:$0x81] =	vst.msk $0xffff, v3  }
.Ltmp3:
0x46: {  	v4 =	vld [tilespmem:s17+$0x0];
	[tilespmem:s16+$0x0 ss:$0x81] =	vst.msk $0xffff, v0;
	s16 =	sadd.s32 s20, s15;
	(pc) =	sbr.rel @p1 .LBB1_3-.Ltmp3, $4  }
0x47: {  	v2 =	vld [tilespmem:s17+$0x10];
	[tilespmem:s16+$0x3870 ss:$0x81] =	vst.msk $0xffff, v1  }
0x48: {  	[tilespmem:s16+$0x810 ss:$0x81] =	vst.msk $0xffff, v5;
	v3 =	vld [tilespmem:s17+$0x20]  }
0x49: {  	v0 =	vld [tilespmem:s17+$0xFFFFFFC0];
	[tilespmem:s16+$0x1020 ss:$0x81] =	vst.msk $0xffff, v6;
	s17 =	sadd.s32 $0x80, s17  }
0x4a: {  	s19 =	sadd.s32 $0x4, s19;
	v1 =	vld [tilespmem:s17+$0x30];
	[tilespmem:s16+$0x1830 ss:$0x81] =	vst.msk $0xffff, v7  }
.Ltmp4:
0x4b: {  	_ = 	snop;
	(pc) =	sbr.rel .LBB1_4-.Ltmp4, $1  }
0x4c: {  	_ =	sdelay $0x3  }
.LBB1_6:
0x4d: {  	_ =	sfence.sel $0x180000  }
0x4e: {  	s2 =	simm.s32 $0x1;
	[bflag:$0x0] =	sbarrier.arrive $0xFFFF  }
0x4f: {  	s31 =	simm.s32 $0x2;
	[sflag:s2] =	ssyncpa.u1 $0x1  }
0x50: {  	[sflag:s31] =	ssyncpa.u1 $0x1  }
0x51: {  	p0 =	sne.s32 s0, $0x0;
	_ =	strace $0x90000047  }
0x52: {  	s0 =	sadd.s32 @!p0 $0x100000, s1;
	[bflag:$0x2] =	sbarrier.arrive $0xFFFF  }
0x53: {  	[sflag:s0] =	ssyncadd.tile.s32 @!p0 $0x1;
	_ =	shalt  }
.Lfunc_end1:
_tile_overlayer_lowered:
.L_overlay_start_2:
0x54: {  	(tag) =	ssettag $0x2  }
0x55: {  	s0 =	rddreg [dreg:$0x0];
	s2 =	stileid.u32  }
0x56: {  	s1 =	rddreg [dreg:$0x1];
	p0 =	sne.s32 s2, $0x0  }
0x57: {  	s3 =	rddreg [dreg:$0x2];
	[bflag:$0x3] =	sbarrier.arrive $0xFFFF;
	s2 =	simm.s32 @!p0 $0x1C01  }
0x58: {  	[timem:s3], [sflag:s2] =	dma.local @!p0 [hbm:s0], s1  }
0x59: {  	s0 =	simm.s32 @!p0 $0x1  }
0x5a: {  	_ =	swait.ge @!p0 [sflag:s0], s1  }
0x5b: {  	s1 =	ssub.s32 @!p0 $0x0, s1;
	[sflag:s0] =	ssyncset.done @!p0 $0x0  }
0x5c: {  	[sflag:s0] =	ssyncadd.s32 @!p0 s1  }
0x5d: {  	[bflag:$0x3] =	sbarrier.arrive $0xFFFF  }
0x5e: {  	_ =	shalt  }

</sc_bundles>
